<compile_context>
chip_gen: v7x
topology: tpu7x:2x2x1
jax: 0.10.2.dev20260603
libtpu: 0.0.44.dev20260713+nightly
codegen_flags: <defaults>
</compile_context>

<pallas_src>
import jax
import jax.numpy as jnp
from jax import lax
from jax.experimental import pallas as pl
from jax.experimental.pallas import tpu as pltpu
from jax.experimental.pallas import tpu_sc as plsc

N = 10000
NPAD = 10240
E = 160000
EPAD = 163840
NW = 32
EPW = EPAD // NW
CH = 128
NCH = EPW // CH
RPS = NPAD // 16
RB = 2560
F_IN, F_HID, F_OUT = 300, 128, 64



def _make_sc_agg(F, with_deg):
    mesh = plsc.VectorSubcoreMesh(core_axis_name="c", subcore_axis_name="s")
    out_type = [jax.ShapeDtypeStruct((2, NPAD, F), jnp.float32)]
    scratch = [
        pltpu.VMEM_SHARED((NPAD, F), jnp.float32),
        pltpu.VMEM((NCH, CH), jnp.int32),
        pltpu.VMEM((NCH, CH), jnp.int32),
        pltpu.VMEM((CH, F), jnp.float32),
        pltpu.VMEM((CH, F), jnp.float32),
        pltpu.SemaphoreType.DMA,
        pltpu.SemaphoreType.DMA,
    ]
    if with_deg:
        out_type.append(jax.ShapeDtypeStruct((2, NPAD), jnp.float32))
        scratch += [
            pltpu.VMEM_SHARED((NPAD,), jnp.float32),
            pltpu.VMEM((CH,), jnp.float32),
        ]

    def body(*refs):
        if with_deg:
            (hn, edges, out_p, out_deg,
             acc_s, src_v, dst_v, rows0, rows1,
             semg0, semg1, deg_s, ones_v) = refs
        else:
            (hn, edges, out_p,
             acc_s, src_v, dst_v, rows0, rows1,
             semg0, semg1) = refs
        bufs = (rows0, rows1)
        gsems = (semg0, semg1)
        NB = 2
        c = lax.axis_index("c")
        s = lax.axis_index("s")
        wid = s * 2 + c
        base = s * RPS

        def gather(j, b):
            pltpu.async_copy(hn.at[src_v.at[j]], bufs[b], gsems[b])

        def wait_gather(j, b):
            pltpu.make_async_copy(hn.at[src_v.at[j]], bufs[b], gsems[b]).wait()

        def scatter(j, b):
            pltpu.sync_copy(bufs[b], acc_s.at[dst_v.at[j]], add=True)
            if with_deg:
                pltpu.sync_copy(ones_v, deg_s.at[dst_v.at[j]], add=True)

        pltpu.sync_copy(edges.at[0, wid], src_v)
        pltpu.sync_copy(edges.at[1, wid], dst_v)
        gather(0, 0)

        def zrow(j, carry):
            for k in range(F // 16):
                rows1[j, pl.ds(k * 16, 16)] = jnp.zeros((16,), jnp.float32)
            return carry
        lax.fori_loop(0, CH, zrow, 0)
        for m in range(RPS // CH):
            pltpu.sync_copy(rows1, acc_s.at[pl.ds(base + m * CH, CH)])
        if with_deg:
            for m in range(RPS // CH):
                pltpu.sync_copy(rows1.at[0], deg_s.at[pl.ds(base + m * CH, CH)])
            for i in range(CH // 16):
                ones_v[pl.ds(i * 16, 16)] = jnp.ones((16,), jnp.float32)
        plsc.subcore_barrier()
        gather(1, 1)

        def step(i, carry):
            j = i * NB
            for b in range(NB):
                wait_gather(j + b, b)
                scatter(j + b, b)
                gather(j + b + NB, b)
            return carry

        lax.fori_loop(0, NCH // NB - 1, step, 0)
        j = NCH - NB
        for b in range(NB):
            wait_gather(j + b, b)
            scatter(j + b, b)
        plsc.subcore_barrier()

        pltpu.sync_copy(acc_s.at[pl.ds(base, RPS)], out_p.at[c, pl.ds(base, RPS)])
        if with_deg:
            pltpu.sync_copy(deg_s.at[pl.ds(base, RPS)],
                            out_deg.at[c, pl.ds(base, RPS)])

    return pl.kernel(body, out_type=out_type, scratch_types=scratch, mesh=mesh)


_agg_hid_deg = _make_sc_agg(F_HID, True)
_agg_hid = _make_sc_agg(F_HID, False)



_T_DN = (((0,), (0,)), ((), ()))


def _mm_in_one(xt, w, b=None):
    def body(xt_ref, w_ref, *rest):
        if b is None:
            (o_ref,) = rest
            bias = 0.0
        else:
            b_ref, o_ref = rest
            bias = b_ref[...]
        o_ref[...] = lax.dot_general(
            xt_ref[...], w_ref[...], _T_DN,
            preferred_element_type=jnp.float32) + bias

    in_specs = [
        pl.BlockSpec((F_IN, RB), lambda i: (0, i)),
        pl.BlockSpec((F_IN, F_HID), lambda i: (0, 0)),
    ]
    args = [xt, w]
    if b is not None:
        in_specs.append(pl.BlockSpec((1, F_HID), lambda i: (0, 0)))
        args.append(b.reshape(1, F_HID))
    return pl.pallas_call(
        body,
        grid=(NPAD // RB,),
        in_specs=in_specs,
        out_specs=pl.BlockSpec((RB, F_HID), lambda i: (i, 0)),
        out_shape=jax.ShapeDtypeStruct((NPAD, F_HID), jnp.float32),
    )(*args)


def _combine_mm_one(hs, p, degp, w, fo, b=None):
    def body(hs_ref, p_ref, d_ref, w_ref, *rest):
        if b is None:
            (o_ref,) = rest
            bias = 0.0
        else:
            b_ref, o_ref = rest
            bias = b_ref[...]
        ps = p_ref[0] + p_ref[1]
        d = d_ref[0] + d_ref[1]
        inv = 1.0 / jnp.maximum(d, 1.0)
        h = jnp.maximum(hs_ref[...] + ps * inv[:, None], 0.0)
        o_ref[...] = jnp.dot(h, w_ref[...],
                             preferred_element_type=jnp.float32) + bias

    in_specs = [
        pl.BlockSpec((RB, F_HID), lambda i: (i, 0)),
        pl.BlockSpec((2, RB, F_HID), lambda i: (0, i, 0)),
        pl.BlockSpec((2, RB), lambda i: (0, i)),
        pl.BlockSpec((F_HID, fo), lambda i: (0, 0)),
    ]
    args = [hs, p, degp, w]
    if b is not None:
        in_specs.append(pl.BlockSpec((1, fo), lambda i: (0, 0)))
        args.append(b.reshape(1, fo))
    return pl.pallas_call(
        body,
        grid=(NPAD // RB,),
        in_specs=in_specs,
        out_specs=pl.BlockSpec((RB, fo), lambda i: (i, 0)),
        out_shape=jax.ShapeDtypeStruct((NPAD, fo), jnp.float32),
    )(*args)


def _final_body(hs_ref, p_ref, d_ref, o_ref):
    ps = p_ref[0, :, :F_OUT] + p_ref[1, :, :F_OUT]
    d = d_ref[0] + d_ref[1]
    res = hs_ref[...] + ps * (1.0 / jnp.maximum(d, 1.0))[:, None]
    o_ref[...] = res.T


def _final(hs, p, degp):
    return pl.pallas_call(
        _final_body,
        grid=(NPAD // RB,),
        in_specs=[
            pl.BlockSpec((RB, F_OUT), lambda i: (i, 0)),
            pl.BlockSpec((2, RB, F_HID), lambda i: (0, i, 0)),
            pl.BlockSpec((2, RB), lambda i: (0, i)),
        ],
        out_specs=pl.BlockSpec((F_OUT, RB), lambda i: (0, i)),
        out_shape=jax.ShapeDtypeStruct((F_OUT, N), jnp.float32),
    )(hs, p, degp)



def kernel(x, edge_index, W_self_0, W_neigh_0, b_0, W_self_1, W_neigh_1, b_1,
           W_self_2, W_neigh_2, b_2):
    xt = x.reshape(-1, F_IN).T
    fill = (jnp.arange(EPAD - E, dtype=jnp.int32) % (NPAD - N)) + N
    fill2 = jnp.broadcast_to(fill, (2, EPAD - E))
    edges = jnp.concatenate([edge_index.astype(jnp.int32), fill2],
                            axis=1).reshape(2, NW, NCH, CH)
    wn2 = jnp.pad(W_neigh_2, ((0, 0), (0, F_HID - F_OUT)))

    hn0 = _mm_in_one(xt, W_neigh_0)
    p0, degp = _agg_hid_deg(hn0, edges)
    hs0 = _mm_in_one(xt, W_self_0, b_0)
    hn1 = _combine_mm_one(hs0, p0, degp, W_neigh_1, F_HID)
    (p1,) = _agg_hid(hn1, edges)
    hs1 = _combine_mm_one(hs0, p0, degp, W_self_1, F_HID, b_1)
    hn2 = _combine_mm_one(hs1, p1, degp, wn2, F_HID)
    (p2,) = _agg_hid(hn2, edges)
    hs2 = _combine_mm_one(hs1, p1, degp, W_self_2, F_OUT, b_2)
    out_t = _final(hs2, p2, degp)
    return out_t.T

# --- scband reference (transcript-rebuilt; emitter-appended) ---
"""Pipeline reference for scband-sage-3607772529096 (READ-ONLY COPY).

The authoritative reference and input builder live on the scoring server;
editing this copy changes nothing except your own understanding.
"""

import jax, jax.numpy as jnp
import numpy as np

N_NODES = 10000
N_EDGES = 160000
IN_FEATS, N_HIDDEN, N_CLASSES = 300, 128, 64


def _sage_layer(x, src, dst, W_self, W_neigh, b):
    # DGL SAGEConv 'mean': h = fc_self(h_self) + fc_neigh(mean_{u in N(v)} h_u) + bias
    msg = jnp.take(x, src, axis=0)
    agg = jax.ops.segment_sum(msg, dst, num_segments=N_NODES)
    deg = jax.ops.segment_sum(jnp.ones((src.shape[0],), dtype=x.dtype), dst, num_segments=N_NODES)
    h_neigh = agg / jnp.maximum(deg, 1.0)[:, None]
    return x @ W_self + h_neigh @ W_neigh + b


def setup_inputs(seed: int = 0) -> dict:
    key = jax.random.key(seed)
    ks = jax.random.split(key, 12)
    x = jax.random.normal(ks[0], (N_NODES, IN_FEATS), dtype=jnp.float32)
    edge_index = jax.random.randint(ks[1], (2, N_EDGES), 0, N_NODES, dtype=jnp.int32)
    dims = [(IN_FEATS, N_HIDDEN), (N_HIDDEN, N_HIDDEN), (N_HIDDEN, N_CLASSES)]
    inp = {"x": x, "edge_index": edge_index}
    for i, (din, dout) in enumerate(dims):
        s = 1.0 / np.sqrt(din)
        inp[f"W_self_{i}"] = jax.random.normal(ks[2 + 3 * i], (din, dout), dtype=jnp.float32) * s
        inp[f"W_neigh_{i}"] = jax.random.normal(ks[3 + 3 * i], (din, dout), dtype=jnp.float32) * s
        inp[f"b_{i}"] = jnp.zeros((dout,), dtype=jnp.float32)
    return inp


def reference(x, edge_index, W_self_0, W_neigh_0, b_0, W_self_1, W_neigh_1, b_1, W_self_2, W_neigh_2, b_2):
    # inputs.reshape(-1, 300); dropout is identity in eval mode
    h = x.reshape(-1, IN_FEATS)
    src, dst = edge_index[0], edge_index[1]
    params = [(W_self_0, W_neigh_0, b_0), (W_self_1, W_neigh_1, b_1), (W_self_2, W_neigh_2, b_2)]
    for l, (Ws, Wn, b) in enumerate(params):
        h = _sage_layer(h, src, dst, Ws, Wn, b)
        if l != len(params) - 1:
            h = jax.nn.relu(h)
    return h

if __name__ == "__main__":
    import jax
    _d = setup_inputs()
    print(jax.jit(kernel)(*tuple(_d.values())))

</pallas_src>

<mosaic_0001>
#map = affine_map<(d0, d1) -> (0, 0)>
#map1 = affine_map<(d0, d1) -> (0, 0, 0, 0)>
#map2 = affine_map<(d0, d1) -> (0, 0, 0)>
module attributes {stable_mosaic.version = 14 : i64} {
  func.func @body(%arg0: i32, %arg1: i32, %arg2: memref<10240x128xf32, #tpu.memory_space<hbm>>, %arg3: memref<2x32x40x128xi32, #tpu.memory_space<hbm>>, %arg4: memref<2x10240x128xf32, #tpu.memory_space<hbm>>, %arg5: memref<10240x128xf32, #tpu.memory_space<vmem_shared>>, %arg6: memref<40x128xi32, #tpu.memory_space<vmem>>, %arg7: memref<40x128xi32, #tpu.memory_space<vmem>>, %arg8: memref<128x128xf32, #tpu.memory_space<vmem>>, %arg9: memref<128x128xf32, #tpu.memory_space<vmem>>, %arg10: memref<!tpu.dma_semaphore, #tpu.memory_space<semaphore_mem>>, %arg11: memref<!tpu.dma_semaphore, #tpu.memory_space<semaphore_mem>>) attributes {dimension_semantics = [#tpu.dimension_semantics<core_parallel>, #tpu.dimension_semantics<subcore_parallel>], iteration_bounds = array<i64: 2, 16>, scalar_prefetch = 0 : i64, scratch_operands = 7 : i64, tpu.core_type = #tpu.core_type<sc_vector_subcore>, window_params = [{transform_indices = #map}, {transform_indices = #map1}, {transform_indices = #map2}]} {
    %mul3A = arith.constant 2 : i32
    %mul3A_0 = arith.muli %arg1, %mul3A : i32
    %add3A = arith.addi %mul3A_0, %arg0 : i32
    %mul3A_1 = arith.constant 640 : i32
    %mul3A_2 = arith.muli %arg1, %mul3A_1 : i32
    %run_scoped3A = arith.constant 0 : i32
    "tpu.region"() ({
      %run_scoped3A_54 = tpu.sem_alloc : memref<!tpu.dma_semaphore, #tpu.memory_space<semaphore_mem>>
      %dma_start3A_55 = arith.constant 0 : i32
      %dma_start3A_56 = arith.constant 0 : i32
      %dma_start3A_57 = tpu.memref_slice %arg3[%run_scoped3A, %add3A, %dma_start3A_55, %dma_start3A_56] : memref<2x32x40x128xi32, #tpu.memory_space<hbm>> -> memref<1x1x40x128xi32, #tpu.memory_space<hbm>>
      %dma_start3A_58 = tpu.memref_squeeze %dma_start3A_57 : memref<1x1x40x128xi32, #tpu.memory_space<hbm>> -> memref<40x128xi32, #tpu.memory_space<hbm>>
      %dma_start3A_59 = arith.constant 0 : i32
      %dma_start3A_60 = arith.constant 0 : i32
      %dma_start3A_61 = tpu.memref_slice %arg3[%run_scoped3A, %add3A, %dma_start3A_59, %dma_start3A_60] : memref<2x32x40x128xi32, #tpu.memory_space<hbm>> -> memref<1x1x40x128xi32, #tpu.memory_space<hbm>>
      %dma_start3A_62 = tpu.memref_squeeze %dma_start3A_61 : memref<1x1x40x128xi32, #tpu.memory_space<hbm>> -> memref<40x128xi32, #tpu.memory_space<hbm>>
      tpu.enqueue_dma source(%dma_start3A_62 : memref<40x128xi32, #tpu.memory_space<hbm>>) target(%arg6 : memref<40x128xi32, #tpu.memory_space<vmem>>) target_semaphore(%run_scoped3A_54 : memref<!tpu.dma_semaphore, #tpu.memory_space<semaphore_mem>>)
      %dma_wait3A_63 = arith.constant 0 : i32
      %dma_wait3A_64 = arith.constant 0 : i32
      %dma_wait3A_65 = tpu.memref_slice %arg3[%run_scoped3A, %add3A, %dma_wait3A_63, %dma_wait3A_64] : memref<2x32x40x128xi32, #tpu.memory_space<hbm>> -> memref<1x1x40x128xi32, #tpu.memory_space<hbm>>
      %dma_wait3A_66 = tpu.memref_squeeze %dma_wait3A_65 : memref<1x1x40x128xi32, #tpu.memory_space<hbm>> -> memref<40x128xi32, #tpu.memory_space<hbm>>
      %dma_wait3A_67 = arith.constant 0 : i32
      %dma_wait3A_68 = arith.constant 0 : i32
      %dma_wait3A_69 = tpu.memref_slice %arg3[%run_scoped3A, %add3A, %dma_wait3A_67, %dma_wait3A_68] : memref<2x32x40x128xi32, #tpu.memory_space<hbm>> -> memref<1x1x40x128xi32, #tpu.memory_space<hbm>>
      %dma_wait3A_70 = tpu.memref_squeeze %dma_wait3A_69 : memref<1x1x40x128xi32, #tpu.memory_space<hbm>> -> memref<40x128xi32, #tpu.memory_space<hbm>>
      tpu.wait_dma2 semaphore(%run_scoped3A_54 : memref<!tpu.dma_semaphore, #tpu.memory_space<semaphore_mem>>) src(%dma_wait3A_70 : memref<40x128xi32, #tpu.memory_space<hbm>>) dst(%arg6 : memref<40x128xi32, #tpu.memory_space<vmem>>)
      tpu.yield
    }) : () -> ()
    %run_scoped3A_3 = arith.constant 1 : i32
    "tpu.region"() ({
      %run_scoped3A_54 = tpu.sem_alloc : memref<!tpu.dma_semaphore, #tpu.memory_space<semaphore_mem>>
      %dma_start3A_55 = arith.constant 0 : i32
      %dma_start3A_56 = arith.constant 0 : i32
      %dma_start3A_57 = tpu.memref_slice %arg3[%run_scoped3A_3, %add3A, %dma_start3A_55, %dma_start3A_56] : memref<2x32x40x128xi32, #tpu.memory_space<hbm>> -> memref<1x1x40x128xi32, #tpu.memory_space<hbm>>
      %dma_start3A_58 = tpu.memref_squeeze %dma_start3A_57 : memref<1x1x40x128xi32, #tpu.memory_space<hbm>> -> memref<40x128xi32, #tpu.memory_space<hbm>>
      %dma_start3A_59 = arith.constant 0 : i32
      %dma_start3A_60 = arith.constant 0 : i32
      %dma_start3A_61 = tpu.memref_slice %arg3[%run_scoped3A_3, %add3A, %dma_start3A_59, %dma_start3A_60] : memref<2x32x40x128xi32, #tpu.memory_space<hbm>> -> memref<1x1x40x128xi32, #tpu.memory_space<hbm>>
      %dma_start3A_62 = tpu.memref_squeeze %dma_start3A_61 : memref<1x1x40x128xi32, #tpu.memory_space<hbm>> -> memref<40x128xi32, #tpu.memory_space<hbm>>
      tpu.enqueue_dma source(%dma_start3A_62 : memref<40x128xi32, #tpu.memory_space<hbm>>) target(%arg7 : memref<40x128xi32, #tpu.memory_space<vmem>>) target_semaphore(%run_scoped3A_54 : memref<!tpu.dma_semaphore, #tpu.memory_space<semaphore_mem>>)
      %dma_wait3A_63 = arith.constant 0 : i32
      %dma_wait3A_64 = arith.constant 0 : i32
      %dma_wait3A_65 = tpu.memref_slice %arg3[%run_scoped3A_3, %add3A, %dma_wait3A_63, %dma_wait3A_64] : memref<2x32x40x128xi32, #tpu.memory_space<hbm>> -> memref<1x1x40x128xi32, #tpu.memory_space<hbm>>
      %dma_wait3A_66 = tpu.memref_squeeze %dma_wait3A_65 : memref<1x1x40x128xi32, #tpu.memory_space<hbm>> -> memref<40x128xi32, #tpu.memory_space<hbm>>
      %dma_wait3A_67 = arith.constant 0 : i32
      %dma_wait3A_68 = arith.constant 0 : i32
      %dma_wait3A_69 = tpu.memref_slice %arg3[%run_scoped3A_3, %add3A, %dma_wait3A_67, %dma_wait3A_68] : memref<2x32x40x128xi32, #tpu.memory_space<hbm>> -> memref<1x1x40x128xi32, #tpu.memory_space<hbm>>
      %dma_wait3A_70 = tpu.memref_squeeze %dma_wait3A_69 : memref<1x1x40x128xi32, #tpu.memory_space<hbm>> -> memref<40x128xi32, #tpu.memory_space<hbm>>
      tpu.wait_dma2 semaphore(%run_scoped3A_54 : memref<!tpu.dma_semaphore, #tpu.memory_space<semaphore_mem>>) src(%dma_wait3A_70 : memref<40x128xi32, #tpu.memory_space<hbm>>) dst(%arg7 : memref<40x128xi32, #tpu.memory_space<vmem>>)
      tpu.yield
    }) : () -> ()
    %dma_start3A = arith.constant 0 : i32
    %dma_start3A_4 = arith.constant 0 : i32
    %dma_start3A_5 = tpu.memref_slice %arg6[%dma_start3A, %dma_start3A_4] : memref<40x128xi32, #tpu.memory_space<vmem>> -> memref<1x128xi32, #tpu.memory_space<vmem>>
    %dma_start3A_6 = tpu.memref_squeeze %dma_start3A_5 : memref<1x128xi32, #tpu.memory_space<vmem>> -> memref<128xi32, #tpu.memory_space<vmem>>
    %dma_start3A_7 = arith.constant 0 : i32
    %dma_start3A_8 = arith.constant 0 : i32
    %dma_start3A_9 = tpu.memref_slice %arg2[%dma_start3A_7, %dma_start3A_8] : memref<10240x128xf32, #tpu.memory_space<hbm>> -> memref<10240x128xf32, #tpu.memory_space<hbm>>
    tpu.enqueue_indirect_dma source(%dma_start3A_9 : memref<10240x128xf32, #tpu.memory_space<hbm>>) target(%arg8 : memref<128x128xf32, #tpu.memory_space<vmem>>) offsets(%dma_start3A_6 : memref<128xi32, #tpu.memory_space<vmem>>) semaphore(%arg10 : memref<!tpu.dma_semaphore, #tpu.memory_space<semaphore_mem>>)
    %scan3A = arith.constant 0 : i32
    %scan3A_10 = arith.constant 0 : i32
    %scan3A_11 = arith.constant 128 : i32
    %scan3A_12 = arith.addi %scan3A_10, %scan3A_11 : i32
    %scan3A_13 = arith.constant 1 : i32
    scf.for %scan3A_54 = %scan3A_10 to %scan3A_12 step %scan3A_13  : i32 {
      %broadcast_in_dim3A = arith.constant 0.000000e+00 : f32
      %broadcast_in_dim3A_55 = vector.broadcast %broadcast_in_dim3A : f32 to vector<16xf32>
      %swap3A = arith.index_cast %scan3A_54 : i32 to index
      %swap3A_56 = arith.constant 0 : index
      %swap3A_57 = tpu.vector_load %arg9[%swap3A, %swap3A_56] {strides = array<i32>} : memref<128x128xf32, #tpu.memory_space<vmem>>, vector<1x16xf32>,
      %swap3A_58 = vector.shape_cast %swap3A_57 : vector<1x16xf32> to vector<16xf32>
      %swap3A_59 = vector.shape_cast %broadcast_in_dim3A_55 : vector<16xf32> to vector<1x16xf32>
      tpu.vector_store %arg9[%swap3A, %swap3A_56], %swap3A_59 {strides = array<i32>} : memref<128x128xf32, #tpu.memory_space<vmem>>, vector<1x16xf32>,
      %broadcast_in_dim3A_60 = arith.constant 0.000000e+00 : f32
      %broadcast_in_dim3A_61 = vector.broadcast %broadcast_in_dim3A_60 : f32 to vector<16xf32>
      %swap3A_62 = arith.index_cast %scan3A_54 : i32 to index
      %swap3A_63 = arith.constant 16 : index
      %swap3A_64 = tpu.vector_load %arg9[%swap3A_62, %swap3A_63] {strides = array<i32>} : memref<128x128xf32, #tpu.memory_space<vmem>>, vector<1x16xf32>,
      %swap3A_65 = vector.shape_cast %swap3A_64 : vector<1x16xf32> to vector<16xf32>
      %swap3A_66 = vector.shape_cast %broadcast_in_dim3A_61 : vector<16xf32> to vector<1x16xf32>
      tpu.vector_store %arg9[%swap3A_62, %swap3A_63], %swap3A_66 {strides = array<i32>} : memref<128x128xf32, #tpu.memory_space<vmem>>, vector<1x16xf32>,
      %broadcast_in_dim3A_67 = arith.constant 0.000000e+00 : f32
      %broadcast_in_dim3A_68 = vector.broadcast %broadcast_in_dim3A_67 : f32 to vector<16xf32>
      %swap3A_69 = arith.index_cast %scan3A_54 : i32 to index
      %swap3A_70 = arith.constant 32 : index
      %swap3A_71 = tpu.vector_load %arg9[%swap3A_69, %swap3A_70] {strides = array<i32>} : memref<128x128xf32, #tpu.memory_space<vmem>>, vector<1x16xf32>,
      %swap3A_72 = vector.shape_cast %swap3A_71 : vector<1x16xf32> to vector<16xf32>
      %swap3A_73 = vector.shape_cast %broadcast_in_dim3A_68 : vector<16xf32> to vector<1x16xf32>
      tpu.vector_store %arg9[%swap3A_69, %swap3A_70], %swap3A_73 {strides = array<i32>} : memref<128x128xf32, #tpu.memory_space<vmem>>, vector<1x16xf32>,
      %broadcast_in_dim3A_74 = arith.constant 0.000000e+00 : f32
      %broadcast_in_dim3A_75 = vector.broadcast %broadcast_in_dim3A_74 : f32 to vector<16xf32>
      %swap3A_76 = arith.index_cast %scan3A_54 : i32 to index
      %swap3A_77 = arith.constant 48 : index
      %swap3A_78 = tpu.vector_load %arg9[%swap3A_76, %swap3A_77] {strides = array<i32>} : memref<128x128xf32, #tpu.memory_space<vmem>>, vector<1x16xf32>,
      %swap3A_79 = vector.shape_cast %swap3A_78 : vector<1x16xf32> to vector<16xf32>
      %swap3A_80 = vector.shape_cast %broadcast_in_dim3A_75 : vector<16xf32> to vector<1x16xf32>
      tpu.vector_store %arg9[%swap3A_76, %swap3A_77], %swap3A_80 {strides = array<i32>} : memref<128x128xf32, #tpu.memory_space<vmem>>, vector<1x16xf32>,
      %broadcast_in_dim3A_81 = arith.constant 0.000000e+00 : f32
      %broadcast_in_dim3A_82 = vector.broadcast %broadcast_in_dim3A_81 : f32 to vector<16xf32>
      %swap3A_83 = arith.index_cast %scan3A_54 : i32 to index
      %swap3A_84 = arith.constant 64 : index
      %swap3A_85 = tpu.vector_load %arg9[%swap3A_83, %swap3A_84] {strides = array<i32>} : memref<128x128xf32, #tpu.memory_space<vmem>>, vector<1x16xf32>,
      %swap3A_86 = vector.shape_cast %swap3A_85 : vector<1x16xf32> to vector<16xf32>
      %swap3A_87 = vector.shape_cast %broadcast_in_dim3A_82 : vector<16xf32> to vector<1x16xf32>
      tpu.vector_store %arg9[%swap3A_83, %swap3A_84], %swap3A_87 {strides = array<i32>} : memref<128x128xf32, #tpu.memory_space<vmem>>, vector<1x16xf32>,
      %broadcast_in_dim3A_88 = arith.constant 0.000000e+00 : f32
      %broadcast_in_dim3A_89 = vector.broadcast %broadcast_in_dim3A_88 : f32 to vector<16xf32>
      %swap3A_90 = arith.index_cast %scan3A_54 : i32 to index
      %swap3A_91 = arith.constant 80 : index
      %swap3A_92 = tpu.vector_load %arg9[%swap3A_90, %swap3A_91] {strides = array<i32>} : memref<128x128xf32, #tpu.memory_space<vmem>>, vector<1x16xf32>,
      %swap3A_93 = vector.shape_cast %swap3A_92 : vector<1x16xf32> to vector<16xf32>
      %swap3A_94 = vector.shape_cast %broadcast_in_dim3A_89 : vector<16xf32> to vector<1x16xf32>
      tpu.vector_store %arg9[%swap3A_90, %swap3A_91], %swap3A_94 {strides = array<i32>} : memref<128x128xf32, #tpu.memory_space<vmem>>, vector<1x16xf32>,
      %broadcast_in_dim3A_95 = arith.constant 0.000000e+00 : f32
      %broadcast_in_dim3A_96 = vector.broadcast %broadcast_in_dim3A_95 : f32 to vector<16xf32>
      %swap3A_97 = arith.index_cast %scan3A_54 : i32 to index
      %swap3A_98 = arith.constant 96 : index
      %swap3A_99 = tpu.vector_load %arg9[%swap3A_97, %swap3A_98] {strides = array<i32>} : memref<128x128xf32, #tpu.memory_space<vmem>>, vector<1x16xf32>,
      %swap3A_100 = vector.shape_cast %swap3A_99 : vector<1x16xf32> to vector<16xf32>
      %swap3A_101 = vector.shape_cast %broadcast_in_dim3A_96 : vector<16xf32> to vector<1x16xf32>
      tpu.vector_store %arg9[%swap3A_97, %swap3A_98], %swap3A_101 {strides = array<i32>} : memref<128x128xf32, #tpu.memory_space<vmem>>, vector<1x16xf32>,
      %broadcast_in_dim3A_102 = arith.constant 0.000000e+00 : f32
      %broadcast_in_dim3A_103 = vector.broadcast %broadcast_in_dim3A_102 : f32 to vector<16xf32>
      %swap3A_104 = arith.index_cast %scan3A_54 : i32 to index
      %swap3A_105 = arith.constant 112 : index
      %swap3A_106 = tpu.vector_load %arg9[%swap3A_104, %swap3A_105] {strides = array<i32>} : memref<128x128xf32, #tpu.memory_space<vmem>>, vector<1x16xf32>,
      %swap3A_107 = vector.shape_cast %swap3A_106 : vector<1x16xf32> to vector<16xf32>
      %swap3A_108 = vector.shape_cast %broadcast_in_dim3A_103 : vector<16xf32> to vector<1x16xf32>
      tpu.vector_store %arg9[%swap3A_104, %swap3A_105], %swap3A_108 {strides = array<i32>} : memref<128x128xf32, #tpu.memory_space<vmem>>, vector<1x16xf32>,
    }
    %scan3A_14 = arith.constant 128 : i32
    %add3A_15 = arith.constant 0 : i32
    %add3A_16 = arith.addi %mul3A_2, %add3A_15 : i32
    "tpu.region"() ({
      %run_scoped3A_54 = tpu.sem_alloc : memref<!tpu.dma_semaphore, #tpu.memory_space<semaphore_mem>>
      %dma_start3A_55 = arith.constant 0 : i32
      %dma_start3A_56 = tpu.memref_slice %arg5[%add3A_16, %dma_start3A_55] : memref<10240x128xf32, #tpu.memory_space<vmem_shared>> -> memref<128x128xf32, #tpu.memory_space<vmem_shared>>
      %dma_start3A_57 = arith.constant 0 : i32
      %dma_start3A_58 = tpu.memref_slice %arg5[%add3A_16, %dma_start3A_57] : memref<10240x128xf32, #tpu.memory_space<vmem_shared>> -> memref<128x128xf32, #tpu.memory_space<vmem_shared>>
      tpu.enqueue_dma source(%arg9 : memref<128x128xf32, #tpu.memory_space<vmem>>) target(%dma_start3A_58 : memref<128x128xf32, #tpu.memory_space<vmem_shared>>) target_semaphore(%run_scoped3A_54 : memref<!tpu.dma_semaphore, #tpu.memory_space<semaphore_mem>>)
      %dma_wait3A_59 = arith.constant 0 : i32
      %dma_wait3A_60 = tpu.memref_slice %arg5[%add3A_16, %dma_wait3A_59] : memref<10240x128xf32, #tpu.memory_space<vmem_shared>> -> memref<128x128xf32, #tpu.memory_space<vmem_shared>>
      %dma_wait3A_61 = arith.constant 0 : i32
      %dma_wait3A_62 = tpu.memref_slice %arg5[%add3A_16, %dma_wait3A_61] : memref<10240x128xf32, #tpu.memory_space<vmem_shared>> -> memref<128x128xf32, #tpu.memory_space<vmem_shared>>
      tpu.wait_dma2 semaphore(%run_scoped3A_54 : memref<!tpu.dma_semaphore, #tpu.memory_space<semaphore_mem>>) src(%arg9 : memref<128x128xf32, #tpu.memory_space<vmem>>) dst(%dma_wait3A_62 : memref<128x128xf32, #tpu.memory_space<vmem_shared>>)
      tpu.yield
    }) : () -> ()
    %add3A_17 = arith.constant 128 : i32
    %add3A_18 = arith.addi %mul3A_2, %add3A_17 : i32
    "tpu.region"() ({
      %run_scoped3A_54 = tpu.sem_alloc : memref<!tpu.dma_semaphore, #tpu.memory_space<semaphore_mem>>
      %dma_start3A_55 = arith.constant 0 : i32
      %dma_start3A_56 = tpu.memref_slice %arg5[%add3A_18, %dma_start3A_55] : memref<10240x128xf32, #tpu.memory_space<vmem_shared>> -> memref<128x128xf32, #tpu.memory_space<vmem_shared>>
      %dma_start3A_57 = arith.constant 0 : i32
      %dma_start3A_58 = tpu.memref_slice %arg5[%add3A_18, %dma_start3A_57] : memref<10240x128xf32, #tpu.memory_space<vmem_shared>> -> memref<128x128xf32, #tpu.memory_space<vmem_shared>>
      tpu.enqueue_dma source(%arg9 : memref<128x128xf32, #tpu.memory_space<vmem>>) target(%dma_start3A_58 : memref<128x128xf32, #tpu.memory_space<vmem_shared>>) target_semaphore(%run_scoped3A_54 : memref<!tpu.dma_semaphore, #tpu.memory_space<semaphore_mem>>)
      %dma_wait3A_59 = arith.constant 0 : i32
      %dma_wait3A_60 = tpu.memref_slice %arg5[%add3A_18, %dma_wait3A_59] : memref<10240x128xf32, #tpu.memory_space<vmem_shared>> -> memref<128x128xf32, #tpu.memory_space<vmem_shared>>
      %dma_wait3A_61 = arith.constant 0 : i32
      %dma_wait3A_62 = tpu.memref_slice %arg5[%add3A_18, %dma_wait3A_61] : memref<10240x128xf32, #tpu.memory_space<vmem_shared>> -> memref<128x128xf32, #tpu.memory_space<vmem_shared>>
      tpu.wait_dma2 semaphore(%run_scoped3A_54 : memref<!tpu.dma_semaphore, #tpu.memory_space<semaphore_mem>>) src(%arg9 : memref<128x128xf32, #tpu.memory_space<vmem>>) dst(%dma_wait3A_62 : memref<128x128xf32, #tpu.memory_space<vmem_shared>>)
      tpu.yield
    }) : () -> ()
    %add3A_19 = arith.constant 256 : i32
    %add3A_20 = arith.addi %mul3A_2, %add3A_19 : i32
    "tpu.region"() ({
      %run_scoped3A_54 = tpu.sem_alloc : memref<!tpu.dma_semaphore, #tpu.memory_space<semaphore_mem>>
      %dma_start3A_55 = arith.constant 0 : i32
      %dma_start3A_56 = tpu.memref_slice %arg5[%add3A_20, %dma_start3A_55] : memref<10240x128xf32, #tpu.memory_space<vmem_shared>> -> memref<128x128xf32, #tpu.memory_space<vmem_shared>>
      %dma_start3A_57 = arith.constant 0 : i32
      %dma_start3A_58 = tpu.memref_slice %arg5[%add3A_20, %dma_start3A_57] : memref<10240x128xf32, #tpu.memory_space<vmem_shared>> -> memref<128x128xf32, #tpu.memory_space<vmem_shared>>
      tpu.enqueue_dma source(%arg9 : memref<128x128xf32, #tpu.memory_space<vmem>>) target(%dma_start3A_58 : memref<128x128xf32, #tpu.memory_space<vmem_shared>>) target_semaphore(%run_scoped3A_54 : memref<!tpu.dma_semaphore, #tpu.memory_space<semaphore_mem>>)
      %dma_wait3A_59 = arith.constant 0 : i32
      %dma_wait3A_60 = tpu.memref_slice %arg5[%add3A_20, %dma_wait3A_59] : memref<10240x128xf32, #tpu.memory_space<vmem_shared>> -> memref<128x128xf32, #tpu.memory_space<vmem_shared>>
      %dma_wait3A_61 = arith.constant 0 : i32
      %dma_wait3A_62 = tpu.memref_slice %arg5[%add3A_20, %dma_wait3A_61] : memref<10240x128xf32, #tpu.memory_space<vmem_shared>> -> memref<128x128xf32, #tpu.memory_space<vmem_shared>>
      tpu.wait_dma2 semaphore(%run_scoped3A_54 : memref<!tpu.dma_semaphore, #tpu.memory_space<semaphore_mem>>) src(%arg9 : memref<128x128xf32, #tpu.memory_space<vmem>>) dst(%dma_wait3A_62 : memref<128x128xf32, #tpu.memory_space<vmem_shared>>)
      tpu.yield
    }) : () -> ()
    %add3A_21 = arith.constant 384 : i32
    %add3A_22 = arith.addi %mul3A_2, %add3A_21 : i32
    "tpu.region"() ({
      %run_scoped3A_54 = tpu.sem_alloc : memref<!tpu.dma_semaphore, #tpu.memory_space<semaphore_mem>>
      %dma_start3A_55 = arith.constant 0 : i32
      %dma_start3A_56 = tpu.memref_slice %arg5[%add3A_22, %dma_start3A_55] : memref<10240x128xf32, #tpu.memory_space<vmem_shared>> -> memref<128x128xf32, #tpu.memory_space<vmem_shared>>
      %dma_start3A_57 = arith.constant 0 : i32
      %dma_start3A_58 = tpu.memref_slice %arg5[%add3A_22, %dma_start3A_57] : memref<10240x128xf32, #tpu.memory_space<vmem_shared>> -> memref<128x128xf32, #tpu.memory_space<vmem_shared>>
      tpu.enqueue_dma source(%arg9 : memref<128x128xf32, #tpu.memory_space<vmem>>) target(%dma_start3A_58 : memref<128x128xf32, #tpu.memory_space<vmem_shared>>) target_semaphore(%run_scoped3A_54 : memref<!tpu.dma_semaphore, #tpu.memory_space<semaphore_mem>>)
      %dma_wait3A_59 = arith.constant 0 : i32
      %dma_wait3A_60 = tpu.memref_slice %arg5[%add3A_22, %dma_wait3A_59] : memref<10240x128xf32, #tpu.memory_space<vmem_shared>> -> memref<128x128xf32, #tpu.memory_space<vmem_shared>>
      %dma_wait3A_61 = arith.constant 0 : i32
      %dma_wait3A_62 = tpu.memref_slice %arg5[%add3A_22, %dma_wait3A_61] : memref<10240x128xf32, #tpu.memory_space<vmem_shared>> -> memref<128x128xf32, #tpu.memory_space<vmem_shared>>
      tpu.wait_dma2 semaphore(%run_scoped3A_54 : memref<!tpu.dma_semaphore, #tpu.memory_space<semaphore_mem>>) src(%arg9 : memref<128x128xf32, #tpu.memory_space<vmem>>) dst(%dma_wait3A_62 : memref<128x128xf32, #tpu.memory_space<vmem_shared>>)
      tpu.yield
    }) : () -> ()
    %add3A_23 = arith.constant 512 : i32
    %add3A_24 = arith.addi %mul3A_2, %add3A_23 : i32
    "tpu.region"() ({
      %run_scoped3A_54 = tpu.sem_alloc : memref<!tpu.dma_semaphore, #tpu.memory_space<semaphore_mem>>
      %dma_start3A_55 = arith.constant 0 : i32
      %dma_start3A_56 = tpu.memref_slice %arg5[%add3A_24, %dma_start3A_55] : memref<10240x128xf32, #tpu.memory_space<vmem_shared>> -> memref<128x128xf32, #tpu.memory_space<vmem_shared>>
      %dma_start3A_57 = arith.constant 0 : i32
      %dma_start3A_58 = tpu.memref_slice %arg5[%add3A_24, %dma_start3A_57] : memref<10240x128xf32, #tpu.memory_space<vmem_shared>> -> memref<128x128xf32, #tpu.memory_space<vmem_shared>>
      tpu.enqueue_dma source(%arg9 : memref<128x128xf32, #tpu.memory_space<vmem>>) target(%dma_start3A_58 : memref<128x128xf32, #tpu.memory_space<vmem_shared>>) target_semaphore(%run_scoped3A_54 : memref<!tpu.dma_semaphore, #tpu.memory_space<semaphore_mem>>)
      %dma_wait3A_59 = arith.constant 0 : i32
      %dma_wait3A_60 = tpu.memref_slice %arg5[%add3A_24, %dma_wait3A_59] : memref<10240x128xf32, #tpu.memory_space<vmem_shared>> -> memref<128x128xf32, #tpu.memory_space<vmem_shared>>
      %dma_wait3A_61 = arith.constant 0 : i32
      %dma_wait3A_62 = tpu.memref_slice %arg5[%add3A_24, %dma_wait3A_61] : memref<10240x128xf32, #tpu.memory_space<vmem_shared>> -> memref<128x128xf32, #tpu.memory_space<vmem_shared>>
      tpu.wait_dma2 semaphore(%run_scoped3A_54 : memref<!tpu.dma_semaphore, #tpu.memory_space<semaphore_mem>>) src(%arg9 : memref<128x128xf32, #tpu.memory_space<vmem>>) dst(%dma_wait3A_62 : memref<128x128xf32, #tpu.memory_space<vmem_shared>>)
      tpu.yield
    }) : () -> ()
    %barrier3A = arith.constant 0 : index
    tpu.barrier barrier_id(%barrier3A)
    %dma_start3A_25 = arith.constant 1 : i32
    %dma_start3A_26 = arith.constant 0 : i32
    %dma_start3A_27 = tpu.memref_slice %arg6[%dma_start3A_25, %dma_start3A_26] : memref<40x128xi32, #tpu.memory_space<vmem>> -> memref<1x128xi32, #tpu.memory_space<vmem>>
    %dma_start3A_28 = tpu.memref_squeeze %dma_start3A_27 : memref<1x128xi32, #tpu.memory_space<vmem>> -> memref<128xi32, #tpu.memory_space<vmem>>
    %dma_start3A_29 = arith.constant 0 : i32
    %dma_start3A_30 = arith.constant 0 : i32
    %dma_start3A_31 = tpu.memref_slice %arg2[%dma_start3A_29, %dma_start3A_30] : memref<10240x128xf32, #tpu.memory_space<hbm>> -> memref<10240x128xf32, #tpu.memory_space<hbm>>
    tpu.enqueue_indirect_dma source(%dma_start3A_31 : memref<10240x128xf32, #tpu.memory_space<hbm>>) target(%arg9 : memref<128x128xf32, #tpu.memory_space<vmem>>) offsets(%dma_start3A_28 : memref<128xi32, #tpu.memory_space<vmem>>) semaphore(%arg11 : memref<!tpu.dma_semaphore, #tpu.memory_space<semaphore_mem>>)
    %scan3A_32 = arith.constant 0 : i32
    %scan3A_33 = arith.constant 0 : i32
    %scan3A_34 = arith.constant 19 : i32
    %scan3A_35 = arith.addi %scan3A_33, %scan3A_34 : i32
    %scan3A_36 = arith.constant 1 : i32
    scf.for %scan3A_54 = %scan3A_33 to %scan3A_35 step %scan3A_36  : i32 {
      %mul3A_55 = arith.constant 2 : i32
      %mul3A_56 = arith.muli %scan3A_54, %mul3A_55 : i32
      %add3A_57 = arith.constant 0 : i32
      %add3A_58 = arith.addi %mul3A_56, %add3A_57 : i32
      %dma_wait3A_59 = arith.constant 0 : i32
      %dma_wait3A_60 = tpu.memref_slice %arg6[%add3A_58, %dma_wait3A_59] : memref<40x128xi32, #tpu.memory_space<vmem>> -> memref<1x128xi32, #tpu.memory_space<vmem>>
      %dma_wait3A_61 = tpu.memref_squeeze %dma_wait3A_60 : memref<1x128xi32, #tpu.memory_space<vmem>> -> memref<128xi32, #tpu.memory_space<vmem>>
      %dma_wait3A_62 = arith.constant 0 : i32
      %dma_wait3A_63 = arith.constant 0 : i32
      %dma_wait3A_64 = tpu.memref_slice %arg2[%dma_wait3A_62, %dma_wait3A_63] : memref<10240x128xf32, #tpu.memory_space<hbm>> -> memref<10240x128xf32, #tpu.memory_space<hbm>>
      tpu.wait_indirect_dma semaphore(%arg10 : memref<!tpu.dma_semaphore, #tpu.memory_space<semaphore_mem>>) src(%dma_wait3A_64 : memref<10240x128xf32, #tpu.memory_space<hbm>>) dst(%arg8 : memref<128x128xf32, #tpu.memory_space<vmem>>)
      %add3A_65 = arith.constant 0 : i32
      %add3A_66 = arith.addi %mul3A_56, %add3A_65 : i32
      "tpu.region"() ({
        %run_scoped3A_97 = tpu.sem_alloc : memref<!tpu.dma_semaphore, #tpu.memory_space<semaphore_mem>>
        %dma_start3A_98 = arith.constant 0 : i32
        %dma_start3A_99 = tpu.memref_slice %arg7[%add3A_66, %dma_start3A_98] : memref<40x128xi32, #tpu.memory_space<vmem>> -> memref<1x128xi32, #tpu.memory_space<vmem>>
        %dma_start3A_100 = tpu.memref_squeeze %dma_start3A_99 : memref<1x128xi32, #tpu.memory_space<vmem>> -> memref<128xi32, #tpu.memory_space<vmem>>
        %dma_start3A_101 = arith.constant 0 : i32
        %dma_start3A_102 = arith.constant 0 : i32
        %dma_start3A_103 = tpu.memref_slice %arg5[%dma_start3A_101, %dma_start3A_102] : memref<10240x128xf32, #tpu.memory_space<vmem_shared>> -> memref<10240x128xf32, #tpu.memory_space<vmem_shared>>
        tpu.enqueue_indirect_dma source(%arg8 : memref<128x128xf32, #tpu.memory_space<vmem>>) target(%dma_start3A_103 : memref<10240x128xf32, #tpu.memory_space<vmem_shared>>) offsets(%dma_start3A_100 : memref<128xi32, #tpu.memory_space<vmem>>) semaphore(%run_scoped3A_97 : memref<!tpu.dma_semaphore, #tpu.memory_space<semaphore_mem>>) {add = true}
        %dma_wait3A_104 = arith.constant 0 : i32
        %dma_wait3A_105 = tpu.memref_slice %arg7[%add3A_66, %dma_wait3A_104] : memref<40x128xi32, #tpu.memory_space<vmem>> -> memref<1x128xi32, #tpu.memory_space<vmem>>
        %dma_wait3A_106 = tpu.memref_squeeze %dma_wait3A_105 : memref<1x128xi32, #tpu.memory_space<vmem>> -> memref<128xi32, #tpu.memory_space<vmem>>
        %dma_wait3A_107 = arith.constant 0 : i32
        %dma_wait3A_108 = arith.constant 0 : i32
        %dma_wait3A_109 = tpu.memref_slice %arg5[%dma_wait3A_107, %dma_wait3A_108] : memref<10240x128xf32, #tpu.memory_space<vmem_shared>> -> memref<10240x128xf32, #tpu.memory_space<vmem_shared>>
        tpu.wait_indirect_dma semaphore(%run_scoped3A_97 : memref<!tpu.dma_semaphore, #tpu.memory_space<semaphore_mem>>) src(%arg8 : memref<128x128xf32, #tpu.memory_space<vmem>>) dst(%dma_wait3A_109 : memref<10240x128xf32, #tpu.memory_space<vmem_shared>>)
        tpu.yield
      }) : () -> ()
      %add3A_67 = arith.constant 0 : i32
      %add3A_68 = arith.addi %mul3A_56, %add3A_67 : i32
      %add3A_69 = arith.constant 2 : i32
      %add3A_70 = arith.addi %add3A_68, %add3A_69 : i32
      %dma_start3A_71 = arith.constant 0 : i32
      %dma_start3A_72 = tpu.memref_slice %arg6[%add3A_70, %dma_start3A_71] : memref<40x128xi32, #tpu.memory_space<vmem>> -> memref<1x128xi32, #tpu.memory_space<vmem>>
      %dma_start3A_73 = tpu.memref_squeeze %dma_start3A_72 : memref<1x128xi32, #tpu.memory_space<vmem>> -> memref<128xi32, #tpu.memory_space<vmem>>
      %dma_start3A_74 = arith.constant 0 : i32
      %dma_start3A_75 = arith.constant 0 : i32
      %dma_start3A_76 = tpu.memref_slice %arg2[%dma_start3A_74, %dma_start3A_75] : memref<10240x128xf32, #tpu.memory_space<hbm>> -> memref<10240x128xf32, #tpu.memory_space<hbm>>
      tpu.enqueue_indirect_dma source(%dma_start3A_76 : memref<10240x128xf32, #tpu.memory_space<hbm>>) target(%arg8 : memref<128x128xf32, #tpu.memory_space<vmem>>) offsets(%dma_start3A_73 : memref<128xi32, #tpu.memory_space<vmem>>) semaphore(%arg10 : memref<!tpu.dma_semaphore, #tpu.memory_space<semaphore_mem>>)
      %add3A_77 = arith.constant 1 : i32
      %add3A_78 = arith.addi %mul3A_56, %add3A_77 : i32
      %dma_wait3A_79 = arith.constant 0 : i32
      %dma_wait3A_80 = tpu.memref_slice %arg6[%add3A_78, %dma_wait3A_79] : memref<40x128xi32, #tpu.memory_space<vmem>> -> memref<1x128xi32, #tpu.memory_space<vmem>>
      %dma_wait3A_81 = tpu.memref_squeeze %dma_wait3A_80 : memref<1x128xi32, #tpu.memory_space<vmem>> -> memref<128xi32, #tpu.memory_space<vmem>>
      %dma_wait3A_82 = arith.constant 0 : i32
      %dma_wait3A_83 = arith.constant 0 : i32
      %dma_wait3A_84 = tpu.memref_slice %arg2[%dma_wait3A_82, %dma_wait3A_83] : memref<10240x128xf32, #tpu.memory_space<hbm>> -> memref<10240x128xf32, #tpu.memory_space<hbm>>
      tpu.wait_indirect_dma semaphore(%arg11 : memref<!tpu.dma_semaphore, #tpu.memory_space<semaphore_mem>>) src(%dma_wait3A_84 : memref<10240x128xf32, #tpu.memory_space<hbm>>) dst(%arg9 : memref<128x128xf32, #tpu.memory_space<vmem>>)
      %add3A_85 = arith.constant 1 : i32
      %add3A_86 = arith.addi %mul3A_56, %add3A_85 : i32
      "tpu.region"() ({
        %run_scoped3A_97 = tpu.sem_alloc : memref<!tpu.dma_semaphore, #tpu.memory_space<semaphore_mem>>
        %dma_start3A_98 = arith.constant 0 : i32
        %dma_start3A_99 = tpu.memref_slice %arg7[%add3A_86, %dma_start3A_98] : memref<40x128xi32, #tpu.memory_space<vmem>> -> memref<1x128xi32, #tpu.memory_space<vmem>>
        %dma_start3A_100 = tpu.memref_squeeze %dma_start3A_99 : memref<1x128xi32, #tpu.memory_space<vmem>> -> memref<128xi32, #tpu.memory_space<vmem>>
        %dma_start3A_101 = arith.constant 0 : i32
        %dma_start3A_102 = arith.constant 0 : i32
        %dma_start3A_103 = tpu.memref_slice %arg5[%dma_start3A_101, %dma_start3A_102] : memref<10240x128xf32, #tpu.memory_space<vmem_shared>> -> memref<10240x128xf32, #tpu.memory_space<vmem_shared>>
        tpu.enqueue_indirect_dma source(%arg9 : memref<128x128xf32, #tpu.memory_space<vmem>>) target(%dma_start3A_103 : memref<10240x128xf32, #tpu.memory_space<vmem_shared>>) offsets(%dma_start3A_100 : memref<128xi32, #tpu.memory_space<vmem>>) semaphore(%run_scoped3A_97 : memref<!tpu.dma_semaphore, #tpu.memory_space<semaphore_mem>>) {add = true}
        %dma_wait3A_104 = arith.constant 0 : i32
        %dma_wait3A_105 = tpu.memref_slice %arg7[%add3A_86, %dma_wait3A_104] : memref<40x128xi32, #tpu.memory_space<vmem>> -> memref<1x128xi32, #tpu.memory_space<vmem>>
        %dma_wait3A_106 = tpu.memref_squeeze %dma_wait3A_105 : memref<1x128xi32, #tpu.memory_space<vmem>> -> memref<128xi32, #tpu.memory_space<vmem>>
        %dma_wait3A_107 = arith.constant 0 : i32
        %dma_wait3A_108 = arith.constant 0 : i32
        %dma_wait3A_109 = tpu.memref_slice %arg5[%dma_wait3A_107, %dma_wait3A_108] : memref<10240x128xf32, #tpu.memory_space<vmem_shared>> -> memref<10240x128xf32, #tpu.memory_space<vmem_shared>>
        tpu.wait_indirect_dma semaphore(%run_scoped3A_97 : memref<!tpu.dma_semaphore, #tpu.memory_space<semaphore_mem>>) src(%arg9 : memref<128x128xf32, #tpu.memory_space<vmem>>) dst(%dma_wait3A_109 : memref<10240x128xf32, #tpu.memory_space<vmem_shared>>)
        tpu.yield
      }) : () -> ()
      %add3A_87 = arith.constant 1 : i32
      %add3A_88 = arith.addi %mul3A_56, %add3A_87 : i32
      %add3A_89 = arith.constant 2 : i32
      %add3A_90 = arith.addi %add3A_88, %add3A_89 : i32
      %dma_start3A_91 = arith.constant 0 : i32
      %dma_start3A_92 = tpu.memref_slice %arg6[%add3A_90, %dma_start3A_91] : memref<40x128xi32, #tpu.memory_space<vmem>> -> memref<1x128xi32, #tpu.memory_space<vmem>>
      %dma_start3A_93 = tpu.memref_squeeze %dma_start3A_92 : memref<1x128xi32, #tpu.memory_space<vmem>> -> memref<128xi32, #tpu.memory_space<vmem>>
      %dma_start3A_94 = arith.constant 0 : i32
      %dma_start3A_95 = arith.constant 0 : i32
      %dma_start3A_96 = tpu.memref_slice %arg2[%dma_start3A_94, %dma_start3A_95] : memref<10240x128xf32, #tpu.memory_space<hbm>> -> memref<10240x128xf32, #tpu.memory_space<hbm>>
      tpu.enqueue_indirect_dma source(%dma_start3A_96 : memref<10240x128xf32, #tpu.memory_space<hbm>>) target(%arg9 : memref<128x128xf32, #tpu.memory_space<vmem>>) offsets(%dma_start3A_93 : memref<128xi32, #tpu.memory_space<vmem>>) semaphore(%arg11 : memref<!tpu.dma_semaphore, #tpu.memory_space<semaphore_mem>>)
    }
    %scan3A_37 = arith.constant 19 : i32
    %dma_wait3A = arith.constant 38 : i32
    %dma_wait3A_38 = arith.constant 0 : i32
    %dma_wait3A_39 = tpu.memref_slice %arg6[%dma_wait3A, %dma_wait3A_38] : memref<40x128xi32, #tpu.memory_space<vmem>> -> memref<1x128xi32, #tpu.memory_space<vmem>>
    %dma_wait3A_40 = tpu.memref_squeeze %dma_wait3A_39 : memref<1x128xi32, #tpu.memory_space<vmem>> -> memref<128xi32, #tpu.memory_space<vmem>>
    %dma_wait3A_41 = arith.constant 0 : i32
    %dma_wait3A_42 = arith.constant 0 : i32
    %dma_wait3A_43 = tpu.memref_slice %arg2[%dma_wait3A_41, %dma_wait3A_42] : memref<10240x128xf32, #tpu.memory_space<hbm>> -> memref<10240x128xf32, #tpu.memory_space<hbm>>
    tpu.wait_indirect_dma semaphore(%arg10 : memref<!tpu.dma_semaphore, #tpu.memory_space<semaphore_mem>>) src(%dma_wait3A_43 : memref<10240x128xf32, #tpu.memory_space<hbm>>) dst(%arg8 : memref<128x128xf32, #tpu.memory_space<vmem>>)
    %run_scoped3A_44 = arith.constant 38 : i32
    "tpu.region"() ({
      %run_scoped3A_54 = tpu.sem_alloc : memref<!tpu.dma_semaphore, #tpu.memory_space<semaphore_mem>>
      %dma_start3A_55 = arith.constant 0 : i32
      %dma_start3A_56 = tpu.memref_slice %arg7[%run_scoped3A_44, %dma_start3A_55] : memref<40x128xi32, #tpu.memory_space<vmem>> -> memref<1x128xi32, #tpu.memory_space<vmem>>
      %dma_start3A_57 = tpu.memref_squeeze %dma_start3A_56 : memref<1x128xi32, #tpu.memory_space<vmem>> -> memref<128xi32, #tpu.memory_space<vmem>>
      %dma_start3A_58 = arith.constant 0 : i32
      %dma_start3A_59 = arith.constant 0 : i32
      %dma_start3A_60 = tpu.memref_slice %arg5[%dma_start3A_58, %dma_start3A_59] : memref<10240x128xf32, #tpu.memory_space<vmem_shared>> -> memref<10240x128xf32, #tpu.memory_space<vmem_shared>>
      tpu.enqueue_indirect_dma source(%arg8 : memref<128x128xf32, #tpu.memory_space<vmem>>) target(%dma_start3A_60 : memref<10240x128xf32, #tpu.memory_space<vmem_shared>>) offsets(%dma_start3A_57 : memref<128xi32, #tpu.memory_space<vmem>>) semaphore(%run_scoped3A_54 : memref<!tpu.dma_semaphore, #tpu.memory_space<semaphore_mem>>) {add = true}
      %dma_wait3A_61 = arith.constant 0 : i32
      %dma_wait3A_62 = tpu.memref_slice %arg7[%run_scoped3A_44, %dma_wait3A_61] : memref<40x128xi32, #tpu.memory_space<vmem>> -> memref<1x128xi32, #tpu.memory_space<vmem>>
      %dma_wait3A_63 = tpu.memref_squeeze %dma_wait3A_62 : memref<1x128xi32, #tpu.memory_space<vmem>> -> memref<128xi32, #tpu.memory_space<vmem>>
      %dma_wait3A_64 = arith.constant 0 : i32
      %dma_wait3A_65 = arith.constant 0 : i32
      %dma_wait3A_66 = tpu.memref_slice %arg5[%dma_wait3A_64, %dma_wait3A_65] : memref<10240x128xf32, #tpu.memory_space<vmem_shared>> -> memref<10240x128xf32, #tpu.memory_space<vmem_shared>>
      tpu.wait_indirect_dma semaphore(%run_scoped3A_54 : memref<!tpu.dma_semaphore, #tpu.memory_space<semaphore_mem>>) src(%arg8 : memref<128x128xf32, #tpu.memory_space<vmem>>) dst(%dma_wait3A_66 : memref<10240x128xf32, #tpu.memory_space<vmem_shared>>)
      tpu.yield
    }) : () -> ()
    %dma_wait3A_45 = arith.constant 39 : i32
    %dma_wait3A_46 = arith.constant 0 : i32
    %dma_wait3A_47 = tpu.memref_slice %arg6[%dma_wait3A_45, %dma_wait3A_46] : memref<40x128xi32, #tpu.memory_space<vmem>> -> memref<1x128xi32, #tpu.memory_space<vmem>>
    %dma_wait3A_48 = tpu.memref_squeeze %dma_wait3A_47 : memref<1x128xi32, #tpu.memory_space<vmem>> -> memref<128xi32, #tpu.memory_space<vmem>>
    %dma_wait3A_49 = arith.constant 0 : i32
    %dma_wait3A_50 = arith.constant 0 : i32
    %dma_wait3A_51 = tpu.memref_slice %arg2[%dma_wait3A_49, %dma_wait3A_50] : memref<10240x128xf32, #tpu.memory_space<hbm>> -> memref<10240x128xf32, #tpu.memory_space<hbm>>
    tpu.wait_indirect_dma semaphore(%arg11 : memref<!tpu.dma_semaphore, #tpu.memory_space<semaphore_mem>>) src(%dma_wait3A_51 : memref<10240x128xf32, #tpu.memory_space<hbm>>) dst(%arg9 : memref<128x128xf32, #tpu.memory_space<vmem>>)
    %run_scoped3A_52 = arith.constant 39 : i32
    "tpu.region"() ({
      %run_scoped3A_54 = tpu.sem_alloc : memref<!tpu.dma_semaphore, #tpu.memory_space<semaphore_mem>>
      %dma_start3A_55 = arith.constant 0 : i32
      %dma_start3A_56 = tpu.memref_slice %arg7[%run_scoped3A_52, %dma_start3A_55] : memref<40x128xi32, #tpu.memory_space<vmem>> -> memref<1x128xi32, #tpu.memory_space<vmem>>
      %dma_start3A_57 = tpu.memref_squeeze %dma_start3A_56 : memref<1x128xi32, #tpu.memory_space<vmem>> -> memref<128xi32, #tpu.memory_space<vmem>>
      %dma_start3A_58 = arith.constant 0 : i32
      %dma_start3A_59 = arith.constant 0 : i32
      %dma_start3A_60 = tpu.memref_slice %arg5[%dma_start3A_58, %dma_start3A_59] : memref<10240x128xf32, #tpu.memory_space<vmem_shared>> -> memref<10240x128xf32, #tpu.memory_space<vmem_shared>>
      tpu.enqueue_indirect_dma source(%arg9 : memref<128x128xf32, #tpu.memory_space<vmem>>) target(%dma_start3A_60 : memref<10240x128xf32, #tpu.memory_space<vmem_shared>>) offsets(%dma_start3A_57 : memref<128xi32, #tpu.memory_space<vmem>>) semaphore(%run_scoped3A_54 : memref<!tpu.dma_semaphore, #tpu.memory_space<semaphore_mem>>) {add = true}
      %dma_wait3A_61 = arith.constant 0 : i32
      %dma_wait3A_62 = tpu.memref_slice %arg7[%run_scoped3A_52, %dma_wait3A_61] : memref<40x128xi32, #tpu.memory_space<vmem>> -> memref<1x128xi32, #tpu.memory_space<vmem>>
      %dma_wait3A_63 = tpu.memref_squeeze %dma_wait3A_62 : memref<1x128xi32, #tpu.memory_space<vmem>> -> memref<128xi32, #tpu.memory_space<vmem>>
      %dma_wait3A_64 = arith.constant 0 : i32
      %dma_wait3A_65 = arith.constant 0 : i32
      %dma_wait3A_66 = tpu.memref_slice %arg5[%dma_wait3A_64, %dma_wait3A_65] : memref<10240x128xf32, #tpu.memory_space<vmem_shared>> -> memref<10240x128xf32, #tpu.memory_space<vmem_shared>>
      tpu.wait_indirect_dma semaphore(%run_scoped3A_54 : memref<!tpu.dma_semaphore, #tpu.memory_space<semaphore_mem>>) src(%arg9 : memref<128x128xf32, #tpu.memory_space<vmem>>) dst(%dma_wait3A_66 : memref<10240x128xf32, #tpu.memory_space<vmem_shared>>)
      tpu.yield
    }) : () -> ()
    %barrier3A_53 = arith.constant 0 : index
    tpu.barrier barrier_id(%barrier3A_53)
    "tpu.region"() ({
      %run_scoped3A_54 = tpu.sem_alloc : memref<!tpu.dma_semaphore, #tpu.memory_space<semaphore_mem>>
      %dma_start3A_55 = arith.constant 0 : i32
      %dma_start3A_56 = tpu.memref_slice %arg4[%arg0, %mul3A_2, %dma_start3A_55] : memref<2x10240x128xf32, #tpu.memory_space<hbm>> -> memref<1x640x128xf32, #tpu.memory_space<hbm>>
      %dma_start3A_57 = tpu.memref_squeeze %dma_start3A_56 : memref<1x640x128xf32, #tpu.memory_space<hbm>> -> memref<640x128xf32, #tpu.memory_space<hbm>>
      %dma_start3A_58 = arith.constant 0 : i32
      %dma_start3A_59 = tpu.memref_slice %arg5[%mul3A_2, %dma_start3A_58] : memref<10240x128xf32, #tpu.memory_space<vmem_shared>> -> memref<640x128xf32, #tpu.memory_space<vmem_shared>>
      tpu.enqueue_dma source(%dma_start3A_59 : memref<640x128xf32, #tpu.memory_space<vmem_shared>>) target(%dma_start3A_57 : memref<640x128xf32, #tpu.memory_space<hbm>>) target_semaphore(%run_scoped3A_54 : memref<!tpu.dma_semaphore, #tpu.memory_space<semaphore_mem>>)
      %dma_wait3A_60 = arith.constant 0 : i32
      %dma_wait3A_61 = tpu.memref_slice %arg4[%arg0, %mul3A_2, %dma_wait3A_60] : memref<2x10240x128xf32, #tpu.memory_space<hbm>> -> memref<1x640x128xf32, #tpu.memory_space<hbm>>
      %dma_wait3A_62 = tpu.memref_squeeze %dma_wait3A_61 : memref<1x640x128xf32, #tpu.memory_space<hbm>> -> memref<640x128xf32, #tpu.memory_space<hbm>>
      %dma_wait3A_63 = arith.constant 0 : i32
      %dma_wait3A_64 = tpu.memref_slice %arg5[%mul3A_2, %dma_wait3A_63] : memref<10240x128xf32, #tpu.memory_space<vmem_shared>> -> memref<640x128xf32, #tpu.memory_space<vmem_shared>>
      tpu.wait_dma2 semaphore(%run_scoped3A_54 : memref<!tpu.dma_semaphore, #tpu.memory_space<semaphore_mem>>) src(%dma_wait3A_64 : memref<640x128xf32, #tpu.memory_space<vmem_shared>>) dst(%dma_wait3A_62 : memref<640x128xf32, #tpu.memory_space<hbm>>)
      tpu.yield
    }) : () -> ()
    return
  }
}

#map = affine_map<(d0, d1) -> (0, 0)>
#map1 = affine_map<(d0, d1) -> (0, 0, 0, 0)>
#map2 = affine_map<(d0, d1) -> (0, 0, 0)>
module attributes {stable_mosaic.version = 14 : i64} {
  func.func @body(%arg0: i32, %arg1: i32, %arg2: memref<10240x128xf32, #tpu.memory_space<hbm>>, %arg3: memref<2x32x40x128xi32, #tpu.memory_space<hbm>>, %arg4: memref<2x10240x128xf32, #tpu.memory_space<hbm>>, %arg5: memref<10240x128xf32, #tpu.memory_space<vmem_shared>>, %arg6: memref<40x128xi32, #tpu.memory_space<vmem>>, %arg7: memref<40x128xi32, #tpu.memory_space<vmem>>, %arg8: memref<128x128xf32, #tpu.memory_space<vmem>>, %arg9: memref<128x128xf32, #tpu.memory_space<vmem>>, %arg10: memref<!tpu.dma_semaphore, #tpu.memory_space<semaphore_mem>>, %arg11: memref<!tpu.dma_semaphore, #tpu.memory_space<semaphore_mem>>) attributes {dimension_semantics = [#tpu.dimension_semantics<core_parallel>, #tpu.dimension_semantics<subcore_parallel>], iteration_bounds = array<i64: 2, 16>, scalar_prefetch = 0 : i64, scratch_operands = 7 : i64, tpu.core_type = #tpu.core_type<sc_vector_subcore>, window_params = [{transform_indices = #map}, {transform_indices = #map1}, {transform_indices = #map2}]} {
    %mul3A = arith.constant 2 : i32
    %mul3A_0 = arith.muli %arg1, %mul3A : i32
    %add3A = arith.addi %mul3A_0, %arg0 : i32
    %mul3A_1 = arith.constant 640 : i32
    %mul3A_2 = arith.muli %arg1, %mul3A_1 : i32
    %run_scoped3A = arith.constant 0 : i32
    "tpu.region"() ({
      %run_scoped3A_54 = tpu.sem_alloc : memref<!tpu.dma_semaphore, #tpu.memory_space<semaphore_mem>>
      %dma_start3A_55 = arith.constant 0 : i32
      %dma_start3A_56 = arith.constant 0 : i32
      %dma_start3A_57 = tpu.memref_slice %arg3[%run_scoped3A, %add3A, %dma_start3A_55, %dma_start3A_56] : memref<2x32x40x128xi32, #tpu.memory_space<hbm>> -> memref<1x1x40x128xi32, #tpu.memory_space<hbm>>
      %dma_start3A_58 = tpu.memref_squeeze %dma_start3A_57 : memref<1x1x40x128xi32, #tpu.memory_space<hbm>> -> memref<40x128xi32, #tpu.memory_space<hbm>>
      %dma_start3A_59 = arith.constant 0 : i32
      %dma_start3A_60 = arith.constant 0 : i32
      %dma_start3A_61 = tpu.memref_slice %arg3[%run_scoped3A, %add3A, %dma_start3A_59, %dma_start3A_60] : memref<2x32x40x128xi32, #tpu.memory_space<hbm>> -> memref<1x1x40x128xi32, #tpu.memory_space<hbm>>
      %dma_start3A_62 = tpu.memref_squeeze %dma_start3A_61 : memref<1x1x40x128xi32, #tpu.memory_space<hbm>> -> memref<40x128xi32, #tpu.memory_space<hbm>>
      tpu.enqueue_dma source(%dma_start3A_62 : memref<40x128xi32, #tpu.memory_space<hbm>>) target(%arg6 : memref<40x128xi32, #tpu.memory_space<vmem>>) target_semaphore(%run_scoped3A_54 : memref<!tpu.dma_semaphore, #tpu.memory_space<semaphore_mem>>)
      %dma_wait3A_63 = arith.constant 0 : i32
      %dma_wait3A_64 = arith.constant 0 : i32
      %dma_wait3A_65 = tpu.memref_slice %arg3[%run_scoped3A, %add3A, %dma_wait3A_63, %dma_wait3A_64] : memref<2x32x40x128xi32, #tpu.memory_space<hbm>> -> memref<1x1x40x128xi32, #tpu.memory_space<hbm>>
      %dma_wait3A_66 = tpu.memref_squeeze %dma_wait3A_65 : memref<1x1x40x128xi32, #tpu.memory_space<hbm>> -> memref<40x128xi32, #tpu.memory_space<hbm>>
      %dma_wait3A_67 = arith.constant 0 : i32
      %dma_wait3A_68 = arith.constant 0 : i32
      %dma_wait3A_69 = tpu.memref_slice %arg3[%run_scoped3A, %add3A, %dma_wait3A_67, %dma_wait3A_68] : memref<2x32x40x128xi32, #tpu.memory_space<hbm>> -> memref<1x1x40x128xi32, #tpu.memory_space<hbm>>
      %dma_wait3A_70 = tpu.memref_squeeze %dma_wait3A_69 : memref<1x1x40x128xi32, #tpu.memory_space<hbm>> -> memref<40x128xi32, #tpu.memory_space<hbm>>
      tpu.wait_dma2 semaphore(%run_scoped3A_54 : memref<!tpu.dma_semaphore, #tpu.memory_space<semaphore_mem>>) src(%dma_wait3A_70 : memref<40x128xi32, #tpu.memory_space<hbm>>) dst(%arg6 : memref<40x128xi32, #tpu.memory_space<vmem>>)
      tpu.yield
    }) : () -> ()
    %run_scoped3A_3 = arith.constant 1 : i32
    "tpu.region"() ({
      %run_scoped3A_54 = tpu.sem_alloc : memref<!tpu.dma_semaphore, #tpu.memory_space<semaphore_mem>>
      %dma_start3A_55 = arith.constant 0 : i32
      %dma_start3A_56 = arith.constant 0 : i32
      %dma_start3A_57 = tpu.memref_slice %arg3[%run_scoped3A_3, %add3A, %dma_start3A_55, %dma_start3A_56] : memref<2x32x40x128xi32, #tpu.memory_space<hbm>> -> memref<1x1x40x128xi32, #tpu.memory_space<hbm>>
      %dma_start3A_58 = tpu.memref_squeeze %dma_start3A_57 : memref<1x1x40x128xi32, #tpu.memory_space<hbm>> -> memref<40x128xi32, #tpu.memory_space<hbm>>
      %dma_start3A_59 = arith.constant 0 : i32
      %dma_start3A_60 = arith.constant 0 : i32
      %dma_start3A_61 = tpu.memref_slice %arg3[%run_scoped3A_3, %add3A, %dma_start3A_59, %dma_start3A_60] : memref<2x32x40x128xi32, #tpu.memory_space<hbm>> -> memref<1x1x40x128xi32, #tpu.memory_space<hbm>>
      %dma_start3A_62 = tpu.memref_squeeze %dma_start3A_61 : memref<1x1x40x128xi32, #tpu.memory_space<hbm>> -> memref<40x128xi32, #tpu.memory_space<hbm>>
      tpu.enqueue_dma source(%dma_start3A_62 : memref<40x128xi32, #tpu.memory_space<hbm>>) target(%arg7 : memref<40x128xi32, #tpu.memory_space<vmem>>) target_semaphore(%run_scoped3A_54 : memref<!tpu.dma_semaphore, #tpu.memory_space<semaphore_mem>>)
      %dma_wait3A_63 = arith.constant 0 : i32
      %dma_wait3A_64 = arith.constant 0 : i32
      %dma_wait3A_65 = tpu.memref_slice %arg3[%run_scoped3A_3, %add3A, %dma_wait3A_63, %dma_wait3A_64] : memref<2x32x40x128xi32, #tpu.memory_space<hbm>> -> memref<1x1x40x128xi32, #tpu.memory_space<hbm>>
      %dma_wait3A_66 = tpu.memref_squeeze %dma_wait3A_65 : memref<1x1x40x128xi32, #tpu.memory_space<hbm>> -> memref<40x128xi32, #tpu.memory_space<hbm>>
      %dma_wait3A_67 = arith.constant 0 : i32
      %dma_wait3A_68 = arith.constant 0 : i32
      %dma_wait3A_69 = tpu.memref_slice %arg3[%run_scoped3A_3, %add3A, %dma_wait3A_67, %dma_wait3A_68] : memref<2x32x40x128xi32, #tpu.memory_space<hbm>> -> memref<1x1x40x128xi32, #tpu.memory_space<hbm>>
      %dma_wait3A_70 = tpu.memref_squeeze %dma_wait3A_69 : memref<1x1x40x128xi32, #tpu.memory_space<hbm>> -> memref<40x128xi32, #tpu.memory_space<hbm>>
      tpu.wait_dma2 semaphore(%run_scoped3A_54 : memref<!tpu.dma_semaphore, #tpu.memory_space<semaphore_mem>>) src(%dma_wait3A_70 : memref<40x128xi32, #tpu.memory_space<hbm>>) dst(%arg7 : memref<40x128xi32, #tpu.memory_space<vmem>>)
      tpu.yield
    }) : () -> ()
    %dma_start3A = arith.constant 0 : i32
    %dma_start3A_4 = arith.constant 0 : i32
    %dma_start3A_5 = tpu.memref_slice %arg6[%dma_start3A, %dma_start3A_4] : memref<40x128xi32, #tpu.memory_space<vmem>> -> memref<1x128xi32, #tpu.memory_space<vmem>>
    %dma_start3A_6 = tpu.memref_squeeze %dma_start3A_5 : memref<1x128xi32, #tpu.memory_space<vmem>> -> memref<128xi32, #tpu.memory_space<vmem>>
    %dma_start3A_7 = arith.constant 0 : i32
    %dma_start3A_8 = arith.constant 0 : i32
    %dma_start3A_9 = tpu.memref_slice %arg2[%dma_start3A_7, %dma_start3A_8] : memref<10240x128xf32, #tpu.memory_space<hbm>> -> memref<10240x128xf32, #tpu.memory_space<hbm>>
    tpu.enqueue_indirect_dma source(%dma_start3A_9 : memref<10240x128xf32, #tpu.memory_space<hbm>>) target(%arg8 : memref<128x128xf32, #tpu.memory_space<vmem>>) offsets(%dma_start3A_6 : memref<128xi32, #tpu.memory_space<vmem>>) semaphore(%arg10 : memref<!tpu.dma_semaphore, #tpu.memory_space<semaphore_mem>>)
    %scan3A = arith.constant 0 : i32
    %scan3A_10 = arith.constant 0 : i32
    %scan3A_11 = arith.constant 128 : i32
    %scan3A_12 = arith.addi %scan3A_10, %scan3A_11 : i32
    %scan3A_13 = arith.constant 1 : i32
    scf.for %scan3A_54 = %scan3A_10 to %scan3A_12 step %scan3A_13  : i32 {
      %broadcast_in_dim3A = arith.constant 0.000000e+00 : f32
      %broadcast_in_dim3A_55 = vector.broadcast %broadcast_in_dim3A : f32 to vector<16xf32>
      %swap3A = arith.index_cast %scan3A_54 : i32 to index
      %swap3A_56 = arith.constant 0 : index
      %swap3A_57 = tpu.vector_load %arg9[%swap3A, %swap3A_56] {strides = array<i32>} : memref<128x128xf32, #tpu.memory_space<vmem>>, vector<1x16xf32>,
      %swap3A_58 = vector.shape_cast %swap3A_57 : vector<1x16xf32> to vector<16xf32>
      %swap3A_59 = vector.shape_cast %broadcast_in_dim3A_55 : vector<16xf32> to vector<1x16xf32>
      tpu.vector_store %arg9[%swap3A, %swap3A_56], %swap3A_59 {strides = array<i32>} : memref<128x128xf32, #tpu.memory_space<vmem>>, vector<1x16xf32>,
      %broadcast_in_dim3A_60 = arith.constant 0.000000e+00 : f32
      %broadcast_in_dim3A_61 = vector.broadcast %broadcast_in_dim3A_60 : f32 to vector<16xf32>
      %swap3A_62 = arith.index_cast %scan3A_54 : i32 to index
      %swap3A_63 = arith.constant 16 : index
      %swap3A_64 = tpu.vector_load %arg9[%swap3A_62, %swap3A_63] {strides = array<i32>} : memref<128x128xf32, #tpu.memory_space<vmem>>, vector<1x16xf32>,
      %swap3A_65 = vector.shape_cast %swap3A_64 : vector<1x16xf32> to vector<16xf32>
      %swap3A_66 = vector.shape_cast %broadcast_in_dim3A_61 : vector<16xf32> to vector<1x16xf32>
      tpu.vector_store %arg9[%swap3A_62, %swap3A_63], %swap3A_66 {strides = array<i32>} : memref<128x128xf32, #tpu.memory_space<vmem>>, vector<1x16xf32>,
      %broadcast_in_dim3A_67 = arith.constant 0.000000e+00 : f32
      %broadcast_in_dim3A_68 = vector.broadcast %broadcast_in_dim3A_67 : f32 to vector<16xf32>
      %swap3A_69 = arith.index_cast %scan3A_54 : i32 to index
      %swap3A_70 = arith.constant 32 : index
      %swap3A_71 = tpu.vector_load %arg9[%swap3A_69, %swap3A_70] {strides = array<i32>} : memref<128x128xf32, #tpu.memory_space<vmem>>, vector<1x16xf32>,
      %swap3A_72 = vector.shape_cast %swap3A_71 : vector<1x16xf32> to vector<16xf32>
      %swap3A_73 = vector.shape_cast %broadcast_in_dim3A_68 : vector<16xf32> to vector<1x16xf32>
      tpu.vector_store %arg9[%swap3A_69, %swap3A_70], %swap3A_73 {strides = array<i32>} : memref<128x128xf32, #tpu.memory_space<vmem>>, vector<1x16xf32>,
      %broadcast_in_dim3A_74 = arith.constant 0.000000e+00 : f32
      %broadcast_in_dim3A_75 = vector.broadcast %broadcast_in_dim3A_74 : f32 to vector<16xf32>
      %swap3A_76 = arith.index_cast %scan3A_54 : i32 to index
      %swap3A_77 = arith.constant 48 : index
      %swap3A_78 = tpu.vector_load %arg9[%swap3A_76, %swap3A_77] {strides = array<i32>} : memref<128x128xf32, #tpu.memory_space<vmem>>, vector<1x16xf32>,
      %swap3A_79 = vector.shape_cast %swap3A_78 : vector<1x16xf32> to vector<16xf32>
      %swap3A_80 = vector.shape_cast %broadcast_in_dim3A_75 : vector<16xf32> to vector<1x16xf32>
      tpu.vector_store %arg9[%swap3A_76, %swap3A_77], %swap3A_80 {strides = array<i32>} : memref<128x128xf32, #tpu.memory_space<vmem>>, vector<1x16xf32>,
      %broadcast_in_dim3A_81 = arith.constant 0.000000e+00 : f32
      %broadcast_in_dim3A_82 = vector.broadcast %broadcast_in_dim3A_81 : f32 to vector<16xf32>
      %swap3A_83 = arith.index_cast %scan3A_54 : i32 to index
      %swap3A_84 = arith.constant 64 : index
      %swap3A_85 = tpu.vector_load %arg9[%swap3A_83, %swap3A_84] {strides = array<i32>} : memref<128x128xf32, #tpu.memory_space<vmem>>, vector<1x16xf32>,
      %swap3A_86 = vector.shape_cast %swap3A_85 : vector<1x16xf32> to vector<16xf32>
      %swap3A_87 = vector.shape_cast %broadcast_in_dim3A_82 : vector<16xf32> to vector<1x16xf32>
      tpu.vector_store %arg9[%swap3A_83, %swap3A_84], %swap3A_87 {strides = array<i32>} : memref<128x128xf32, #tpu.memory_space<vmem>>, vector<1x16xf32>,
      %broadcast_in_dim3A_88 = arith.constant 0.000000e+00 : f32
      %broadcast_in_dim3A_89 = vector.broadcast %broadcast_in_dim3A_88 : f32 to vector<16xf32>
      %swap3A_90 = arith.index_cast %scan3A_54 : i32 to index
      %swap3A_91 = arith.constant 80 : index
      %swap3A_92 = tpu.vector_load %arg9[%swap3A_90, %swap3A_91] {strides = array<i32>} : memref<128x128xf32, #tpu.memory_space<vmem>>, vector<1x16xf32>,
      %swap3A_93 = vector.shape_cast %swap3A_92 : vector<1x16xf32> to vector<16xf32>
      %swap3A_94 = vector.shape_cast %broadcast_in_dim3A_89 : vector<16xf32> to vector<1x16xf32>
      tpu.vector_store %arg9[%swap3A_90, %swap3A_91], %swap3A_94 {strides = array<i32>} : memref<128x128xf32, #tpu.memory_space<vmem>>, vector<1x16xf32>,
      %broadcast_in_dim3A_95 = arith.constant 0.000000e+00 : f32
      %broadcast_in_dim3A_96 = vector.broadcast %broadcast_in_dim3A_95 : f32 to vector<16xf32>
      %swap3A_97 = arith.index_cast %scan3A_54 : i32 to index
      %swap3A_98 = arith.constant 96 : index
      %swap3A_99 = tpu.vector_load %arg9[%swap3A_97, %swap3A_98] {strides = array<i32>} : memref<128x128xf32, #tpu.memory_space<vmem>>, vector<1x16xf32>,
      %swap3A_100 = vector.shape_cast %swap3A_99 : vector<1x16xf32> to vector<16xf32>
      %swap3A_101 = vector.shape_cast %broadcast_in_dim3A_96 : vector<16xf32> to vector<1x16xf32>
      tpu.vector_store %arg9[%swap3A_97, %swap3A_98], %swap3A_101 {strides = array<i32>} : memref<128x128xf32, #tpu.memory_space<vmem>>, vector<1x16xf32>,
      %broadcast_in_dim3A_102 = arith.constant 0.000000e+00 : f32
      %broadcast_in_dim3A_103 = vector.broadcast %broadcast_in_dim3A_102 : f32 to vector<16xf32>
      %swap3A_104 = arith.index_cast %scan3A_54 : i32 to index
      %swap3A_105 = arith.constant 112 : index
      %swap3A_106 = tpu.vector_load %arg9[%swap3A_104, %swap3A_105] {strides = array<i32>} : memref<128x128xf32, #tpu.memory_space<vmem>>, vector<1x16xf32>,
      %swap3A_107 = vector.shape_cast %swap3A_106 : vector<1x16xf32> to vector<16xf32>
      %swap3A_108 = vector.shape_cast %broadcast_in_dim3A_103 : vector<16xf32> to vector<1x16xf32>
      tpu.vector_store %arg9[%swap3A_104, %swap3A_105], %swap3A_108 {strides = array<i32>} : memref<128x128xf32, #tpu.memory_space<vmem>>, vector<1x16xf32>,
    }
    %scan3A_14 = arith.constant 128 : i32
    %add3A_15 = arith.constant 0 : i32
    %add3A_16 = arith.addi %mul3A_2, %add3A_15 : i32
    "tpu.region"() ({
      %run_scoped3A_54 = tpu.sem_alloc : memref<!tpu.dma_semaphore, #tpu.memory_space<semaphore_mem>>
      %dma_start3A_55 = arith.constant 0 : i32
      %dma_start3A_56 = tpu.memref_slice %arg5[%add3A_16, %dma_start3A_55] : memref<10240x128xf32, #tpu.memory_space<vmem_shared>> -> memref<128x128xf32, #tpu.memory_space<vmem_shared>>
      %dma_start3A_57 = arith.constant 0 : i32
      %dma_start3A_58 = tpu.memref_slice %arg5[%add3A_16, %dma_start3A_57] : memref<10240x128xf32, #tpu.memory_space<vmem_shared>> -> memref<128x128xf32, #tpu.memory_space<vmem_shared>>
      tpu.enqueue_dma source(%arg9 : memref<128x128xf32, #tpu.memory_space<vmem>>) target(%dma_start3A_58 : memref<128x128xf32, #tpu.memory_space<vmem_shared>>) target_semaphore(%run_scoped3A_54 : memref<!tpu.dma_semaphore, #tpu.memory_space<semaphore_mem>>)
      %dma_wait3A_59 = arith.constant 0 : i32
      %dma_wait3A_60 = tpu.memref_slice %arg5[%add3A_16, %dma_wait3A_59] : memref<10240x128xf32, #tpu.memory_space<vmem_shared>> -> memref<128x128xf32, #tpu.memory_space<vmem_shared>>
      %dma_wait3A_61 = arith.constant 0 : i32
      %dma_wait3A_62 = tpu.memref_slice %arg5[%add3A_16, %dma_wait3A_61] : memref<10240x128xf32, #tpu.memory_space<vmem_shared>> -> memref<128x128xf32, #tpu.memory_space<vmem_shared>>
      tpu.wait_dma2 semaphore(%run_scoped3A_54 : memref<!tpu.dma_semaphore, #tpu.memory_space<semaphore_mem>>) src(%arg9 : memref<128x128xf32, #tpu.memory_space<vmem>>) dst(%dma_wait3A_62 : memref<128x128xf32, #tpu.memory_space<vmem_shared>>)
      tpu.yield
    }) : () -> ()
    %add3A_17 = arith.constant 128 : i32
    %add3A_18 = arith.addi %mul3A_2, %add3A_17 : i32
    "tpu.region"() ({
      %run_scoped3A_54 = tpu.sem_alloc : memref<!tpu.dma_semaphore, #tpu.memory_space<semaphore_mem>>
      %dma_start3A_55 = arith.constant 0 : i32
      %dma_start3A_56 = tpu.memref_slice %arg5[%add3A_18, %dma_start3A_55] : memref<10240x128xf32, #tpu.memory_space<vmem_shared>> -> memref<128x128xf32, #tpu.memory_space<vmem_shared>>
      %dma_start3A_57 = arith.constant 0 : i32
      %dma_start3A_58 = tpu.memref_slice %arg5[%add3A_18, %dma_start3A_57] : memref<10240x128xf32, #tpu.memory_space<vmem_shared>> -> memref<128x128xf32, #tpu.memory_space<vmem_shared>>
      tpu.enqueue_dma source(%arg9 : memref<128x128xf32, #tpu.memory_space<vmem>>) target(%dma_start3A_58 : memref<128x128xf32, #tpu.memory_space<vmem_shared>>) target_semaphore(%run_scoped3A_54 : memref<!tpu.dma_semaphore, #tpu.memory_space<semaphore_mem>>)
      %dma_wait3A_59 = arith.constant 0 : i32
      %dma_wait3A_60 = tpu.memref_slice %arg5[%add3A_18, %dma_wait3A_59] : memref<10240x128xf32, #tpu.memory_space<vmem_shared>> -> memref<128x128xf32, #tpu.memory_space<vmem_shared>>
      %dma_wait3A_61 = arith.constant 0 : i32
      %dma_wait3A_62 = tpu.memref_slice %arg5[%add3A_18, %dma_wait3A_61] : memref<10240x128xf32, #tpu.memory_space<vmem_shared>> -> memref<128x128xf32, #tpu.memory_space<vmem_shared>>
      tpu.wait_dma2 semaphore(%run_scoped3A_54 : memref<!tpu.dma_semaphore, #tpu.memory_space<semaphore_mem>>) src(%arg9 : memref<128x128xf32, #tpu.memory_space<vmem>>) dst(%dma_wait3A_62 : memref<128x128xf32, #tpu.memory_space<vmem_shared>>)
      tpu.yield
    }) : () -> ()
    %add3A_19 = arith.constant 256 : i32
    %add3A_20 = arith.addi %mul3A_2, %add3A_19 : i32
    "tpu.region"() ({
      %run_scoped3A_54 = tpu.sem_alloc : memref<!tpu.dma_semaphore, #tpu.memory_space<semaphore_mem>>
      %dma_start3A_55 = arith.constant 0 : i32
      %dma_start3A_56 = tpu.memref_slice %arg5[%add3A_20, %dma_start3A_55] : memref<10240x128xf32, #tpu.memory_space<vmem_shared>> -> memref<128x128xf32, #tpu.memory_space<vmem_shared>>
      %dma_start3A_57 = arith.constant 0 : i32
      %dma_start3A_58 = tpu.memref_slice %arg5[%add3A_20, %dma_start3A_57] : memref<10240x128xf32, #tpu.memory_space<vmem_shared>> -> memref<128x128xf32, #tpu.memory_space<vmem_shared>>
      tpu.enqueue_dma source(%arg9 : memref<128x128xf32, #tpu.memory_space<vmem>>) target(%dma_start3A_58 : memref<128x128xf32, #tpu.memory_space<vmem_shared>>) target_semaphore(%run_scoped3A_54 : memref<!tpu.dma_semaphore, #tpu.memory_space<semaphore_mem>>)
      %dma_wait3A_59 = arith.constant 0 : i32
      %dma_wait3A_60 = tpu.memref_slice %arg5[%add3A_20, %dma_wait3A_59] : memref<10240x128xf32, #tpu.memory_space<vmem_shared>> -> memref<128x128xf32, #tpu.memory_space<vmem_shared>>
      %dma_wait3A_61 = arith.constant 0 : i32
      %dma_wait3A_62 = tpu.memref_slice %arg5[%add3A_20, %dma_wait3A_61] : memref<10240x128xf32, #tpu.memory_space<vmem_shared>> -> memref<128x128xf32, #tpu.memory_space<vmem_shared>>
      tpu.wait_dma2 semaphore(%run_scoped3A_54 : memref<!tpu.dma_semaphore, #tpu.memory_space<semaphore_mem>>) src(%arg9 : memref<128x128xf32, #tpu.memory_space<vmem>>) dst(%dma_wait3A_62 : memref<128x128xf32, #tpu.memory_space<vmem_shared>>)
      tpu.yield
    }) : () -> ()
    %add3A_21 = arith.constant 384 : i32
    %add3A_22 = arith.addi %mul3A_2, %add3A_21 : i32
    "tpu.region"() ({
      %run_scoped3A_54 = tpu.sem_alloc : memref<!tpu.dma_semaphore, #tpu.memory_space<semaphore_mem>>
      %dma_start3A_55 = arith.constant 0 : i32
      %dma_start3A_56 = tpu.memref_slice %arg5[%add3A_22, %dma_start3A_55] : memref<10240x128xf32, #tpu.memory_space<vmem_shared>> -> memref<128x128xf32, #tpu.memory_space<vmem_shared>>
      %dma_start3A_57 = arith.constant 0 : i32
      %dma_start3A_58 = tpu.memref_slice %arg5[%add3A_22, %dma_start3A_57] : memref<10240x128xf32, #tpu.memory_space<vmem_shared>> -> memref<128x128xf32, #tpu.memory_space<vmem_shared>>
      tpu.enqueue_dma source(%arg9 : memref<128x128xf32, #tpu.memory_space<vmem>>) target(%dma_start3A_58 : memref<128x128xf32, #tpu.memory_space<vmem_shared>>) target_semaphore(%run_scoped3A_54 : memref<!tpu.dma_semaphore, #tpu.memory_space<semaphore_mem>>)
      %dma_wait3A_59 = arith.constant 0 : i32
      %dma_wait3A_60 = tpu.memref_slice %arg5[%add3A_22, %dma_wait3A_59] : memref<10240x128xf32, #tpu.memory_space<vmem_shared>> -> memref<128x128xf32, #tpu.memory_space<vmem_shared>>
      %dma_wait3A_61 = arith.constant 0 : i32
      %dma_wait3A_62 = tpu.memref_slice %arg5[%add3A_22, %dma_wait3A_61] : memref<10240x128xf32, #tpu.memory_space<vmem_shared>> -> memref<128x128xf32, #tpu.memory_space<vmem_shared>>
      tpu.wait_dma2 semaphore(%run_scoped3A_54 : memref<!tpu.dma_semaphore, #tpu.memory_space<semaphore_mem>>) src(%arg9 : memref<128x128xf32, #tpu.memory_space<vmem>>) dst(%dma_wait3A_62 : memref<128x128xf32, #tpu.memory_space<vmem_shared>>)
      tpu.yield
    }) : () -> ()
    %add3A_23 = arith.constant 512 : i32
    %add3A_24 = arith.addi %mul3A_2, %add3A_23 : i32
    "tpu.region"() ({
      %run_scoped3A_54 = tpu.sem_alloc : memref<!tpu.dma_semaphore, #tpu.memory_space<semaphore_mem>>
      %dma_start3A_55 = arith.constant 0 : i32
      %dma_start3A_56 = tpu.memref_slice %arg5[%add3A_24, %dma_start3A_55] : memref<10240x128xf32, #tpu.memory_space<vmem_shared>> -> memref<128x128xf32, #tpu.memory_space<vmem_shared>>
      %dma_start3A_57 = arith.constant 0 : i32
      %dma_start3A_58 = tpu.memref_slice %arg5[%add3A_24, %dma_start3A_57] : memref<10240x128xf32, #tpu.memory_space<vmem_shared>> -> memref<128x128xf32, #tpu.memory_space<vmem_shared>>
      tpu.enqueue_dma source(%arg9 : memref<128x128xf32, #tpu.memory_space<vmem>>) target(%dma_start3A_58 : memref<128x128xf32, #tpu.memory_space<vmem_shared>>) target_semaphore(%run_scoped3A_54 : memref<!tpu.dma_semaphore, #tpu.memory_space<semaphore_mem>>)
      %dma_wait3A_59 = arith.constant 0 : i32
      %dma_wait3A_60 = tpu.memref_slice %arg5[%add3A_24, %dma_wait3A_59] : memref<10240x128xf32, #tpu.memory_space<vmem_shared>> -> memref<128x128xf32, #tpu.memory_space<vmem_shared>>
      %dma_wait3A_61 = arith.constant 0 : i32
      %dma_wait3A_62 = tpu.memref_slice %arg5[%add3A_24, %dma_wait3A_61] : memref<10240x128xf32, #tpu.memory_space<vmem_shared>> -> memref<128x128xf32, #tpu.memory_space<vmem_shared>>
      tpu.wait_dma2 semaphore(%run_scoped3A_54 : memref<!tpu.dma_semaphore, #tpu.memory_space<semaphore_mem>>) src(%arg9 : memref<128x128xf32, #tpu.memory_space<vmem>>) dst(%dma_wait3A_62 : memref<128x128xf32, #tpu.memory_space<vmem_shared>>)
      tpu.yield
    }) : () -> ()
    %barrier3A = arith.constant 0 : index
    tpu.barrier barrier_id(%barrier3A)
    %dma_start3A_25 = arith.constant 1 : i32
    %dma_start3A_26 = arith.constant 0 : i32
    %dma_start3A_27 = tpu.memref_slice %arg6[%dma_start3A_25, %dma_start3A_26] : memref<40x128xi32, #tpu.memory_space<vmem>> -> memref<1x128xi32, #tpu.memory_space<vmem>>
    %dma_start3A_28 = tpu.memref_squeeze %dma_start3A_27 : memref<1x128xi32, #tpu.memory_space<vmem>> -> memref<128xi32, #tpu.memory_space<vmem>>
    %dma_start3A_29 = arith.constant 0 : i32
    %dma_start3A_30 = arith.constant 0 : i32
    %dma_start3A_31 = tpu.memref_slice %arg2[%dma_start3A_29, %dma_start3A_30] : memref<10240x128xf32, #tpu.memory_space<hbm>> -> memref<10240x128xf32, #tpu.memory_space<hbm>>
    tpu.enqueue_indirect_dma source(%dma_start3A_31 : memref<10240x128xf32, #tpu.memory_space<hbm>>) target(%arg9 : memref<128x128xf32, #tpu.memory_space<vmem>>) offsets(%dma_start3A_28 : memref<128xi32, #tpu.memory_space<vmem>>) semaphore(%arg11 : memref<!tpu.dma_semaphore, #tpu.memory_space<semaphore_mem>>)
    %scan3A_32 = arith.constant 0 : i32
    %scan3A_33 = arith.constant 0 : i32
    %scan3A_34 = arith.constant 19 : i32
    %scan3A_35 = arith.addi %scan3A_33, %scan3A_34 : i32
    %scan3A_36 = arith.constant 1 : i32
    scf.for %scan3A_54 = %scan3A_33 to %scan3A_35 step %scan3A_36  : i32 {
      %mul3A_55 = arith.constant 2 : i32
      %mul3A_56 = arith.muli %scan3A_54, %mul3A_55 : i32
      %add3A_57 = arith.constant 0 : i32
      %add3A_58 = arith.addi %mul3A_56, %add3A_57 : i32
      %dma_wait3A_59 = arith.constant 0 : i32
      %dma_wait3A_60 = tpu.memref_slice %arg6[%add3A_58, %dma_wait3A_59] : memref<40x128xi32, #tpu.memory_space<vmem>> -> memref<1x128xi32, #tpu.memory_space<vmem>>
      %dma_wait3A_61 = tpu.memref_squeeze %dma_wait3A_60 : memref<1x128xi32, #tpu.memory_space<vmem>> -> memref<128xi32, #tpu.memory_space<vmem>>
      %dma_wait3A_62 = arith.constant 0 : i32
      %dma_wait3A_63 = arith.constant 0 : i32
      %dma_wait3A_64 = tpu.memref_slice %arg2[%dma_wait3A_62, %dma_wait3A_63] : memref<10240x128xf32, #tpu.memory_space<hbm>> -> memref<10240x128xf32, #tpu.memory_space<hbm>>
      tpu.wait_indirect_dma semaphore(%arg10 : memref<!tpu.dma_semaphore, #tpu.memory_space<semaphore_mem>>) src(%dma_wait3A_64 : memref<10240x128xf32, #tpu.memory_space<hbm>>) dst(%arg8 : memref<128x128xf32, #tpu.memory_space<vmem>>)
      %add3A_65 = arith.constant 0 : i32
      %add3A_66 = arith.addi %mul3A_56, %add3A_65 : i32
      "tpu.region"() ({
        %run_scoped3A_97 = tpu.sem_alloc : memref<!tpu.dma_semaphore, #tpu.memory_space<semaphore_mem>>
        %dma_start3A_98 = arith.constant 0 : i32
        %dma_start3A_99 = tpu.memref_slice %arg7[%add3A_66, %dma_start3A_98] : memref<40x128xi32, #tpu.memory_space<vmem>> -> memref<1x128xi32, #tpu.memory_space<vmem>>
        %dma_start3A_100 = tpu.memref_squeeze %dma_start3A_99 : memref<1x128xi32, #tpu.memory_space<vmem>> -> memref<128xi32, #tpu.memory_space<vmem>>
        %dma_start3A_101 = arith.constant 0 : i32
        %dma_start3A_102 = arith.constant 0 : i32
        %dma_start3A_103 = tpu.memref_slice %arg5[%dma_start3A_101, %dma_start3A_102] : memref<10240x128xf32, #tpu.memory_space<vmem_shared>> -> memref<10240x128xf32, #tpu.memory_space<vmem_shared>>
        tpu.enqueue_indirect_dma source(%arg8 : memref<128x128xf32, #tpu.memory_space<vmem>>) target(%dma_start3A_103 : memref<10240x128xf32, #tpu.memory_space<vmem_shared>>) offsets(%dma_start3A_100 : memref<128xi32, #tpu.memory_space<vmem>>) semaphore(%run_scoped3A_97 : memref<!tpu.dma_semaphore, #tpu.memory_space<semaphore_mem>>) {add = true}
        %dma_wait3A_104 = arith.constant 0 : i32
        %dma_wait3A_105 = tpu.memref_slice %arg7[%add3A_66, %dma_wait3A_104] : memref<40x128xi32, #tpu.memory_space<vmem>> -> memref<1x128xi32, #tpu.memory_space<vmem>>
        %dma_wait3A_106 = tpu.memref_squeeze %dma_wait3A_105 : memref<1x128xi32, #tpu.memory_space<vmem>> -> memref<128xi32, #tpu.memory_space<vmem>>
        %dma_wait3A_107 = arith.constant 0 : i32
        %dma_wait3A_108 = arith.constant 0 : i32
        %dma_wait3A_109 = tpu.memref_slice %arg5[%dma_wait3A_107, %dma_wait3A_108] : memref<10240x128xf32, #tpu.memory_space<vmem_shared>> -> memref<10240x128xf32, #tpu.memory_space<vmem_shared>>
        tpu.wait_indirect_dma semaphore(%run_scoped3A_97 : memref<!tpu.dma_semaphore, #tpu.memory_space<semaphore_mem>>) src(%arg8 : memref<128x128xf32, #tpu.memory_space<vmem>>) dst(%dma_wait3A_109 : memref<10240x128xf32, #tpu.memory_space<vmem_shared>>)
        tpu.yield
      }) : () -> ()
      %add3A_67 = arith.constant 0 : i32
      %add3A_68 = arith.addi %mul3A_56, %add3A_67 : i32
      %add3A_69 = arith.constant 2 : i32
      %add3A_70 = arith.addi %add3A_68, %add3A_69 : i32
      %dma_start3A_71 = arith.constant 0 : i32
      %dma_start3A_72 = tpu.memref_slice %arg6[%add3A_70, %dma_start3A_71] : memref<40x128xi32, #tpu.memory_space<vmem>> -> memref<1x128xi32, #tpu.memory_space<vmem>>
      %dma_start3A_73 = tpu.memref_squeeze %dma_start3A_72 : memref<1x128xi32, #tpu.memory_space<vmem>> -> memref<128xi32, #tpu.memory_space<vmem>>
      %dma_start3A_74 = arith.constant 0 : i32
      %dma_start3A_75 = arith.constant 0 : i32
      %dma_start3A_76 = tpu.memref_slice %arg2[%dma_start3A_74, %dma_start3A_75] : memref<10240x128xf32, #tpu.memory_space<hbm>> -> memref<10240x128xf32, #tpu.memory_space<hbm>>
      tpu.enqueue_indirect_dma source(%dma_start3A_76 : memref<10240x128xf32, #tpu.memory_space<hbm>>) target(%arg8 : memref<128x128xf32, #tpu.memory_space<vmem>>) offsets(%dma_start3A_73 : memref<128xi32, #tpu.memory_space<vmem>>) semaphore(%arg10 : memref<!tpu.dma_semaphore, #tpu.memory_space<semaphore_mem>>)
      %add3A_77 = arith.constant 1 : i32
      %add3A_78 = arith.addi %mul3A_56, %add3A_77 : i32
      %dma_wait3A_79 = arith.constant 0 : i32
      %dma_wait3A_80 = tpu.memref_slice %arg6[%add3A_78, %dma_wait3A_79] : memref<40x128xi32, #tpu.memory_space<vmem>> -> memref<1x128xi32, #tpu.memory_space<vmem>>
      %dma_wait3A_81 = tpu.memref_squeeze %dma_wait3A_80 : memref<1x128xi32, #tpu.memory_space<vmem>> -> memref<128xi32, #tpu.memory_space<vmem>>
      %dma_wait3A_82 = arith.constant 0 : i32
      %dma_wait3A_83 = arith.constant 0 : i32
      %dma_wait3A_84 = tpu.memref_slice %arg2[%dma_wait3A_82, %dma_wait3A_83] : memref<10240x128xf32, #tpu.memory_space<hbm>> -> memref<10240x128xf32, #tpu.memory_space<hbm>>
      tpu.wait_indirect_dma semaphore(%arg11 : memref<!tpu.dma_semaphore, #tpu.memory_space<semaphore_mem>>) src(%dma_wait3A_84 : memref<10240x128xf32, #tpu.memory_space<hbm>>) dst(%arg9 : memref<128x128xf32, #tpu.memory_space<vmem>>)
      %add3A_85 = arith.constant 1 : i32
      %add3A_86 = arith.addi %mul3A_56, %add3A_85 : i32
      "tpu.region"() ({
        %run_scoped3A_97 = tpu.sem_alloc : memref<!tpu.dma_semaphore, #tpu.memory_space<semaphore_mem>>
        %dma_start3A_98 = arith.constant 0 : i32
        %dma_start3A_99 = tpu.memref_slice %arg7[%add3A_86, %dma_start3A_98] : memref<40x128xi32, #tpu.memory_space<vmem>> -> memref<1x128xi32, #tpu.memory_space<vmem>>
        %dma_start3A_100 = tpu.memref_squeeze %dma_start3A_99 : memref<1x128xi32, #tpu.memory_space<vmem>> -> memref<128xi32, #tpu.memory_space<vmem>>
        %dma_start3A_101 = arith.constant 0 : i32
        %dma_start3A_102 = arith.constant 0 : i32
        %dma_start3A_103 = tpu.memref_slice %arg5[%dma_start3A_101, %dma_start3A_102] : memref<10240x128xf32, #tpu.memory_space<vmem_shared>> -> memref<10240x128xf32, #tpu.memory_space<vmem_shared>>
        tpu.enqueue_indirect_dma source(%arg9 : memref<128x128xf32, #tpu.memory_space<vmem>>) target(%dma_start3A_103 : memref<10240x128xf32, #tpu.memory_space<vmem_shared>>) offsets(%dma_start3A_100 : memref<128xi32, #tpu.memory_space<vmem>>) semaphore(%run_scoped3A_97 : memref<!tpu.dma_semaphore, #tpu.memory_space<semaphore_mem>>) {add = true}
        %dma_wait3A_104 = arith.constant 0 : i32
        %dma_wait3A_105 = tpu.memref_slice %arg7[%add3A_86, %dma_wait3A_104] : memref<40x128xi32, #tpu.memory_space<vmem>> -> memref<1x128xi32, #tpu.memory_space<vmem>>
        %dma_wait3A_106 = tpu.memref_squeeze %dma_wait3A_105 : memref<1x128xi32, #tpu.memory_space<vmem>> -> memref<128xi32, #tpu.memory_space<vmem>>
        %dma_wait3A_107 = arith.constant 0 : i32
        %dma_wait3A_108 = arith.constant 0 : i32
        %dma_wait3A_109 = tpu.memref_slice %arg5[%dma_wait3A_107, %dma_wait3A_108] : memref<10240x128xf32, #tpu.memory_space<vmem_shared>> -> memref<10240x128xf32, #tpu.memory_space<vmem_shared>>
        tpu.wait_indirect_dma semaphore(%run_scoped3A_97 : memref<!tpu.dma_semaphore, #tpu.memory_space<semaphore_mem>>) src(%arg9 : memref<128x128xf32, #tpu.memory_space<vmem>>) dst(%dma_wait3A_109 : memref<10240x128xf32, #tpu.memory_space<vmem_shared>>)
        tpu.yield
      }) : () -> ()
      %add3A_87 = arith.constant 1 : i32
      %add3A_88 = arith.addi %mul3A_56, %add3A_87 : i32
      %add3A_89 = arith.constant 2 : i32
      %add3A_90 = arith.addi %add3A_88, %add3A_89 : i32
      %dma_start3A_91 = arith.constant 0 : i32
      %dma_start3A_92 = tpu.memref_slice %arg6[%add3A_90, %dma_start3A_91] : memref<40x128xi32, #tpu.memory_space<vmem>> -> memref<1x128xi32, #tpu.memory_space<vmem>>
      %dma_start3A_93 = tpu.memref_squeeze %dma_start3A_92 : memref<1x128xi32, #tpu.memory_space<vmem>> -> memref<128xi32, #tpu.memory_space<vmem>>
      %dma_start3A_94 = arith.constant 0 : i32
      %dma_start3A_95 = arith.constant 0 : i32
      %dma_start3A_96 = tpu.memref_slice %arg2[%dma_start3A_94, %dma_start3A_95] : memref<10240x128xf32, #tpu.memory_space<hbm>> -> memref<10240x128xf32, #tpu.memory_space<hbm>>
      tpu.enqueue_indirect_dma source(%dma_start3A_96 : memref<10240x128xf32, #tpu.memory_space<hbm>>) target(%arg9 : memref<128x128xf32, #tpu.memory_space<vmem>>) offsets(%dma_start3A_93 : memref<128xi32, #tpu.memory_space<vmem>>) semaphore(%arg11 : memref<!tpu.dma_semaphore, #tpu.memory_space<semaphore_mem>>)
    }
    %scan3A_37 = arith.constant 19 : i32
    %dma_wait3A = arith.constant 38 : i32
    %dma_wait3A_38 = arith.constant 0 : i32
    %dma_wait3A_39 = tpu.memref_slice %arg6[%dma_wait3A, %dma_wait3A_38] : memref<40x128xi32, #tpu.memory_space<vmem>> -> memref<1x128xi32, #tpu.memory_space<vmem>>
    %dma_wait3A_40 = tpu.memref_squeeze %dma_wait3A_39 : memref<1x128xi32, #tpu.memory_space<vmem>> -> memref<128xi32, #tpu.memory_space<vmem>>
    %dma_wait3A_41 = arith.constant 0 : i32
    %dma_wait3A_42 = arith.constant 0 : i32
    %dma_wait3A_43 = tpu.memref_slice %arg2[%dma_wait3A_41, %dma_wait3A_42] : memref<10240x128xf32, #tpu.memory_space<hbm>> -> memref<10240x128xf32, #tpu.memory_space<hbm>>
    tpu.wait_indirect_dma semaphore(%arg10 : memref<!tpu.dma_semaphore, #tpu.memory_space<semaphore_mem>>) src(%dma_wait3A_43 : memref<10240x128xf32, #tpu.memory_space<hbm>>) dst(%arg8 : memref<128x128xf32, #tpu.memory_space<vmem>>)
    %run_scoped3A_44 = arith.constant 38 : i32
    "tpu.region"() ({
      %run_scoped3A_54 = tpu.sem_alloc : memref<!tpu.dma_semaphore, #tpu.memory_space<semaphore_mem>>
      %dma_start3A_55 = arith.constant 0 : i32
      %dma_start3A_56 = tpu.memref_slice %arg7[%run_scoped3A_44, %dma_start3A_55] : memref<40x128xi32, #tpu.memory_space<vmem>> -> memref<1x128xi32, #tpu.memory_space<vmem>>
      %dma_start3A_57 = tpu.memref_squeeze %dma_start3A_56 : memref<1x128xi32, #tpu.memory_space<vmem>> -> memref<128xi32, #tpu.memory_space<vmem>>
      %dma_start3A_58 = arith.constant 0 : i32
      %dma_start3A_59 = arith.constant 0 : i32
      %dma_start3A_60 = tpu.memref_slice %arg5[%dma_start3A_58, %dma_start3A_59] : memref<10240x128xf32, #tpu.memory_space<vmem_shared>> -> memref<10240x128xf32, #tpu.memory_space<vmem_shared>>
      tpu.enqueue_indirect_dma source(%arg8 : memref<128x128xf32, #tpu.memory_space<vmem>>) target(%dma_start3A_60 : memref<10240x128xf32, #tpu.memory_space<vmem_shared>>) offsets(%dma_start3A_57 : memref<128xi32, #tpu.memory_space<vmem>>) semaphore(%run_scoped3A_54 : memref<!tpu.dma_semaphore, #tpu.memory_space<semaphore_mem>>) {add = true}
      %dma_wait3A_61 = arith.constant 0 : i32
      %dma_wait3A_62 = tpu.memref_slice %arg7[%run_scoped3A_44, %dma_wait3A_61] : memref<40x128xi32, #tpu.memory_space<vmem>> -> memref<1x128xi32, #tpu.memory_space<vmem>>
      %dma_wait3A_63 = tpu.memref_squeeze %dma_wait3A_62 : memref<1x128xi32, #tpu.memory_space<vmem>> -> memref<128xi32, #tpu.memory_space<vmem>>
      %dma_wait3A_64 = arith.constant 0 : i32
      %dma_wait3A_65 = arith.constant 0 : i32
      %dma_wait3A_66 = tpu.memref_slice %arg5[%dma_wait3A_64, %dma_wait3A_65] : memref<10240x128xf32, #tpu.memory_space<vmem_shared>> -> memref<10240x128xf32, #tpu.memory_space<vmem_shared>>
      tpu.wait_indirect_dma semaphore(%run_scoped3A_54 : memref<!tpu.dma_semaphore, #tpu.memory_space<semaphore_mem>>) src(%arg8 : memref<128x128xf32, #tpu.memory_space<vmem>>) dst(%dma_wait3A_66 : memref<10240x128xf32, #tpu.memory_space<vmem_shared>>)
      tpu.yield
    }) : () -> ()
    %dma_wait3A_45 = arith.constant 39 : i32
    %dma_wait3A_46 = arith.constant 0 : i32
    %dma_wait3A_47 = tpu.memref_slice %arg6[%dma_wait3A_45, %dma_wait3A_46] : memref<40x128xi32, #tpu.memory_space<vmem>> -> memref<1x128xi32, #tpu.memory_space<vmem>>
    %dma_wait3A_48 = tpu.memref_squeeze %dma_wait3A_47 : memref<1x128xi32, #tpu.memory_space<vmem>> -> memref<128xi32, #tpu.memory_space<vmem>>
    %dma_wait3A_49 = arith.constant 0 : i32
    %dma_wait3A_50 = arith.constant 0 : i32
    %dma_wait3A_51 = tpu.memref_slice %arg2[%dma_wait3A_49, %dma_wait3A_50] : memref<10240x128xf32, #tpu.memory_space<hbm>> -> memref<10240x128xf32, #tpu.memory_space<hbm>>
    tpu.wait_indirect_dma semaphore(%arg11 : memref<!tpu.dma_semaphore, #tpu.memory_space<semaphore_mem>>) src(%dma_wait3A_51 : memref<10240x128xf32, #tpu.memory_space<hbm>>) dst(%arg9 : memref<128x128xf32, #tpu.memory_space<vmem>>)
    %run_scoped3A_52 = arith.constant 39 : i32
    "tpu.region"() ({
      %run_scoped3A_54 = tpu.sem_alloc : memref<!tpu.dma_semaphore, #tpu.memory_space<semaphore_mem>>
      %dma_start3A_55 = arith.constant 0 : i32
      %dma_start3A_56 = tpu.memref_slice %arg7[%run_scoped3A_52, %dma_start3A_55] : memref<40x128xi32, #tpu.memory_space<vmem>> -> memref<1x128xi32, #tpu.memory_space<vmem>>
      %dma_start3A_57 = tpu.memref_squeeze %dma_start3A_56 : memref<1x128xi32, #tpu.memory_space<vmem>> -> memref<128xi32, #tpu.memory_space<vmem>>
      %dma_start3A_58 = arith.constant 0 : i32
      %dma_start3A_59 = arith.constant 0 : i32
      %dma_start3A_60 = tpu.memref_slice %arg5[%dma_start3A_58, %dma_start3A_59] : memref<10240x128xf32, #tpu.memory_space<vmem_shared>> -> memref<10240x128xf32, #tpu.memory_space<vmem_shared>>
      tpu.enqueue_indirect_dma source(%arg9 : memref<128x128xf32, #tpu.memory_space<vmem>>) target(%dma_start3A_60 : memref<10240x128xf32, #tpu.memory_space<vmem_shared>>) offsets(%dma_start3A_57 : memref<128xi32, #tpu.memory_space<vmem>>) semaphore(%run_scoped3A_54 : memref<!tpu.dma_semaphore, #tpu.memory_space<semaphore_mem>>) {add = true}
      %dma_wait3A_61 = arith.constant 0 : i32
      %dma_wait3A_62 = tpu.memref_slice %arg7[%run_scoped3A_52, %dma_wait3A_61] : memref<40x128xi32, #tpu.memory_space<vmem>> -> memref<1x128xi32, #tpu.memory_space<vmem>>
      %dma_wait3A_63 = tpu.memref_squeeze %dma_wait3A_62 : memref<1x128xi32, #tpu.memory_space<vmem>> -> memref<128xi32, #tpu.memory_space<vmem>>
      %dma_wait3A_64 = arith.constant 0 : i32
      %dma_wait3A_65 = arith.constant 0 : i32
      %dma_wait3A_66 = tpu.memref_slice %arg5[%dma_wait3A_64, %dma_wait3A_65] : memref<10240x128xf32, #tpu.memory_space<vmem_shared>> -> memref<10240x128xf32, #tpu.memory_space<vmem_shared>>
      tpu.wait_indirect_dma semaphore(%run_scoped3A_54 : memref<!tpu.dma_semaphore, #tpu.memory_space<semaphore_mem>>) src(%arg9 : memref<128x128xf32, #tpu.memory_space<vmem>>) dst(%dma_wait3A_66 : memref<10240x128xf32, #tpu.memory_space<vmem_shared>>)
      tpu.yield
    }) : () -> ()
    %barrier3A_53 = arith.constant 0 : index
    tpu.barrier barrier_id(%barrier3A_53)
    "tpu.region"() ({
      %run_scoped3A_54 = tpu.sem_alloc : memref<!tpu.dma_semaphore, #tpu.memory_space<semaphore_mem>>
      %dma_start3A_55 = arith.constant 0 : i32
      %dma_start3A_56 = tpu.memref_slice %arg4[%arg0, %mul3A_2, %dma_start3A_55] : memref<2x10240x128xf32, #tpu.memory_space<hbm>> -> memref<1x640x128xf32, #tpu.memory_space<hbm>>
      %dma_start3A_57 = tpu.memref_squeeze %dma_start3A_56 : memref<1x640x128xf32, #tpu.memory_space<hbm>> -> memref<640x128xf32, #tpu.memory_space<hbm>>
      %dma_start3A_58 = arith.constant 0 : i32
      %dma_start3A_59 = tpu.memref_slice %arg5[%mul3A_2, %dma_start3A_58] : memref<10240x128xf32, #tpu.memory_space<vmem_shared>> -> memref<640x128xf32, #tpu.memory_space<vmem_shared>>
      tpu.enqueue_dma source(%dma_start3A_59 : memref<640x128xf32, #tpu.memory_space<vmem_shared>>) target(%dma_start3A_57 : memref<640x128xf32, #tpu.memory_space<hbm>>) target_semaphore(%run_scoped3A_54 : memref<!tpu.dma_semaphore, #tpu.memory_space<semaphore_mem>>)
      %dma_wait3A_60 = arith.constant 0 : i32
      %dma_wait3A_61 = tpu.memref_slice %arg4[%arg0, %mul3A_2, %dma_wait3A_60] : memref<2x10240x128xf32, #tpu.memory_space<hbm>> -> memref<1x640x128xf32, #tpu.memory_space<hbm>>
      %dma_wait3A_62 = tpu.memref_squeeze %dma_wait3A_61 : memref<1x640x128xf32, #tpu.memory_space<hbm>> -> memref<640x128xf32, #tpu.memory_space<hbm>>
      %dma_wait3A_63 = arith.constant 0 : i32
      %dma_wait3A_64 = tpu.memref_slice %arg5[%mul3A_2, %dma_wait3A_63] : memref<10240x128xf32, #tpu.memory_space<vmem_shared>> -> memref<640x128xf32, #tpu.memory_space<vmem_shared>>
      tpu.wait_dma2 semaphore(%run_scoped3A_54 : memref<!tpu.dma_semaphore, #tpu.memory_space<semaphore_mem>>) src(%dma_wait3A_64 : memref<640x128xf32, #tpu.memory_space<vmem_shared>>) dst(%dma_wait3A_62 : memref<640x128xf32, #tpu.memory_space<hbm>>)
      tpu.yield
    }) : () -> ()
    return
  }
}

#map = affine_map<(d0, d1) -> (0, 0)>
#map1 = affine_map<(d0, d1) -> (0, 0, 0, 0)>
#map2 = affine_map<(d0, d1) -> (0, 0, 0)>
module attributes {stable_mosaic.version = 14 : i64} {
  func.func @body(%arg0: i32, %arg1: i32, %arg2: memref<10240x128xf32, #tpu.memory_space<hbm>>, %arg3: memref<2x32x40x128xi32, #tpu.memory_space<hbm>>, %arg4: memref<2x10240x128xf32, #tpu.memory_space<hbm>>, %arg5: memref<2x10240xf32, #tpu.memory_space<hbm>>, %arg6: memref<10240x128xf32, #tpu.memory_space<vmem_shared>>, %arg7: memref<40x128xi32, #tpu.memory_space<vmem>>, %arg8: memref<40x128xi32, #tpu.memory_space<vmem>>, %arg9: memref<128x128xf32, #tpu.memory_space<vmem>>, %arg10: memref<128x128xf32, #tpu.memory_space<vmem>>, %arg11: memref<!tpu.dma_semaphore, #tpu.memory_space<semaphore_mem>>, %arg12: memref<!tpu.dma_semaphore, #tpu.memory_space<semaphore_mem>>, %arg13: memref<10240xf32, #tpu.memory_space<vmem_shared>>, %arg14: memref<128xf32, #tpu.memory_space<vmem>>) attributes {dimension_semantics = [#tpu.dimension_semantics<core_parallel>, #tpu.dimension_semantics<subcore_parallel>], iteration_bounds = array<i64: 2, 16>, scalar_prefetch = 0 : i64, scratch_operands = 9 : i64, tpu.core_type = #tpu.core_type<sc_vector_subcore>, window_params = [{transform_indices = #map}, {transform_indices = #map1}, {transform_indices = #map2}, {transform_indices = #map}]} {
    %mul3A = arith.constant 2 : i32
    %mul3A_0 = arith.muli %arg1, %mul3A : i32
    %add3A = arith.addi %mul3A_0, %arg0 : i32
    %mul3A_1 = arith.constant 640 : i32
    %mul3A_2 = arith.muli %arg1, %mul3A_1 : i32
    %run_scoped3A = arith.constant 0 : i32
    "tpu.region"() ({
      %run_scoped3A_117 = tpu.sem_alloc : memref<!tpu.dma_semaphore, #tpu.memory_space<semaphore_mem>>
      %dma_start3A_118 = arith.constant 0 : i32
      %dma_start3A_119 = arith.constant 0 : i32
      %dma_start3A_120 = tpu.memref_slice %arg3[%run_scoped3A, %add3A, %dma_start3A_118, %dma_start3A_119] : memref<2x32x40x128xi32, #tpu.memory_space<hbm>> -> memref<1x1x40x128xi32, #tpu.memory_space<hbm>>
      %dma_start3A_121 = tpu.memref_squeeze %dma_start3A_120 : memref<1x1x40x128xi32, #tpu.memory_space<hbm>> -> memref<40x128xi32, #tpu.memory_space<hbm>>
      %dma_start3A_122 = arith.constant 0 : i32
      %dma_start3A_123 = arith.constant 0 : i32
      %dma_start3A_124 = tpu.memref_slice %arg3[%run_scoped3A, %add3A, %dma_start3A_122, %dma_start3A_123] : memref<2x32x40x128xi32, #tpu.memory_space<hbm>> -> memref<1x1x40x128xi32, #tpu.memory_space<hbm>>
      %dma_start3A_125 = tpu.memref_squeeze %dma_start3A_124 : memref<1x1x40x128xi32, #tpu.memory_space<hbm>> -> memref<40x128xi32, #tpu.memory_space<hbm>>
      tpu.enqueue_dma source(%dma_start3A_125 : memref<40x128xi32, #tpu.memory_space<hbm>>) target(%arg7 : memref<40x128xi32, #tpu.memory_space<vmem>>) target_semaphore(%run_scoped3A_117 : memref<!tpu.dma_semaphore, #tpu.memory_space<semaphore_mem>>)
      %dma_wait3A_126 = arith.constant 0 : i32
      %dma_wait3A_127 = arith.constant 0 : i32
      %dma_wait3A_128 = tpu.memref_slice %arg3[%run_scoped3A, %add3A, %dma_wait3A_126, %dma_wait3A_127] : memref<2x32x40x128xi32, #tpu.memory_space<hbm>> -> memref<1x1x40x128xi32, #tpu.memory_space<hbm>>
      %dma_wait3A_129 = tpu.memref_squeeze %dma_wait3A_128 : memref<1x1x40x128xi32, #tpu.memory_space<hbm>> -> memref<40x128xi32, #tpu.memory_space<hbm>>
      %dma_wait3A_130 = arith.constant 0 : i32
      %dma_wait3A_131 = arith.constant 0 : i32
      %dma_wait3A_132 = tpu.memref_slice %arg3[%run_scoped3A, %add3A, %dma_wait3A_130, %dma_wait3A_131] : memref<2x32x40x128xi32, #tpu.memory_space<hbm>> -> memref<1x1x40x128xi32, #tpu.memory_space<hbm>>
      %dma_wait3A_133 = tpu.memref_squeeze %dma_wait3A_132 : memref<1x1x40x128xi32, #tpu.memory_space<hbm>> -> memref<40x128xi32, #tpu.memory_space<hbm>>
      tpu.wait_dma2 semaphore(%run_scoped3A_117 : memref<!tpu.dma_semaphore, #tpu.memory_space<semaphore_mem>>) src(%dma_wait3A_133 : memref<40x128xi32, #tpu.memory_space<hbm>>) dst(%arg7 : memref<40x128xi32, #tpu.memory_space<vmem>>)
      tpu.yield
    }) : () -> ()
    %run_scoped3A_3 = arith.constant 1 : i32
    "tpu.region"() ({
      %run_scoped3A_117 = tpu.sem_alloc : memref<!tpu.dma_semaphore, #tpu.memory_space<semaphore_mem>>
      %dma_start3A_118 = arith.constant 0 : i32
      %dma_start3A_119 = arith.constant 0 : i32
      %dma_start3A_120 = tpu.memref_slice %arg3[%run_scoped3A_3, %add3A, %dma_start3A_118, %dma_start3A_119] : memref<2x32x40x128xi32, #tpu.memory_space<hbm>> -> memref<1x1x40x128xi32, #tpu.memory_space<hbm>>
      %dma_start3A_121 = tpu.memref_squeeze %dma_start3A_120 : memref<1x1x40x128xi32, #tpu.memory_space<hbm>> -> memref<40x128xi32, #tpu.memory_space<hbm>>
      %dma_start3A_122 = arith.constant 0 : i32
      %dma_start3A_123 = arith.constant 0 : i32
      %dma_start3A_124 = tpu.memref_slice %arg3[%run_scoped3A_3, %add3A, %dma_start3A_122, %dma_start3A_123] : memref<2x32x40x128xi32, #tpu.memory_space<hbm>> -> memref<1x1x40x128xi32, #tpu.memory_space<hbm>>
      %dma_start3A_125 = tpu.memref_squeeze %dma_start3A_124 : memref<1x1x40x128xi32, #tpu.memory_space<hbm>> -> memref<40x128xi32, #tpu.memory_space<hbm>>
      tpu.enqueue_dma source(%dma_start3A_125 : memref<40x128xi32, #tpu.memory_space<hbm>>) target(%arg8 : memref<40x128xi32, #tpu.memory_space<vmem>>) target_semaphore(%run_scoped3A_117 : memref<!tpu.dma_semaphore, #tpu.memory_space<semaphore_mem>>)
      %dma_wait3A_126 = arith.constant 0 : i32
      %dma_wait3A_127 = arith.constant 0 : i32
      %dma_wait3A_128 = tpu.memref_slice %arg3[%run_scoped3A_3, %add3A, %dma_wait3A_126, %dma_wait3A_127] : memref<2x32x40x128xi32, #tpu.memory_space<hbm>> -> memref<1x1x40x128xi32, #tpu.memory_space<hbm>>
      %dma_wait3A_129 = tpu.memref_squeeze %dma_wait3A_128 : memref<1x1x40x128xi32, #tpu.memory_space<hbm>> -> memref<40x128xi32, #tpu.memory_space<hbm>>
      %dma_wait3A_130 = arith.constant 0 : i32
      %dma_wait3A_131 = arith.constant 0 : i32
      %dma_wait3A_132 = tpu.memref_slice %arg3[%run_scoped3A_3, %add3A, %dma_wait3A_130, %dma_wait3A_131] : memref<2x32x40x128xi32, #tpu.memory_space<hbm>> -> memref<1x1x40x128xi32, #tpu.memory_space<hbm>>
      %dma_wait3A_133 = tpu.memref_squeeze %dma_wait3A_132 : memref<1x1x40x128xi32, #tpu.memory_space<hbm>> -> memref<40x128xi32, #tpu.memory_space<hbm>>
      tpu.wait_dma2 semaphore(%run_scoped3A_117 : memref<!tpu.dma_semaphore, #tpu.memory_space<semaphore_mem>>) src(%dma_wait3A_133 : memref<40x128xi32, #tpu.memory_space<hbm>>) dst(%arg8 : memref<40x128xi32, #tpu.memory_space<vmem>>)
      tpu.yield
    }) : () -> ()
    %dma_start3A = arith.constant 0 : i32
    %dma_start3A_4 = arith.constant 0 : i32
    %dma_start3A_5 = tpu.memref_slice %arg7[%dma_start3A, %dma_start3A_4] : memref<40x128xi32, #tpu.memory_space<vmem>> -> memref<1x128xi32, #tpu.memory_space<vmem>>
    %dma_start3A_6 = tpu.memref_squeeze %dma_start3A_5 : memref<1x128xi32, #tpu.memory_space<vmem>> -> memref<128xi32, #tpu.memory_space<vmem>>
    %dma_start3A_7 = arith.constant 0 : i32
    %dma_start3A_8 = arith.constant 0 : i32
    %dma_start3A_9 = tpu.memref_slice %arg2[%dma_start3A_7, %dma_start3A_8] : memref<10240x128xf32, #tpu.memory_space<hbm>> -> memref<10240x128xf32, #tpu.memory_space<hbm>>
    tpu.enqueue_indirect_dma source(%dma_start3A_9 : memref<10240x128xf32, #tpu.memory_space<hbm>>) target(%arg9 : memref<128x128xf32, #tpu.memory_space<vmem>>) offsets(%dma_start3A_6 : memref<128xi32, #tpu.memory_space<vmem>>) semaphore(%arg11 : memref<!tpu.dma_semaphore, #tpu.memory_space<semaphore_mem>>)
    %scan3A = arith.constant 0 : i32
    %scan3A_10 = arith.constant 0 : i32
    %scan3A_11 = arith.constant 128 : i32
    %scan3A_12 = arith.addi %scan3A_10, %scan3A_11 : i32
    %scan3A_13 = arith.constant 1 : i32
    scf.for %scan3A_117 = %scan3A_10 to %scan3A_12 step %scan3A_13  : i32 {
      %broadcast_in_dim3A_118 = arith.constant 0.000000e+00 : f32
      %broadcast_in_dim3A_119 = vector.broadcast %broadcast_in_dim3A_118 : f32 to vector<16xf32>
      %swap3A_120 = arith.index_cast %scan3A_117 : i32 to index
      %swap3A_121 = arith.constant 0 : index
      %swap3A_122 = tpu.vector_load %arg10[%swap3A_120, %swap3A_121] {strides = array<i32>} : memref<128x128xf32, #tpu.memory_space<vmem>>, vector<1x16xf32>,
      %swap3A_123 = vector.shape_cast %swap3A_122 : vector<1x16xf32> to vector<16xf32>
      %swap3A_124 = vector.shape_cast %broadcast_in_dim3A_119 : vector<16xf32> to vector<1x16xf32>
      tpu.vector_store %arg10[%swap3A_120, %swap3A_121], %swap3A_124 {strides = array<i32>} : memref<128x128xf32, #tpu.memory_space<vmem>>, vector<1x16xf32>,
      %broadcast_in_dim3A_125 = arith.constant 0.000000e+00 : f32
      %broadcast_in_dim3A_126 = vector.broadcast %broadcast_in_dim3A_125 : f32 to vector<16xf32>
      %swap3A_127 = arith.index_cast %scan3A_117 : i32 to index
      %swap3A_128 = arith.constant 16 : index
      %swap3A_129 = tpu.vector_load %arg10[%swap3A_127, %swap3A_128] {strides = array<i32>} : memref<128x128xf32, #tpu.memory_space<vmem>>, vector<1x16xf32>,
      %swap3A_130 = vector.shape_cast %swap3A_129 : vector<1x16xf32> to vector<16xf32>
      %swap3A_131 = vector.shape_cast %broadcast_in_dim3A_126 : vector<16xf32> to vector<1x16xf32>
      tpu.vector_store %arg10[%swap3A_127, %swap3A_128], %swap3A_131 {strides = array<i32>} : memref<128x128xf32, #tpu.memory_space<vmem>>, vector<1x16xf32>,
      %broadcast_in_dim3A_132 = arith.constant 0.000000e+00 : f32
      %broadcast_in_dim3A_133 = vector.broadcast %broadcast_in_dim3A_132 : f32 to vector<16xf32>
      %swap3A_134 = arith.index_cast %scan3A_117 : i32 to index
      %swap3A_135 = arith.constant 32 : index
      %swap3A_136 = tpu.vector_load %arg10[%swap3A_134, %swap3A_135] {strides = array<i32>} : memref<128x128xf32, #tpu.memory_space<vmem>>, vector<1x16xf32>,
      %swap3A_137 = vector.shape_cast %swap3A_136 : vector<1x16xf32> to vector<16xf32>
      %swap3A_138 = vector.shape_cast %broadcast_in_dim3A_133 : vector<16xf32> to vector<1x16xf32>
      tpu.vector_store %arg10[%swap3A_134, %swap3A_135], %swap3A_138 {strides = array<i32>} : memref<128x128xf32, #tpu.memory_space<vmem>>, vector<1x16xf32>,
      %broadcast_in_dim3A_139 = arith.constant 0.000000e+00 : f32
      %broadcast_in_dim3A_140 = vector.broadcast %broadcast_in_dim3A_139 : f32 to vector<16xf32>
      %swap3A_141 = arith.index_cast %scan3A_117 : i32 to index
      %swap3A_142 = arith.constant 48 : index
      %swap3A_143 = tpu.vector_load %arg10[%swap3A_141, %swap3A_142] {strides = array<i32>} : memref<128x128xf32, #tpu.memory_space<vmem>>, vector<1x16xf32>,
      %swap3A_144 = vector.shape_cast %swap3A_143 : vector<1x16xf32> to vector<16xf32>
      %swap3A_145 = vector.shape_cast %broadcast_in_dim3A_140 : vector<16xf32> to vector<1x16xf32>
      tpu.vector_store %arg10[%swap3A_141, %swap3A_142], %swap3A_145 {strides = array<i32>} : memref<128x128xf32, #tpu.memory_space<vmem>>, vector<1x16xf32>,
      %broadcast_in_dim3A_146 = arith.constant 0.000000e+00 : f32
      %broadcast_in_dim3A_147 = vector.broadcast %broadcast_in_dim3A_146 : f32 to vector<16xf32>
      %swap3A_148 = arith.index_cast %scan3A_117 : i32 to index
      %swap3A_149 = arith.constant 64 : index
      %swap3A_150 = tpu.vector_load %arg10[%swap3A_148, %swap3A_149] {strides = array<i32>} : memref<128x128xf32, #tpu.memory_space<vmem>>, vector<1x16xf32>,
      %swap3A_151 = vector.shape_cast %swap3A_150 : vector<1x16xf32> to vector<16xf32>
      %swap3A_152 = vector.shape_cast %broadcast_in_dim3A_147 : vector<16xf32> to vector<1x16xf32>
      tpu.vector_store %arg10[%swap3A_148, %swap3A_149], %swap3A_152 {strides = array<i32>} : memref<128x128xf32, #tpu.memory_space<vmem>>, vector<1x16xf32>,
      %broadcast_in_dim3A_153 = arith.constant 0.000000e+00 : f32
      %broadcast_in_dim3A_154 = vector.broadcast %broadcast_in_dim3A_153 : f32 to vector<16xf32>
      %swap3A_155 = arith.index_cast %scan3A_117 : i32 to index
      %swap3A_156 = arith.constant 80 : index
      %swap3A_157 = tpu.vector_load %arg10[%swap3A_155, %swap3A_156] {strides = array<i32>} : memref<128x128xf32, #tpu.memory_space<vmem>>, vector<1x16xf32>,
      %swap3A_158 = vector.shape_cast %swap3A_157 : vector<1x16xf32> to vector<16xf32>
      %swap3A_159 = vector.shape_cast %broadcast_in_dim3A_154 : vector<16xf32> to vector<1x16xf32>
      tpu.vector_store %arg10[%swap3A_155, %swap3A_156], %swap3A_159 {strides = array<i32>} : memref<128x128xf32, #tpu.memory_space<vmem>>, vector<1x16xf32>,
      %broadcast_in_dim3A_160 = arith.constant 0.000000e+00 : f32
      %broadcast_in_dim3A_161 = vector.broadcast %broadcast_in_dim3A_160 : f32 to vector<16xf32>
      %swap3A_162 = arith.index_cast %scan3A_117 : i32 to index
      %swap3A_163 = arith.constant 96 : index
      %swap3A_164 = tpu.vector_load %arg10[%swap3A_162, %swap3A_163] {strides = array<i32>} : memref<128x128xf32, #tpu.memory_space<vmem>>, vector<1x16xf32>,
      %swap3A_165 = vector.shape_cast %swap3A_164 : vector<1x16xf32> to vector<16xf32>
      %swap3A_166 = vector.shape_cast %broadcast_in_dim3A_161 : vector<16xf32> to vector<1x16xf32>
      tpu.vector_store %arg10[%swap3A_162, %swap3A_163], %swap3A_166 {strides = array<i32>} : memref<128x128xf32, #tpu.memory_space<vmem>>, vector<1x16xf32>,
      %broadcast_in_dim3A_167 = arith.constant 0.000000e+00 : f32
      %broadcast_in_dim3A_168 = vector.broadcast %broadcast_in_dim3A_167 : f32 to vector<16xf32>
      %swap3A_169 = arith.index_cast %scan3A_117 : i32 to index
      %swap3A_170 = arith.constant 112 : index
      %swap3A_171 = tpu.vector_load %arg10[%swap3A_169, %swap3A_170] {strides = array<i32>} : memref<128x128xf32, #tpu.memory_space<vmem>>, vector<1x16xf32>,
      %swap3A_172 = vector.shape_cast %swap3A_171 : vector<1x16xf32> to vector<16xf32>
      %swap3A_173 = vector.shape_cast %broadcast_in_dim3A_168 : vector<16xf32> to vector<1x16xf32>
      tpu.vector_store %arg10[%swap3A_169, %swap3A_170], %swap3A_173 {strides = array<i32>} : memref<128x128xf32, #tpu.memory_space<vmem>>, vector<1x16xf32>,
    }
    %scan3A_14 = arith.constant 128 : i32
    %add3A_15 = arith.constant 0 : i32
    %add3A_16 = arith.addi %mul3A_2, %add3A_15 : i32
    "tpu.region"() ({
      %run_scoped3A_117 = tpu.sem_alloc : memref<!tpu.dma_semaphore, #tpu.memory_space<semaphore_mem>>
      %dma_start3A_118 = arith.constant 0 : i32
      %dma_start3A_119 = tpu.memref_slice %arg6[%add3A_16, %dma_start3A_118] : memref<10240x128xf32, #tpu.memory_space<vmem_shared>> -> memref<128x128xf32, #tpu.memory_space<vmem_shared>>
      %dma_start3A_120 = arith.constant 0 : i32
      %dma_start3A_121 = tpu.memref_slice %arg6[%add3A_16, %dma_start3A_120] : memref<10240x128xf32, #tpu.memory_space<vmem_shared>> -> memref<128x128xf32, #tpu.memory_space<vmem_shared>>
      tpu.enqueue_dma source(%arg10 : memref<128x128xf32, #tpu.memory_space<vmem>>) target(%dma_start3A_121 : memref<128x128xf32, #tpu.memory_space<vmem_shared>>) target_semaphore(%run_scoped3A_117 : memref<!tpu.dma_semaphore, #tpu.memory_space<semaphore_mem>>)
      %dma_wait3A_122 = arith.constant 0 : i32
      %dma_wait3A_123 = tpu.memref_slice %arg6[%add3A_16, %dma_wait3A_122] : memref<10240x128xf32, #tpu.memory_space<vmem_shared>> -> memref<128x128xf32, #tpu.memory_space<vmem_shared>>
      %dma_wait3A_124 = arith.constant 0 : i32
      %dma_wait3A_125 = tpu.memref_slice %arg6[%add3A_16, %dma_wait3A_124] : memref<10240x128xf32, #tpu.memory_space<vmem_shared>> -> memref<128x128xf32, #tpu.memory_space<vmem_shared>>
      tpu.wait_dma2 semaphore(%run_scoped3A_117 : memref<!tpu.dma_semaphore, #tpu.memory_space<semaphore_mem>>) src(%arg10 : memref<128x128xf32, #tpu.memory_space<vmem>>) dst(%dma_wait3A_125 : memref<128x128xf32, #tpu.memory_space<vmem_shared>>)
      tpu.yield
    }) : () -> ()
    %add3A_17 = arith.constant 128 : i32
    %add3A_18 = arith.addi %mul3A_2, %add3A_17 : i32
    "tpu.region"() ({
      %run_scoped3A_117 = tpu.sem_alloc : memref<!tpu.dma_semaphore, #tpu.memory_space<semaphore_mem>>
      %dma_start3A_118 = arith.constant 0 : i32
      %dma_start3A_119 = tpu.memref_slice %arg6[%add3A_18, %dma_start3A_118] : memref<10240x128xf32, #tpu.memory_space<vmem_shared>> -> memref<128x128xf32, #tpu.memory_space<vmem_shared>>
      %dma_start3A_120 = arith.constant 0 : i32
      %dma_start3A_121 = tpu.memref_slice %arg6[%add3A_18, %dma_start3A_120] : memref<10240x128xf32, #tpu.memory_space<vmem_shared>> -> memref<128x128xf32, #tpu.memory_space<vmem_shared>>
      tpu.enqueue_dma source(%arg10 : memref<128x128xf32, #tpu.memory_space<vmem>>) target(%dma_start3A_121 : memref<128x128xf32, #tpu.memory_space<vmem_shared>>) target_semaphore(%run_scoped3A_117 : memref<!tpu.dma_semaphore, #tpu.memory_space<semaphore_mem>>)
      %dma_wait3A_122 = arith.constant 0 : i32
      %dma_wait3A_123 = tpu.memref_slice %arg6[%add3A_18, %dma_wait3A_122] : memref<10240x128xf32, #tpu.memory_space<vmem_shared>> -> memref<128x128xf32, #tpu.memory_space<vmem_shared>>
      %dma_wait3A_124 = arith.constant 0 : i32
      %dma_wait3A_125 = tpu.memref_slice %arg6[%add3A_18, %dma_wait3A_124] : memref<10240x128xf32, #tpu.memory_space<vmem_shared>> -> memref<128x128xf32, #tpu.memory_space<vmem_shared>>
      tpu.wait_dma2 semaphore(%run_scoped3A_117 : memref<!tpu.dma_semaphore, #tpu.memory_space<semaphore_mem>>) src(%arg10 : memref<128x128xf32, #tpu.memory_space<vmem>>) dst(%dma_wait3A_125 : memref<128x128xf32, #tpu.memory_space<vmem_shared>>)
      tpu.yield
    }) : () -> ()
    %add3A_19 = arith.constant 256 : i32
    %add3A_20 = arith.addi %mul3A_2, %add3A_19 : i32
    "tpu.region"() ({
      %run_scoped3A_117 = tpu.sem_alloc : memref<!tpu.dma_semaphore, #tpu.memory_space<semaphore_mem>>
      %dma_start3A_118 = arith.constant 0 : i32
      %dma_start3A_119 = tpu.memref_slice %arg6[%add3A_20, %dma_start3A_118] : memref<10240x128xf32, #tpu.memory_space<vmem_shared>> -> memref<128x128xf32, #tpu.memory_space<vmem_shared>>
      %dma_start3A_120 = arith.constant 0 : i32
      %dma_start3A_121 = tpu.memref_slice %arg6[%add3A_20, %dma_start3A_120] : memref<10240x128xf32, #tpu.memory_space<vmem_shared>> -> memref<128x128xf32, #tpu.memory_space<vmem_shared>>
      tpu.enqueue_dma source(%arg10 : memref<128x128xf32, #tpu.memory_space<vmem>>) target(%dma_start3A_121 : memref<128x128xf32, #tpu.memory_space<vmem_shared>>) target_semaphore(%run_scoped3A_117 : memref<!tpu.dma_semaphore, #tpu.memory_space<semaphore_mem>>)
      %dma_wait3A_122 = arith.constant 0 : i32
      %dma_wait3A_123 = tpu.memref_slice %arg6[%add3A_20, %dma_wait3A_122] : memref<10240x128xf32, #tpu.memory_space<vmem_shared>> -> memref<128x128xf32, #tpu.memory_space<vmem_shared>>
      %dma_wait3A_124 = arith.constant 0 : i32
      %dma_wait3A_125 = tpu.memref_slice %arg6[%add3A_20, %dma_wait3A_124] : memref<10240x128xf32, #tpu.memory_space<vmem_shared>> -> memref<128x128xf32, #tpu.memory_space<vmem_shared>>
      tpu.wait_dma2 semaphore(%run_scoped3A_117 : memref<!tpu.dma_semaphore, #tpu.memory_space<semaphore_mem>>) src(%arg10 : memref<128x128xf32, #tpu.memory_space<vmem>>) dst(%dma_wait3A_125 : memref<128x128xf32, #tpu.memory_space<vmem_shared>>)
      tpu.yield
    }) : () -> ()
    %add3A_21 = arith.constant 384 : i32
    %add3A_22 = arith.addi %mul3A_2, %add3A_21 : i32
    "tpu.region"() ({
      %run_scoped3A_117 = tpu.sem_alloc : memref<!tpu.dma_semaphore, #tpu.memory_space<semaphore_mem>>
      %dma_start3A_118 = arith.constant 0 : i32
      %dma_start3A_119 = tpu.memref_slice %arg6[%add3A_22, %dma_start3A_118] : memref<10240x128xf32, #tpu.memory_space<vmem_shared>> -> memref<128x128xf32, #tpu.memory_space<vmem_shared>>
      %dma_start3A_120 = arith.constant 0 : i32
      %dma_start3A_121 = tpu.memref_slice %arg6[%add3A_22, %dma_start3A_120] : memref<10240x128xf32, #tpu.memory_space<vmem_shared>> -> memref<128x128xf32, #tpu.memory_space<vmem_shared>>
      tpu.enqueue_dma source(%arg10 : memref<128x128xf32, #tpu.memory_space<vmem>>) target(%dma_start3A_121 : memref<128x128xf32, #tpu.memory_space<vmem_shared>>) target_semaphore(%run_scoped3A_117 : memref<!tpu.dma_semaphore, #tpu.memory_space<semaphore_mem>>)
      %dma_wait3A_122 = arith.constant 0 : i32
      %dma_wait3A_123 = tpu.memref_slice %arg6[%add3A_22, %dma_wait3A_122] : memref<10240x128xf32, #tpu.memory_space<vmem_shared>> -> memref<128x128xf32, #tpu.memory_space<vmem_shared>>
      %dma_wait3A_124 = arith.constant 0 : i32
      %dma_wait3A_125 = tpu.memref_slice %arg6[%add3A_22, %dma_wait3A_124] : memref<10240x128xf32, #tpu.memory_space<vmem_shared>> -> memref<128x128xf32, #tpu.memory_space<vmem_shared>>
      tpu.wait_dma2 semaphore(%run_scoped3A_117 : memref<!tpu.dma_semaphore, #tpu.memory_space<semaphore_mem>>) src(%arg10 : memref<128x128xf32, #tpu.memory_space<vmem>>) dst(%dma_wait3A_125 : memref<128x128xf32, #tpu.memory_space<vmem_shared>>)
      tpu.yield
    }) : () -> ()
    %add3A_23 = arith.constant 512 : i32
    %add3A_24 = arith.addi %mul3A_2, %add3A_23 : i32
    "tpu.region"() ({
      %run_scoped3A_117 = tpu.sem_alloc : memref<!tpu.dma_semaphore, #tpu.memory_space<semaphore_mem>>
      %dma_start3A_118 = arith.constant 0 : i32
      %dma_start3A_119 = tpu.memref_slice %arg6[%add3A_24, %dma_start3A_118] : memref<10240x128xf32, #tpu.memory_space<vmem_shared>> -> memref<128x128xf32, #tpu.memory_space<vmem_shared>>
      %dma_start3A_120 = arith.constant 0 : i32
      %dma_start3A_121 = tpu.memref_slice %arg6[%add3A_24, %dma_start3A_120] : memref<10240x128xf32, #tpu.memory_space<vmem_shared>> -> memref<128x128xf32, #tpu.memory_space<vmem_shared>>
      tpu.enqueue_dma source(%arg10 : memref<128x128xf32, #tpu.memory_space<vmem>>) target(%dma_start3A_121 : memref<128x128xf32, #tpu.memory_space<vmem_shared>>) target_semaphore(%run_scoped3A_117 : memref<!tpu.dma_semaphore, #tpu.memory_space<semaphore_mem>>)
      %dma_wait3A_122 = arith.constant 0 : i32
      %dma_wait3A_123 = tpu.memref_slice %arg6[%add3A_24, %dma_wait3A_122] : memref<10240x128xf32, #tpu.memory_space<vmem_shared>> -> memref<128x128xf32, #tpu.memory_space<vmem_shared>>
      %dma_wait3A_124 = arith.constant 0 : i32
      %dma_wait3A_125 = tpu.memref_slice %arg6[%add3A_24, %dma_wait3A_124] : memref<10240x128xf32, #tpu.memory_space<vmem_shared>> -> memref<128x128xf32, #tpu.memory_space<vmem_shared>>
      tpu.wait_dma2 semaphore(%run_scoped3A_117 : memref<!tpu.dma_semaphore, #tpu.memory_space<semaphore_mem>>) src(%arg10 : memref<128x128xf32, #tpu.memory_space<vmem>>) dst(%dma_wait3A_125 : memref<128x128xf32, #tpu.memory_space<vmem_shared>>)
      tpu.yield
    }) : () -> ()
    %add3A_25 = arith.constant 0 : i32
    %add3A_26 = arith.addi %mul3A_2, %add3A_25 : i32
    %run_scoped3A_27 = arith.constant 0 : i32
    "tpu.region"() ({
      %run_scoped3A_117 = tpu.sem_alloc : memref<!tpu.dma_semaphore, #tpu.memory_space<semaphore_mem>>
      %dma_start3A_118 = arith.constant 0 : i32
      %dma_start3A_119 = tpu.memref_slice %arg10[%run_scoped3A_27, %dma_start3A_118] : memref<128x128xf32, #tpu.memory_space<vmem>> -> memref<1x128xf32, #tpu.memory_space<vmem>>
      %dma_start3A_120 = tpu.memref_squeeze %dma_start3A_119 : memref<1x128xf32, #tpu.memory_space<vmem>> -> memref<128xf32, #tpu.memory_space<vmem>>
      %dma_start3A_121 = tpu.memref_slice %arg13[%add3A_26] : memref<10240xf32, #tpu.memory_space<vmem_shared>> -> memref<128xf32, #tpu.memory_space<vmem_shared>>
      %dma_start3A_122 = tpu.memref_slice %arg13[%add3A_26] : memref<10240xf32, #tpu.memory_space<vmem_shared>> -> memref<128xf32, #tpu.memory_space<vmem_shared>>
      %dma_start3A_123 = arith.constant 0 : i32
      %dma_start3A_124 = tpu.memref_slice %arg10[%run_scoped3A_27, %dma_start3A_123] : memref<128x128xf32, #tpu.memory_space<vmem>> -> memref<1x128xf32, #tpu.memory_space<vmem>>
      %dma_start3A_125 = tpu.memref_squeeze %dma_start3A_124 : memref<1x128xf32, #tpu.memory_space<vmem>> -> memref<128xf32, #tpu.memory_space<vmem>>
      tpu.enqueue_dma source(%dma_start3A_125 : memref<128xf32, #tpu.memory_space<vmem>>) target(%dma_start3A_122 : memref<128xf32, #tpu.memory_space<vmem_shared>>) target_semaphore(%run_scoped3A_117 : memref<!tpu.dma_semaphore, #tpu.memory_space<semaphore_mem>>)
      %dma_wait3A_126 = arith.constant 0 : i32
      %dma_wait3A_127 = tpu.memref_slice %arg10[%run_scoped3A_27, %dma_wait3A_126] : memref<128x128xf32, #tpu.memory_space<vmem>> -> memref<1x128xf32, #tpu.memory_space<vmem>>
      %dma_wait3A_128 = tpu.memref_squeeze %dma_wait3A_127 : memref<1x128xf32, #tpu.memory_space<vmem>> -> memref<128xf32, #tpu.memory_space<vmem>>
      %dma_wait3A_129 = tpu.memref_slice %arg13[%add3A_26] : memref<10240xf32, #tpu.memory_space<vmem_shared>> -> memref<128xf32, #tpu.memory_space<vmem_shared>>
      %dma_wait3A_130 = tpu.memref_slice %arg13[%add3A_26] : memref<10240xf32, #tpu.memory_space<vmem_shared>> -> memref<128xf32, #tpu.memory_space<vmem_shared>>
      %dma_wait3A_131 = arith.constant 0 : i32
      %dma_wait3A_132 = tpu.memref_slice %arg10[%run_scoped3A_27, %dma_wait3A_131] : memref<128x128xf32, #tpu.memory_space<vmem>> -> memref<1x128xf32, #tpu.memory_space<vmem>>
      %dma_wait3A_133 = tpu.memref_squeeze %dma_wait3A_132 : memref<1x128xf32, #tpu.memory_space<vmem>> -> memref<128xf32, #tpu.memory_space<vmem>>
      tpu.wait_dma2 semaphore(%run_scoped3A_117 : memref<!tpu.dma_semaphore, #tpu.memory_space<semaphore_mem>>) src(%dma_wait3A_133 : memref<128xf32, #tpu.memory_space<vmem>>) dst(%dma_wait3A_130 : memref<128xf32, #tpu.memory_space<vmem_shared>>)
      tpu.yield
    }) : () -> ()
    %add3A_28 = arith.constant 128 : i32
    %add3A_29 = arith.addi %mul3A_2, %add3A_28 : i32
    %run_scoped3A_30 = arith.constant 0 : i32
    "tpu.region"() ({
      %run_scoped3A_117 = tpu.sem_alloc : memref<!tpu.dma_semaphore, #tpu.memory_space<semaphore_mem>>
      %dma_start3A_118 = arith.constant 0 : i32
      %dma_start3A_119 = tpu.memref_slice %arg10[%run_scoped3A_30, %dma_start3A_118] : memref<128x128xf32, #tpu.memory_space<vmem>> -> memref<1x128xf32, #tpu.memory_space<vmem>>
      %dma_start3A_120 = tpu.memref_squeeze %dma_start3A_119 : memref<1x128xf32, #tpu.memory_space<vmem>> -> memref<128xf32, #tpu.memory_space<vmem>>
      %dma_start3A_121 = tpu.memref_slice %arg13[%add3A_29] : memref<10240xf32, #tpu.memory_space<vmem_shared>> -> memref<128xf32, #tpu.memory_space<vmem_shared>>
      %dma_start3A_122 = tpu.memref_slice %arg13[%add3A_29] : memref<10240xf32, #tpu.memory_space<vmem_shared>> -> memref<128xf32, #tpu.memory_space<vmem_shared>>
      %dma_start3A_123 = arith.constant 0 : i32
      %dma_start3A_124 = tpu.memref_slice %arg10[%run_scoped3A_30, %dma_start3A_123] : memref<128x128xf32, #tpu.memory_space<vmem>> -> memref<1x128xf32, #tpu.memory_space<vmem>>
      %dma_start3A_125 = tpu.memref_squeeze %dma_start3A_124 : memref<1x128xf32, #tpu.memory_space<vmem>> -> memref<128xf32, #tpu.memory_space<vmem>>
      tpu.enqueue_dma source(%dma_start3A_125 : memref<128xf32, #tpu.memory_space<vmem>>) target(%dma_start3A_122 : memref<128xf32, #tpu.memory_space<vmem_shared>>) target_semaphore(%run_scoped3A_117 : memref<!tpu.dma_semaphore, #tpu.memory_space<semaphore_mem>>)
      %dma_wait3A_126 = arith.constant 0 : i32
      %dma_wait3A_127 = tpu.memref_slice %arg10[%run_scoped3A_30, %dma_wait3A_126] : memref<128x128xf32, #tpu.memory_space<vmem>> -> memref<1x128xf32, #tpu.memory_space<vmem>>
      %dma_wait3A_128 = tpu.memref_squeeze %dma_wait3A_127 : memref<1x128xf32, #tpu.memory_space<vmem>> -> memref<128xf32, #tpu.memory_space<vmem>>
      %dma_wait3A_129 = tpu.memref_slice %arg13[%add3A_29] : memref<10240xf32, #tpu.memory_space<vmem_shared>> -> memref<128xf32, #tpu.memory_space<vmem_shared>>
      %dma_wait3A_130 = tpu.memref_slice %arg13[%add3A_29] : memref<10240xf32, #tpu.memory_space<vmem_shared>> -> memref<128xf32, #tpu.memory_space<vmem_shared>>
      %dma_wait3A_131 = arith.constant 0 : i32
      %dma_wait3A_132 = tpu.memref_slice %arg10[%run_scoped3A_30, %dma_wait3A_131] : memref<128x128xf32, #tpu.memory_space<vmem>> -> memref<1x128xf32, #tpu.memory_space<vmem>>
      %dma_wait3A_133 = tpu.memref_squeeze %dma_wait3A_132 : memref<1x128xf32, #tpu.memory_space<vmem>> -> memref<128xf32, #tpu.memory_space<vmem>>
      tpu.wait_dma2 semaphore(%run_scoped3A_117 : memref<!tpu.dma_semaphore, #tpu.memory_space<semaphore_mem>>) src(%dma_wait3A_133 : memref<128xf32, #tpu.memory_space<vmem>>) dst(%dma_wait3A_130 : memref<128xf32, #tpu.memory_space<vmem_shared>>)
      tpu.yield
    }) : () -> ()
    %add3A_31 = arith.constant 256 : i32
    %add3A_32 = arith.addi %mul3A_2, %add3A_31 : i32
    %run_scoped3A_33 = arith.constant 0 : i32
    "tpu.region"() ({
      %run_scoped3A_117 = tpu.sem_alloc : memref<!tpu.dma_semaphore, #tpu.memory_space<semaphore_mem>>
      %dma_start3A_118 = arith.constant 0 : i32
      %dma_start3A_119 = tpu.memref_slice %arg10[%run_scoped3A_33, %dma_start3A_118] : memref<128x128xf32, #tpu.memory_space<vmem>> -> memref<1x128xf32, #tpu.memory_space<vmem>>
      %dma_start3A_120 = tpu.memref_squeeze %dma_start3A_119 : memref<1x128xf32, #tpu.memory_space<vmem>> -> memref<128xf32, #tpu.memory_space<vmem>>
      %dma_start3A_121 = tpu.memref_slice %arg13[%add3A_32] : memref<10240xf32, #tpu.memory_space<vmem_shared>> -> memref<128xf32, #tpu.memory_space<vmem_shared>>
      %dma_start3A_122 = tpu.memref_slice %arg13[%add3A_32] : memref<10240xf32, #tpu.memory_space<vmem_shared>> -> memref<128xf32, #tpu.memory_space<vmem_shared>>
      %dma_start3A_123 = arith.constant 0 : i32
      %dma_start3A_124 = tpu.memref_slice %arg10[%run_scoped3A_33, %dma_start3A_123] : memref<128x128xf32, #tpu.memory_space<vmem>> -> memref<1x128xf32, #tpu.memory_space<vmem>>
      %dma_start3A_125 = tpu.memref_squeeze %dma_start3A_124 : memref<1x128xf32, #tpu.memory_space<vmem>> -> memref<128xf32, #tpu.memory_space<vmem>>
      tpu.enqueue_dma source(%dma_start3A_125 : memref<128xf32, #tpu.memory_space<vmem>>) target(%dma_start3A_122 : memref<128xf32, #tpu.memory_space<vmem_shared>>) target_semaphore(%run_scoped3A_117 : memref<!tpu.dma_semaphore, #tpu.memory_space<semaphore_mem>>)
      %dma_wait3A_126 = arith.constant 0 : i32
      %dma_wait3A_127 = tpu.memref_slice %arg10[%run_scoped3A_33, %dma_wait3A_126] : memref<128x128xf32, #tpu.memory_space<vmem>> -> memref<1x128xf32, #tpu.memory_space<vmem>>
      %dma_wait3A_128 = tpu.memref_squeeze %dma_wait3A_127 : memref<1x128xf32, #tpu.memory_space<vmem>> -> memref<128xf32, #tpu.memory_space<vmem>>
      %dma_wait3A_129 = tpu.memref_slice %arg13[%add3A_32] : memref<10240xf32, #tpu.memory_space<vmem_shared>> -> memref<128xf32, #tpu.memory_space<vmem_shared>>
      %dma_wait3A_130 = tpu.memref_slice %arg13[%add3A_32] : memref<10240xf32, #tpu.memory_space<vmem_shared>> -> memref<128xf32, #tpu.memory_space<vmem_shared>>
      %dma_wait3A_131 = arith.constant 0 : i32
      %dma_wait3A_132 = tpu.memref_slice %arg10[%run_scoped3A_33, %dma_wait3A_131] : memref<128x128xf32, #tpu.memory_space<vmem>> -> memref<1x128xf32, #tpu.memory_space<vmem>>
      %dma_wait3A_133 = tpu.memref_squeeze %dma_wait3A_132 : memref<1x128xf32, #tpu.memory_space<vmem>> -> memref<128xf32, #tpu.memory_space<vmem>>
      tpu.wait_dma2 semaphore(%run_scoped3A_117 : memref<!tpu.dma_semaphore, #tpu.memory_space<semaphore_mem>>) src(%dma_wait3A_133 : memref<128xf32, #tpu.memory_space<vmem>>) dst(%dma_wait3A_130 : memref<128xf32, #tpu.memory_space<vmem_shared>>)
      tpu.yield
    }) : () -> ()
    %add3A_34 = arith.constant 384 : i32
    %add3A_35 = arith.addi %mul3A_2, %add3A_34 : i32
    %run_scoped3A_36 = arith.constant 0 : i32
    "tpu.region"() ({
      %run_scoped3A_117 = tpu.sem_alloc : memref<!tpu.dma_semaphore, #tpu.memory_space<semaphore_mem>>
      %dma_start3A_118 = arith.constant 0 : i32
      %dma_start3A_119 = tpu.memref_slice %arg10[%run_scoped3A_36, %dma_start3A_118] : memref<128x128xf32, #tpu.memory_space<vmem>> -> memref<1x128xf32, #tpu.memory_space<vmem>>
      %dma_start3A_120 = tpu.memref_squeeze %dma_start3A_119 : memref<1x128xf32, #tpu.memory_space<vmem>> -> memref<128xf32, #tpu.memory_space<vmem>>
      %dma_start3A_121 = tpu.memref_slice %arg13[%add3A_35] : memref<10240xf32, #tpu.memory_space<vmem_shared>> -> memref<128xf32, #tpu.memory_space<vmem_shared>>
      %dma_start3A_122 = tpu.memref_slice %arg13[%add3A_35] : memref<10240xf32, #tpu.memory_space<vmem_shared>> -> memref<128xf32, #tpu.memory_space<vmem_shared>>
      %dma_start3A_123 = arith.constant 0 : i32
      %dma_start3A_124 = tpu.memref_slice %arg10[%run_scoped3A_36, %dma_start3A_123] : memref<128x128xf32, #tpu.memory_space<vmem>> -> memref<1x128xf32, #tpu.memory_space<vmem>>
      %dma_start3A_125 = tpu.memref_squeeze %dma_start3A_124 : memref<1x128xf32, #tpu.memory_space<vmem>> -> memref<128xf32, #tpu.memory_space<vmem>>
      tpu.enqueue_dma source(%dma_start3A_125 : memref<128xf32, #tpu.memory_space<vmem>>) target(%dma_start3A_122 : memref<128xf32, #tpu.memory_space<vmem_shared>>) target_semaphore(%run_scoped3A_117 : memref<!tpu.dma_semaphore, #tpu.memory_space<semaphore_mem>>)
      %dma_wait3A_126 = arith.constant 0 : i32
      %dma_wait3A_127 = tpu.memref_slice %arg10[%run_scoped3A_36, %dma_wait3A_126] : memref<128x128xf32, #tpu.memory_space<vmem>> -> memref<1x128xf32, #tpu.memory_space<vmem>>
      %dma_wait3A_128 = tpu.memref_squeeze %dma_wait3A_127 : memref<1x128xf32, #tpu.memory_space<vmem>> -> memref<128xf32, #tpu.memory_space<vmem>>
      %dma_wait3A_129 = tpu.memref_slice %arg13[%add3A_35] : memref<10240xf32, #tpu.memory_space<vmem_shared>> -> memref<128xf32, #tpu.memory_space<vmem_shared>>
      %dma_wait3A_130 = tpu.memref_slice %arg13[%add3A_35] : memref<10240xf32, #tpu.memory_space<vmem_shared>> -> memref<128xf32, #tpu.memory_space<vmem_shared>>
      %dma_wait3A_131 = arith.constant 0 : i32
      %dma_wait3A_132 = tpu.memref_slice %arg10[%run_scoped3A_36, %dma_wait3A_131] : memref<128x128xf32, #tpu.memory_space<vmem>> -> memref<1x128xf32, #tpu.memory_space<vmem>>
      %dma_wait3A_133 = tpu.memref_squeeze %dma_wait3A_132 : memref<1x128xf32, #tpu.memory_space<vmem>> -> memref<128xf32, #tpu.memory_space<vmem>>
      tpu.wait_dma2 semaphore(%run_scoped3A_117 : memref<!tpu.dma_semaphore, #tpu.memory_space<semaphore_mem>>) src(%dma_wait3A_133 : memref<128xf32, #tpu.memory_space<vmem>>) dst(%dma_wait3A_130 : memref<128xf32, #tpu.memory_space<vmem_shared>>)
      tpu.yield
    }) : () -> ()
    %add3A_37 = arith.constant 512 : i32
    %add3A_38 = arith.addi %mul3A_2, %add3A_37 : i32
    %run_scoped3A_39 = arith.constant 0 : i32
    "tpu.region"() ({
      %run_scoped3A_117 = tpu.sem_alloc : memref<!tpu.dma_semaphore, #tpu.memory_space<semaphore_mem>>
      %dma_start3A_118 = arith.constant 0 : i32
      %dma_start3A_119 = tpu.memref_slice %arg10[%run_scoped3A_39, %dma_start3A_118] : memref<128x128xf32, #tpu.memory_space<vmem>> -> memref<1x128xf32, #tpu.memory_space<vmem>>
      %dma_start3A_120 = tpu.memref_squeeze %dma_start3A_119 : memref<1x128xf32, #tpu.memory_space<vmem>> -> memref<128xf32, #tpu.memory_space<vmem>>
      %dma_start3A_121 = tpu.memref_slice %arg13[%add3A_38] : memref<10240xf32, #tpu.memory_space<vmem_shared>> -> memref<128xf32, #tpu.memory_space<vmem_shared>>
      %dma_start3A_122 = tpu.memref_slice %arg13[%add3A_38] : memref<10240xf32, #tpu.memory_space<vmem_shared>> -> memref<128xf32, #tpu.memory_space<vmem_shared>>
      %dma_start3A_123 = arith.constant 0 : i32
      %dma_start3A_124 = tpu.memref_slice %arg10[%run_scoped3A_39, %dma_start3A_123] : memref<128x128xf32, #tpu.memory_space<vmem>> -> memref<1x128xf32, #tpu.memory_space<vmem>>
      %dma_start3A_125 = tpu.memref_squeeze %dma_start3A_124 : memref<1x128xf32, #tpu.memory_space<vmem>> -> memref<128xf32, #tpu.memory_space<vmem>>
      tpu.enqueue_dma source(%dma_start3A_125 : memref<128xf32, #tpu.memory_space<vmem>>) target(%dma_start3A_122 : memref<128xf32, #tpu.memory_space<vmem_shared>>) target_semaphore(%run_scoped3A_117 : memref<!tpu.dma_semaphore, #tpu.memory_space<semaphore_mem>>)
      %dma_wait3A_126 = arith.constant 0 : i32
      %dma_wait3A_127 = tpu.memref_slice %arg10[%run_scoped3A_39, %dma_wait3A_126] : memref<128x128xf32, #tpu.memory_space<vmem>> -> memref<1x128xf32, #tpu.memory_space<vmem>>
      %dma_wait3A_128 = tpu.memref_squeeze %dma_wait3A_127 : memref<1x128xf32, #tpu.memory_space<vmem>> -> memref<128xf32, #tpu.memory_space<vmem>>
      %dma_wait3A_129 = tpu.memref_slice %arg13[%add3A_38] : memref<10240xf32, #tpu.memory_space<vmem_shared>> -> memref<128xf32, #tpu.memory_space<vmem_shared>>
      %dma_wait3A_130 = tpu.memref_slice %arg13[%add3A_38] : memref<10240xf32, #tpu.memory_space<vmem_shared>> -> memref<128xf32, #tpu.memory_space<vmem_shared>>
      %dma_wait3A_131 = arith.constant 0 : i32
      %dma_wait3A_132 = tpu.memref_slice %arg10[%run_scoped3A_39, %dma_wait3A_131] : memref<128x128xf32, #tpu.memory_space<vmem>> -> memref<1x128xf32, #tpu.memory_space<vmem>>
      %dma_wait3A_133 = tpu.memref_squeeze %dma_wait3A_132 : memref<1x128xf32, #tpu.memory_space<vmem>> -> memref<128xf32, #tpu.memory_space<vmem>>
      tpu.wait_dma2 semaphore(%run_scoped3A_117 : memref<!tpu.dma_semaphore, #tpu.memory_space<semaphore_mem>>) src(%dma_wait3A_133 : memref<128xf32, #tpu.memory_space<vmem>>) dst(%dma_wait3A_130 : memref<128xf32, #tpu.memory_space<vmem_shared>>)
      tpu.yield
    }) : () -> ()
    %broadcast_in_dim3A = arith.constant 1.000000e+00 : f32
    %broadcast_in_dim3A_40 = vector.broadcast %broadcast_in_dim3A : f32 to vector<16xf32>
    %swap3A = arith.constant 0 : index
    %swap3A_41 = tpu.vector_load %arg14[%swap3A] {strides = array<i32>} : memref<128xf32, #tpu.memory_space<vmem>>, vector<16xf32>,
    %swap3A_42 = vector.shape_cast %swap3A_41 : vector<16xf32> to vector<16xf32>
    %swap3A_43 = vector.shape_cast %broadcast_in_dim3A_40 : vector<16xf32> to vector<16xf32>
    tpu.vector_store %arg14[%swap3A], %swap3A_43 {strides = array<i32>} : memref<128xf32, #tpu.memory_space<vmem>>, vector<16xf32>,
    %broadcast_in_dim3A_44 = arith.constant 1.000000e+00 : f32
    %broadcast_in_dim3A_45 = vector.broadcast %broadcast_in_dim3A_44 : f32 to vector<16xf32>
    %swap3A_46 = arith.constant 16 : index
    %swap3A_47 = tpu.vector_load %arg14[%swap3A_46] {strides = array<i32>} : memref<128xf32, #tpu.memory_space<vmem>>, vector<16xf32>,
    %swap3A_48 = vector.shape_cast %swap3A_47 : vector<16xf32> to vector<16xf32>
    %swap3A_49 = vector.shape_cast %broadcast_in_dim3A_45 : vector<16xf32> to vector<16xf32>
    tpu.vector_store %arg14[%swap3A_46], %swap3A_49 {strides = array<i32>} : memref<128xf32, #tpu.memory_space<vmem>>, vector<16xf32>,
    %broadcast_in_dim3A_50 = arith.constant 1.000000e+00 : f32
    %broadcast_in_dim3A_51 = vector.broadcast %broadcast_in_dim3A_50 : f32 to vector<16xf32>
    %swap3A_52 = arith.constant 32 : index
    %swap3A_53 = tpu.vector_load %arg14[%swap3A_52] {strides = array<i32>} : memref<128xf32, #tpu.memory_space<vmem>>, vector<16xf32>,
    %swap3A_54 = vector.shape_cast %swap3A_53 : vector<16xf32> to vector<16xf32>
    %swap3A_55 = vector.shape_cast %broadcast_in_dim3A_51 : vector<16xf32> to vector<16xf32>
    tpu.vector_store %arg14[%swap3A_52], %swap3A_55 {strides = array<i32>} : memref<128xf32, #tpu.memory_space<vmem>>, vector<16xf32>,
    %broadcast_in_dim3A_56 = arith.constant 1.000000e+00 : f32
    %broadcast_in_dim3A_57 = vector.broadcast %broadcast_in_dim3A_56 : f32 to vector<16xf32>
    %swap3A_58 = arith.constant 48 : index
    %swap3A_59 = tpu.vector_load %arg14[%swap3A_58] {strides = array<i32>} : memref<128xf32, #tpu.memory_space<vmem>>, vector<16xf32>,
    %swap3A_60 = vector.shape_cast %swap3A_59 : vector<16xf32> to vector<16xf32>
    %swap3A_61 = vector.shape_cast %broadcast_in_dim3A_57 : vector<16xf32> to vector<16xf32>
    tpu.vector_store %arg14[%swap3A_58], %swap3A_61 {strides = array<i32>} : memref<128xf32, #tpu.memory_space<vmem>>, vector<16xf32>,
    %broadcast_in_dim3A_62 = arith.constant 1.000000e+00 : f32
    %broadcast_in_dim3A_63 = vector.broadcast %broadcast_in_dim3A_62 : f32 to vector<16xf32>
    %swap3A_64 = arith.constant 64 : index
    %swap3A_65 = tpu.vector_load %arg14[%swap3A_64] {strides = array<i32>} : memref<128xf32, #tpu.memory_space<vmem>>, vector<16xf32>,
    %swap3A_66 = vector.shape_cast %swap3A_65 : vector<16xf32> to vector<16xf32>
    %swap3A_67 = vector.shape_cast %broadcast_in_dim3A_63 : vector<16xf32> to vector<16xf32>
    tpu.vector_store %arg14[%swap3A_64], %swap3A_67 {strides = array<i32>} : memref<128xf32, #tpu.memory_space<vmem>>, vector<16xf32>,
    %broadcast_in_dim3A_68 = arith.constant 1.000000e+00 : f32
    %broadcast_in_dim3A_69 = vector.broadcast %broadcast_in_dim3A_68 : f32 to vector<16xf32>
    %swap3A_70 = arith.constant 80 : index
    %swap3A_71 = tpu.vector_load %arg14[%swap3A_70] {strides = array<i32>} : memref<128xf32, #tpu.memory_space<vmem>>, vector<16xf32>,
    %swap3A_72 = vector.shape_cast %swap3A_71 : vector<16xf32> to vector<16xf32>
    %swap3A_73 = vector.shape_cast %broadcast_in_dim3A_69 : vector<16xf32> to vector<16xf32>
    tpu.vector_store %arg14[%swap3A_70], %swap3A_73 {strides = array<i32>} : memref<128xf32, #tpu.memory_space<vmem>>, vector<16xf32>,
    %broadcast_in_dim3A_74 = arith.constant 1.000000e+00 : f32
    %broadcast_in_dim3A_75 = vector.broadcast %broadcast_in_dim3A_74 : f32 to vector<16xf32>
    %swap3A_76 = arith.constant 96 : index
    %swap3A_77 = tpu.vector_load %arg14[%swap3A_76] {strides = array<i32>} : memref<128xf32, #tpu.memory_space<vmem>>, vector<16xf32>,
    %swap3A_78 = vector.shape_cast %swap3A_77 : vector<16xf32> to vector<16xf32>
    %swap3A_79 = vector.shape_cast %broadcast_in_dim3A_75 : vector<16xf32> to vector<16xf32>
    tpu.vector_store %arg14[%swap3A_76], %swap3A_79 {strides = array<i32>} : memref<128xf32, #tpu.memory_space<vmem>>, vector<16xf32>,
    %broadcast_in_dim3A_80 = arith.constant 1.000000e+00 : f32
    %broadcast_in_dim3A_81 = vector.broadcast %broadcast_in_dim3A_80 : f32 to vector<16xf32>
    %swap3A_82 = arith.constant 112 : index
    %swap3A_83 = tpu.vector_load %arg14[%swap3A_82] {strides = array<i32>} : memref<128xf32, #tpu.memory_space<vmem>>, vector<16xf32>,
    %swap3A_84 = vector.shape_cast %swap3A_83 : vector<16xf32> to vector<16xf32>
    %swap3A_85 = vector.shape_cast %broadcast_in_dim3A_81 : vector<16xf32> to vector<16xf32>
    tpu.vector_store %arg14[%swap3A_82], %swap3A_85 {strides = array<i32>} : memref<128xf32, #tpu.memory_space<vmem>>, vector<16xf32>,
    %barrier3A = arith.constant 0 : index
    tpu.barrier barrier_id(%barrier3A)
    %dma_start3A_86 = arith.constant 1 : i32
    %dma_start3A_87 = arith.constant 0 : i32
    %dma_start3A_88 = tpu.memref_slice %arg7[%dma_start3A_86, %dma_start3A_87] : memref<40x128xi32, #tpu.memory_space<vmem>> -> memref<1x128xi32, #tpu.memory_space<vmem>>
    %dma_start3A_89 = tpu.memref_squeeze %dma_start3A_88 : memref<1x128xi32, #tpu.memory_space<vmem>> -> memref<128xi32, #tpu.memory_space<vmem>>
    %dma_start3A_90 = arith.constant 0 : i32
    %dma_start3A_91 = arith.constant 0 : i32
    %dma_start3A_92 = tpu.memref_slice %arg2[%dma_start3A_90, %dma_start3A_91] : memref<10240x128xf32, #tpu.memory_space<hbm>> -> memref<10240x128xf32, #tpu.memory_space<hbm>>
    tpu.enqueue_indirect_dma source(%dma_start3A_92 : memref<10240x128xf32, #tpu.memory_space<hbm>>) target(%arg10 : memref<128x128xf32, #tpu.memory_space<vmem>>) offsets(%dma_start3A_89 : memref<128xi32, #tpu.memory_space<vmem>>) semaphore(%arg12 : memref<!tpu.dma_semaphore, #tpu.memory_space<semaphore_mem>>)
    %scan3A_93 = arith.constant 0 : i32
    %scan3A_94 = arith.constant 0 : i32
    %scan3A_95 = arith.constant 19 : i32
    %scan3A_96 = arith.addi %scan3A_94, %scan3A_95 : i32
    %scan3A_97 = arith.constant 1 : i32
    scf.for %scan3A_117 = %scan3A_94 to %scan3A_96 step %scan3A_97  : i32 {
      %mul3A_118 = arith.constant 2 : i32
      %mul3A_119 = arith.muli %scan3A_117, %mul3A_118 : i32
      %add3A_120 = arith.constant 0 : i32
      %add3A_121 = arith.addi %mul3A_119, %add3A_120 : i32
      %dma_wait3A_122 = arith.constant 0 : i32
      %dma_wait3A_123 = tpu.memref_slice %arg7[%add3A_121, %dma_wait3A_122] : memref<40x128xi32, #tpu.memory_space<vmem>> -> memref<1x128xi32, #tpu.memory_space<vmem>>
      %dma_wait3A_124 = tpu.memref_squeeze %dma_wait3A_123 : memref<1x128xi32, #tpu.memory_space<vmem>> -> memref<128xi32, #tpu.memory_space<vmem>>
      %dma_wait3A_125 = arith.constant 0 : i32
      %dma_wait3A_126 = arith.constant 0 : i32
      %dma_wait3A_127 = tpu.memref_slice %arg2[%dma_wait3A_125, %dma_wait3A_126] : memref<10240x128xf32, #tpu.memory_space<hbm>> -> memref<10240x128xf32, #tpu.memory_space<hbm>>
      tpu.wait_indirect_dma semaphore(%arg11 : memref<!tpu.dma_semaphore, #tpu.memory_space<semaphore_mem>>) src(%dma_wait3A_127 : memref<10240x128xf32, #tpu.memory_space<hbm>>) dst(%arg9 : memref<128x128xf32, #tpu.memory_space<vmem>>)
      %add3A_128 = arith.constant 0 : i32
      %add3A_129 = arith.addi %mul3A_119, %add3A_128 : i32
      "tpu.region"() ({
        %run_scoped3A_160 = tpu.sem_alloc : memref<!tpu.dma_semaphore, #tpu.memory_space<semaphore_mem>>
        %dma_start3A_161 = arith.constant 0 : i32
        %dma_start3A_162 = tpu.memref_slice %arg8[%add3A_129, %dma_start3A_161] : memref<40x128xi32, #tpu.memory_space<vmem>> -> memref<1x128xi32, #tpu.memory_space<vmem>>
        %dma_start3A_163 = tpu.memref_squeeze %dma_start3A_162 : memref<1x128xi32, #tpu.memory_space<vmem>> -> memref<128xi32, #tpu.memory_space<vmem>>
        %dma_start3A_164 = arith.constant 0 : i32
        %dma_start3A_165 = arith.constant 0 : i32
        %dma_start3A_166 = tpu.memref_slice %arg6[%dma_start3A_164, %dma_start3A_165] : memref<10240x128xf32, #tpu.memory_space<vmem_shared>> -> memref<10240x128xf32, #tpu.memory_space<vmem_shared>>
        tpu.enqueue_indirect_dma source(%arg9 : memref<128x128xf32, #tpu.memory_space<vmem>>) target(%dma_start3A_166 : memref<10240x128xf32, #tpu.memory_space<vmem_shared>>) offsets(%dma_start3A_163 : memref<128xi32, #tpu.memory_space<vmem>>) semaphore(%run_scoped3A_160 : memref<!tpu.dma_semaphore, #tpu.memory_space<semaphore_mem>>) {add = true}
        %dma_wait3A_167 = arith.constant 0 : i32
        %dma_wait3A_168 = tpu.memref_slice %arg8[%add3A_129, %dma_wait3A_167] : memref<40x128xi32, #tpu.memory_space<vmem>> -> memref<1x128xi32, #tpu.memory_space<vmem>>
        %dma_wait3A_169 = tpu.memref_squeeze %dma_wait3A_168 : memref<1x128xi32, #tpu.memory_space<vmem>> -> memref<128xi32, #tpu.memory_space<vmem>>
        %dma_wait3A_170 = arith.constant 0 : i32
        %dma_wait3A_171 = arith.constant 0 : i32
        %dma_wait3A_172 = tpu.memref_slice %arg6[%dma_wait3A_170, %dma_wait3A_171] : memref<10240x128xf32, #tpu.memory_space<vmem_shared>> -> memref<10240x128xf32, #tpu.memory_space<vmem_shared>>
        tpu.wait_indirect_dma semaphore(%run_scoped3A_160 : memref<!tpu.dma_semaphore, #tpu.memory_space<semaphore_mem>>) src(%arg9 : memref<128x128xf32, #tpu.memory_space<vmem>>) dst(%dma_wait3A_172 : memref<10240x128xf32, #tpu.memory_space<vmem_shared>>)
        tpu.yield
      }) : () -> ()
      "tpu.region"() ({
        %run_scoped3A_160 = tpu.sem_alloc : memref<!tpu.dma_semaphore, #tpu.memory_space<semaphore_mem>>
        %dma_start3A_161 = arith.constant 0 : i32
        %dma_start3A_162 = tpu.memref_slice %arg8[%add3A_129, %dma_start3A_161] : memref<40x128xi32, #tpu.memory_space<vmem>> -> memref<1x128xi32, #tpu.memory_space<vmem>>
        %dma_start3A_163 = tpu.memref_squeeze %dma_start3A_162 : memref<1x128xi32, #tpu.memory_space<vmem>> -> memref<128xi32, #tpu.memory_space<vmem>>
        %dma_start3A_164 = arith.constant 0 : i32
        %dma_start3A_165 = tpu.memref_slice %arg13[%dma_start3A_164] : memref<10240xf32, #tpu.memory_space<vmem_shared>> -> memref<10240xf32, #tpu.memory_space<vmem_shared>>
        tpu.enqueue_indirect_dma source(%arg14 : memref<128xf32, #tpu.memory_space<vmem>>) target(%dma_start3A_165 : memref<10240xf32, #tpu.memory_space<vmem_shared>>) offsets(%dma_start3A_163 : memref<128xi32, #tpu.memory_space<vmem>>) semaphore(%run_scoped3A_160 : memref<!tpu.dma_semaphore, #tpu.memory_space<semaphore_mem>>) {add = true}
        %dma_wait3A_166 = arith.constant 0 : i32
        %dma_wait3A_167 = tpu.memref_slice %arg8[%add3A_129, %dma_wait3A_166] : memref<40x128xi32, #tpu.memory_space<vmem>> -> memref<1x128xi32, #tpu.memory_space<vmem>>
        %dma_wait3A_168 = tpu.memref_squeeze %dma_wait3A_167 : memref<1x128xi32, #tpu.memory_space<vmem>> -> memref<128xi32, #tpu.memory_space<vmem>>
        %dma_wait3A_169 = arith.constant 0 : i32
        %dma_wait3A_170 = tpu.memref_slice %arg13[%dma_wait3A_169] : memref<10240xf32, #tpu.memory_space<vmem_shared>> -> memref<10240xf32, #tpu.memory_space<vmem_shared>>
        tpu.wait_indirect_dma semaphore(%run_scoped3A_160 : memref<!tpu.dma_semaphore, #tpu.memory_space<semaphore_mem>>) src(%arg14 : memref<128xf32, #tpu.memory_space<vmem>>) dst(%dma_wait3A_170 : memref<10240xf32, #tpu.memory_space<vmem_shared>>)
        tpu.yield
      }) : () -> ()
      %add3A_130 = arith.constant 0 : i32
      %add3A_131 = arith.addi %mul3A_119, %add3A_130 : i32
      %add3A_132 = arith.constant 2 : i32
      %add3A_133 = arith.addi %add3A_131, %add3A_132 : i32
      %dma_start3A_134 = arith.constant 0 : i32
      %dma_start3A_135 = tpu.memref_slice %arg7[%add3A_133, %dma_start3A_134] : memref<40x128xi32, #tpu.memory_space<vmem>> -> memref<1x128xi32, #tpu.memory_space<vmem>>
      %dma_start3A_136 = tpu.memref_squeeze %dma_start3A_135 : memref<1x128xi32, #tpu.memory_space<vmem>> -> memref<128xi32, #tpu.memory_space<vmem>>
      %dma_start3A_137 = arith.constant 0 : i32
      %dma_start3A_138 = arith.constant 0 : i32
      %dma_start3A_139 = tpu.memref_slice %arg2[%dma_start3A_137, %dma_start3A_138] : memref<10240x128xf32, #tpu.memory_space<hbm>> -> memref<10240x128xf32, #tpu.memory_space<hbm>>
      tpu.enqueue_indirect_dma source(%dma_start3A_139 : memref<10240x128xf32, #tpu.memory_space<hbm>>) target(%arg9 : memref<128x128xf32, #tpu.memory_space<vmem>>) offsets(%dma_start3A_136 : memref<128xi32, #tpu.memory_space<vmem>>) semaphore(%arg11 : memref<!tpu.dma_semaphore, #tpu.memory_space<semaphore_mem>>)
      %add3A_140 = arith.constant 1 : i32
      %add3A_141 = arith.addi %mul3A_119, %add3A_140 : i32
      %dma_wait3A_142 = arith.constant 0 : i32
      %dma_wait3A_143 = tpu.memref_slice %arg7[%add3A_141, %dma_wait3A_142] : memref<40x128xi32, #tpu.memory_space<vmem>> -> memref<1x128xi32, #tpu.memory_space<vmem>>
      %dma_wait3A_144 = tpu.memref_squeeze %dma_wait3A_143 : memref<1x128xi32, #tpu.memory_space<vmem>> -> memref<128xi32, #tpu.memory_space<vmem>>
      %dma_wait3A_145 = arith.constant 0 : i32
      %dma_wait3A_146 = arith.constant 0 : i32
      %dma_wait3A_147 = tpu.memref_slice %arg2[%dma_wait3A_145, %dma_wait3A_146] : memref<10240x128xf32, #tpu.memory_space<hbm>> -> memref<10240x128xf32, #tpu.memory_space<hbm>>
      tpu.wait_indirect_dma semaphore(%arg12 : memref<!tpu.dma_semaphore, #tpu.memory_space<semaphore_mem>>) src(%dma_wait3A_147 : memref<10240x128xf32, #tpu.memory_space<hbm>>) dst(%arg10 : memref<128x128xf32, #tpu.memory_space<vmem>>)
      %add3A_148 = arith.constant 1 : i32
      %add3A_149 = arith.addi %mul3A_119, %add3A_148 : i32
      "tpu.region"() ({
        %run_scoped3A_160 = tpu.sem_alloc : memref<!tpu.dma_semaphore, #tpu.memory_space<semaphore_mem>>
        %dma_start3A_161 = arith.constant 0 : i32
        %dma_start3A_162 = tpu.memref_slice %arg8[%add3A_149, %dma_start3A_161] : memref<40x128xi32, #tpu.memory_space<vmem>> -> memref<1x128xi32, #tpu.memory_space<vmem>>
        %dma_start3A_163 = tpu.memref_squeeze %dma_start3A_162 : memref<1x128xi32, #tpu.memory_space<vmem>> -> memref<128xi32, #tpu.memory_space<vmem>>
        %dma_start3A_164 = arith.constant 0 : i32
        %dma_start3A_165 = arith.constant 0 : i32
        %dma_start3A_166 = tpu.memref_slice %arg6[%dma_start3A_164, %dma_start3A_165] : memref<10240x128xf32, #tpu.memory_space<vmem_shared>> -> memref<10240x128xf32, #tpu.memory_space<vmem_shared>>
        tpu.enqueue_indirect_dma source(%arg10 : memref<128x128xf32, #tpu.memory_space<vmem>>) target(%dma_start3A_166 : memref<10240x128xf32, #tpu.memory_space<vmem_shared>>) offsets(%dma_start3A_163 : memref<128xi32, #tpu.memory_space<vmem>>) semaphore(%run_scoped3A_160 : memref<!tpu.dma_semaphore, #tpu.memory_space<semaphore_mem>>) {add = true}
        %dma_wait3A_167 = arith.constant 0 : i32
        %dma_wait3A_168 = tpu.memref_slice %arg8[%add3A_149, %dma_wait3A_167] : memref<40x128xi32, #tpu.memory_space<vmem>> -> memref<1x128xi32, #tpu.memory_space<vmem>>
        %dma_wait3A_169 = tpu.memref_squeeze %dma_wait3A_168 : memref<1x128xi32, #tpu.memory_space<vmem>> -> memref<128xi32, #tpu.memory_space<vmem>>
        %dma_wait3A_170 = arith.constant 0 : i32
        %dma_wait3A_171 = arith.constant 0 : i32
        %dma_wait3A_172 = tpu.memref_slice %arg6[%dma_wait3A_170, %dma_wait3A_171] : memref<10240x128xf32, #tpu.memory_space<vmem_shared>> -> memref<10240x128xf32, #tpu.memory_space<vmem_shared>>
        tpu.wait_indirect_dma semaphore(%run_scoped3A_160 : memref<!tpu.dma_semaphore, #tpu.memory_space<semaphore_mem>>) src(%arg10 : memref<128x128xf32, #tpu.memory_space<vmem>>) dst(%dma_wait3A_172 : memref<10240x128xf32, #tpu.memory_space<vmem_shared>>)
        tpu.yield
      }) : () -> ()
      "tpu.region"() ({
        %run_scoped3A_160 = tpu.sem_alloc : memref<!tpu.dma_semaphore, #tpu.memory_space<semaphore_mem>>
        %dma_start3A_161 = arith.constant 0 : i32
        %dma_start3A_162 = tpu.memref_slice %arg8[%add3A_149, %dma_start3A_161] : memref<40x128xi32, #tpu.memory_space<vmem>> -> memref<1x128xi32, #tpu.memory_space<vmem>>
        %dma_start3A_163 = tpu.memref_squeeze %dma_start3A_162 : memref<1x128xi32, #tpu.memory_space<vmem>> -> memref<128xi32, #tpu.memory_space<vmem>>
        %dma_start3A_164 = arith.constant 0 : i32
        %dma_start3A_165 = tpu.memref_slice %arg13[%dma_start3A_164] : memref<10240xf32, #tpu.memory_space<vmem_shared>> -> memref<10240xf32, #tpu.memory_space<vmem_shared>>
        tpu.enqueue_indirect_dma source(%arg14 : memref<128xf32, #tpu.memory_space<vmem>>) target(%dma_start3A_165 : memref<10240xf32, #tpu.memory_space<vmem_shared>>) offsets(%dma_start3A_163 : memref<128xi32, #tpu.memory_space<vmem>>) semaphore(%run_scoped3A_160 : memref<!tpu.dma_semaphore, #tpu.memory_space<semaphore_mem>>) {add = true}
        %dma_wait3A_166 = arith.constant 0 : i32
        %dma_wait3A_167 = tpu.memref_slice %arg8[%add3A_149, %dma_wait3A_166] : memref<40x128xi32, #tpu.memory_space<vmem>> -> memref<1x128xi32, #tpu.memory_space<vmem>>
        %dma_wait3A_168 = tpu.memref_squeeze %dma_wait3A_167 : memref<1x128xi32, #tpu.memory_space<vmem>> -> memref<128xi32, #tpu.memory_space<vmem>>
        %dma_wait3A_169 = arith.constant 0 : i32
        %dma_wait3A_170 = tpu.memref_slice %arg13[%dma_wait3A_169] : memref<10240xf32, #tpu.memory_space<vmem_shared>> -> memref<10240xf32, #tpu.memory_space<vmem_shared>>
        tpu.wait_indirect_dma semaphore(%run_scoped3A_160 : memref<!tpu.dma_semaphore, #tpu.memory_space<semaphore_mem>>) src(%arg14 : memref<128xf32, #tpu.memory_space<vmem>>) dst(%dma_wait3A_170 : memref<10240xf32, #tpu.memory_space<vmem_shared>>)
        tpu.yield
      }) : () -> ()
      %add3A_150 = arith.constant 1 : i32
      %add3A_151 = arith.addi %mul3A_119, %add3A_150 : i32
      %add3A_152 = arith.constant 2 : i32
      %add3A_153 = arith.addi %add3A_151, %add3A_152 : i32
      %dma_start3A_154 = arith.constant 0 : i32
      %dma_start3A_155 = tpu.memref_slice %arg7[%add3A_153, %dma_start3A_154] : memref<40x128xi32, #tpu.memory_space<vmem>> -> memref<1x128xi32, #tpu.memory_space<vmem>>
      %dma_start3A_156 = tpu.memref_squeeze %dma_start3A_155 : memref<1x128xi32, #tpu.memory_space<vmem>> -> memref<128xi32, #tpu.memory_space<vmem>>
      %dma_start3A_157 = arith.constant 0 : i32
      %dma_start3A_158 = arith.constant 0 : i32
      %dma_start3A_159 = tpu.memref_slice %arg2[%dma_start3A_157, %dma_start3A_158] : memref<10240x128xf32, #tpu.memory_space<hbm>> -> memref<10240x128xf32, #tpu.memory_space<hbm>>
      tpu.enqueue_indirect_dma source(%dma_start3A_159 : memref<10240x128xf32, #tpu.memory_space<hbm>>) target(%arg10 : memref<128x128xf32, #tpu.memory_space<vmem>>) offsets(%dma_start3A_156 : memref<128xi32, #tpu.memory_space<vmem>>) semaphore(%arg12 : memref<!tpu.dma_semaphore, #tpu.memory_space<semaphore_mem>>)
    }
    %scan3A_98 = arith.constant 19 : i32
    %dma_wait3A = arith.constant 38 : i32
    %dma_wait3A_99 = arith.constant 0 : i32
    %dma_wait3A_100 = tpu.memref_slice %arg7[%dma_wait3A, %dma_wait3A_99] : memref<40x128xi32, #tpu.memory_space<vmem>> -> memref<1x128xi32, #tpu.memory_space<vmem>>
    %dma_wait3A_101 = tpu.memref_squeeze %dma_wait3A_100 : memref<1x128xi32, #tpu.memory_space<vmem>> -> memref<128xi32, #tpu.memory_space<vmem>>
    %dma_wait3A_102 = arith.constant 0 : i32
    %dma_wait3A_103 = arith.constant 0 : i32
    %dma_wait3A_104 = tpu.memref_slice %arg2[%dma_wait3A_102, %dma_wait3A_103] : memref<10240x128xf32, #tpu.memory_space<hbm>> -> memref<10240x128xf32, #tpu.memory_space<hbm>>
    tpu.wait_indirect_dma semaphore(%arg11 : memref<!tpu.dma_semaphore, #tpu.memory_space<semaphore_mem>>) src(%dma_wait3A_104 : memref<10240x128xf32, #tpu.memory_space<hbm>>) dst(%arg9 : memref<128x128xf32, #tpu.memory_space<vmem>>)
    %run_scoped3A_105 = arith.constant 38 : i32
    "tpu.region"() ({
      %run_scoped3A_117 = tpu.sem_alloc : memref<!tpu.dma_semaphore, #tpu.memory_space<semaphore_mem>>
      %dma_start3A_118 = arith.constant 0 : i32
      %dma_start3A_119 = tpu.memref_slice %arg8[%run_scoped3A_105, %dma_start3A_118] : memref<40x128xi32, #tpu.memory_space<vmem>> -> memref<1x128xi32, #tpu.memory_space<vmem>>
      %dma_start3A_120 = tpu.memref_squeeze %dma_start3A_119 : memref<1x128xi32, #tpu.memory_space<vmem>> -> memref<128xi32, #tpu.memory_space<vmem>>
      %dma_start3A_121 = arith.constant 0 : i32
      %dma_start3A_122 = arith.constant 0 : i32
      %dma_start3A_123 = tpu.memref_slice %arg6[%dma_start3A_121, %dma_start3A_122] : memref<10240x128xf32, #tpu.memory_space<vmem_shared>> -> memref<10240x128xf32, #tpu.memory_space<vmem_shared>>
      tpu.enqueue_indirect_dma source(%arg9 : memref<128x128xf32, #tpu.memory_space<vmem>>) target(%dma_start3A_123 : memref<10240x128xf32, #tpu.memory_space<vmem_shared>>) offsets(%dma_start3A_120 : memref<128xi32, #tpu.memory_space<vmem>>) semaphore(%run_scoped3A_117 : memref<!tpu.dma_semaphore, #tpu.memory_space<semaphore_mem>>) {add = true}
      %dma_wait3A_124 = arith.constant 0 : i32
      %dma_wait3A_125 = tpu.memref_slice %arg8[%run_scoped3A_105, %dma_wait3A_124] : memref<40x128xi32, #tpu.memory_space<vmem>> -> memref<1x128xi32, #tpu.memory_space<vmem>>
      %dma_wait3A_126 = tpu.memref_squeeze %dma_wait3A_125 : memref<1x128xi32, #tpu.memory_space<vmem>> -> memref<128xi32, #tpu.memory_space<vmem>>
      %dma_wait3A_127 = arith.constant 0 : i32
      %dma_wait3A_128 = arith.constant 0 : i32
      %dma_wait3A_129 = tpu.memref_slice %arg6[%dma_wait3A_127, %dma_wait3A_128] : memref<10240x128xf32, #tpu.memory_space<vmem_shared>> -> memref<10240x128xf32, #tpu.memory_space<vmem_shared>>
      tpu.wait_indirect_dma semaphore(%run_scoped3A_117 : memref<!tpu.dma_semaphore, #tpu.memory_space<semaphore_mem>>) src(%arg9 : memref<128x128xf32, #tpu.memory_space<vmem>>) dst(%dma_wait3A_129 : memref<10240x128xf32, #tpu.memory_space<vmem_shared>>)
      tpu.yield
    }) : () -> ()
    %run_scoped3A_106 = arith.constant 38 : i32
    "tpu.region"() ({
      %run_scoped3A_117 = tpu.sem_alloc : memref<!tpu.dma_semaphore, #tpu.memory_space<semaphore_mem>>
      %dma_start3A_118 = arith.constant 0 : i32
      %dma_start3A_119 = tpu.memref_slice %arg8[%run_scoped3A_106, %dma_start3A_118] : memref<40x128xi32, #tpu.memory_space<vmem>> -> memref<1x128xi32, #tpu.memory_space<vmem>>
      %dma_start3A_120 = tpu.memref_squeeze %dma_start3A_119 : memref<1x128xi32, #tpu.memory_space<vmem>> -> memref<128xi32, #tpu.memory_space<vmem>>
      %dma_start3A_121 = arith.constant 0 : i32
      %dma_start3A_122 = tpu.memref_slice %arg13[%dma_start3A_121] : memref<10240xf32, #tpu.memory_space<vmem_shared>> -> memref<10240xf32, #tpu.memory_space<vmem_shared>>
      tpu.enqueue_indirect_dma source(%arg14 : memref<128xf32, #tpu.memory_space<vmem>>) target(%dma_start3A_122 : memref<10240xf32, #tpu.memory_space<vmem_shared>>) offsets(%dma_start3A_120 : memref<128xi32, #tpu.memory_space<vmem>>) semaphore(%run_scoped3A_117 : memref<!tpu.dma_semaphore, #tpu.memory_space<semaphore_mem>>) {add = true}
      %dma_wait3A_123 = arith.constant 0 : i32
      %dma_wait3A_124 = tpu.memref_slice %arg8[%run_scoped3A_106, %dma_wait3A_123] : memref<40x128xi32, #tpu.memory_space<vmem>> -> memref<1x128xi32, #tpu.memory_space<vmem>>
      %dma_wait3A_125 = tpu.memref_squeeze %dma_wait3A_124 : memref<1x128xi32, #tpu.memory_space<vmem>> -> memref<128xi32, #tpu.memory_space<vmem>>
      %dma_wait3A_126 = arith.constant 0 : i32
      %dma_wait3A_127 = tpu.memref_slice %arg13[%dma_wait3A_126] : memref<10240xf32, #tpu.memory_space<vmem_shared>> -> memref<10240xf32, #tpu.memory_space<vmem_shared>>
      tpu.wait_indirect_dma semaphore(%run_scoped3A_117 : memref<!tpu.dma_semaphore, #tpu.memory_space<semaphore_mem>>) src(%arg14 : memref<128xf32, #tpu.memory_space<vmem>>) dst(%dma_wait3A_127 : memref<10240xf32, #tpu.memory_space<vmem_shared>>)
      tpu.yield
    }) : () -> ()
    %dma_wait3A_107 = arith.constant 39 : i32
    %dma_wait3A_108 = arith.constant 0 : i32
    %dma_wait3A_109 = tpu.memref_slice %arg7[%dma_wait3A_107, %dma_wait3A_108] : memref<40x128xi32, #tpu.memory_space<vmem>> -> memref<1x128xi32, #tpu.memory_space<vmem>>
    %dma_wait3A_110 = tpu.memref_squeeze %dma_wait3A_109 : memref<1x128xi32, #tpu.memory_space<vmem>> -> memref<128xi32, #tpu.memory_space<vmem>>
    %dma_wait3A_111 = arith.constant 0 : i32
    %dma_wait3A_112 = arith.constant 0 : i32
    %dma_wait3A_113 = tpu.memref_slice %arg2[%dma_wait3A_111, %dma_wait3A_112] : memref<10240x128xf32, #tpu.memory_space<hbm>> -> memref<10240x128xf32, #tpu.memory_space<hbm>>
    tpu.wait_indirect_dma semaphore(%arg12 : memref<!tpu.dma_semaphore, #tpu.memory_space<semaphore_mem>>) src(%dma_wait3A_113 : memref<10240x128xf32, #tpu.memory_space<hbm>>) dst(%arg10 : memref<128x128xf32, #tpu.memory_space<vmem>>)
    %run_scoped3A_114 = arith.constant 39 : i32
    "tpu.region"() ({
      %run_scoped3A_117 = tpu.sem_alloc : memref<!tpu.dma_semaphore, #tpu.memory_space<semaphore_mem>>
      %dma_start3A_118 = arith.constant 0 : i32
      %dma_start3A_119 = tpu.memref_slice %arg8[%run_scoped3A_114, %dma_start3A_118] : memref<40x128xi32, #tpu.memory_space<vmem>> -> memref<1x128xi32, #tpu.memory_space<vmem>>
      %dma_start3A_120 = tpu.memref_squeeze %dma_start3A_119 : memref<1x128xi32, #tpu.memory_space<vmem>> -> memref<128xi32, #tpu.memory_space<vmem>>
      %dma_start3A_121 = arith.constant 0 : i32
      %dma_start3A_122 = arith.constant 0 : i32
      %dma_start3A_123 = tpu.memref_slice %arg6[%dma_start3A_121, %dma_start3A_122] : memref<10240x128xf32, #tpu.memory_space<vmem_shared>> -> memref<10240x128xf32, #tpu.memory_space<vmem_shared>>
      tpu.enqueue_indirect_dma source(%arg10 : memref<128x128xf32, #tpu.memory_space<vmem>>) target(%dma_start3A_123 : memref<10240x128xf32, #tpu.memory_space<vmem_shared>>) offsets(%dma_start3A_120 : memref<128xi32, #tpu.memory_space<vmem>>) semaphore(%run_scoped3A_117 : memref<!tpu.dma_semaphore, #tpu.memory_space<semaphore_mem>>) {add = true}
      %dma_wait3A_124 = arith.constant 0 : i32
      %dma_wait3A_125 = tpu.memref_slice %arg8[%run_scoped3A_114, %dma_wait3A_124] : memref<40x128xi32, #tpu.memory_space<vmem>> -> memref<1x128xi32, #tpu.memory_space<vmem>>
      %dma_wait3A_126 = tpu.memref_squeeze %dma_wait3A_125 : memref<1x128xi32, #tpu.memory_space<vmem>> -> memref<128xi32, #tpu.memory_space<vmem>>
      %dma_wait3A_127 = arith.constant 0 : i32
      %dma_wait3A_128 = arith.constant 0 : i32
      %dma_wait3A_129 = tpu.memref_slice %arg6[%dma_wait3A_127, %dma_wait3A_128] : memref<10240x128xf32, #tpu.memory_space<vmem_shared>> -> memref<10240x128xf32, #tpu.memory_space<vmem_shared>>
      tpu.wait_indirect_dma semaphore(%run_scoped3A_117 : memref<!tpu.dma_semaphore, #tpu.memory_space<semaphore_mem>>) src(%arg10 : memref<128x128xf32, #tpu.memory_space<vmem>>) dst(%dma_wait3A_129 : memref<10240x128xf32, #tpu.memory_space<vmem_shared>>)
      tpu.yield
    }) : () -> ()
    %run_scoped3A_115 = arith.constant 39 : i32
    "tpu.region"() ({
      %run_scoped3A_117 = tpu.sem_alloc : memref<!tpu.dma_semaphore, #tpu.memory_space<semaphore_mem>>
      %dma_start3A_118 = arith.constant 0 : i32
      %dma_start3A_119 = tpu.memref_slice %arg8[%run_scoped3A_115, %dma_start3A_118] : memref<40x128xi32, #tpu.memory_space<vmem>> -> memref<1x128xi32, #tpu.memory_space<vmem>>
      %dma_start3A_120 = tpu.memref_squeeze %dma_start3A_119 : memref<1x128xi32, #tpu.memory_space<vmem>> -> memref<128xi32, #tpu.memory_space<vmem>>
      %dma_start3A_121 = arith.constant 0 : i32
      %dma_start3A_122 = tpu.memref_slice %arg13[%dma_start3A_121] : memref<10240xf32, #tpu.memory_space<vmem_shared>> -> memref<10240xf32, #tpu.memory_space<vmem_shared>>
      tpu.enqueue_indirect_dma source(%arg14 : memref<128xf32, #tpu.memory_space<vmem>>) target(%dma_start3A_122 : memref<10240xf32, #tpu.memory_space<vmem_shared>>) offsets(%dma_start3A_120 : memref<128xi32, #tpu.memory_space<vmem>>) semaphore(%run_scoped3A_117 : memref<!tpu.dma_semaphore, #tpu.memory_space<semaphore_mem>>) {add = true}
      %dma_wait3A_123 = arith.constant 0 : i32
      %dma_wait3A_124 = tpu.memref_slice %arg8[%run_scoped3A_115, %dma_wait3A_123] : memref<40x128xi32, #tpu.memory_space<vmem>> -> memref<1x128xi32, #tpu.memory_space<vmem>>
      %dma_wait3A_125 = tpu.memref_squeeze %dma_wait3A_124 : memref<1x128xi32, #tpu.memory_space<vmem>> -> memref<128xi32, #tpu.memory_space<vmem>>
      %dma_wait3A_126 = arith.constant 0 : i32
      %dma_wait3A_127 = tpu.memref_slice %arg13[%dma_wait3A_126] : memref<10240xf32, #tpu.memory_space<vmem_shared>> -> memref<10240xf32, #tpu.memory_space<vmem_shared>>
      tpu.wait_indirect_dma semaphore(%run_scoped3A_117 : memref<!tpu.dma_semaphore, #tpu.memory_space<semaphore_mem>>) src(%arg14 : memref<128xf32, #tpu.memory_space<vmem>>) dst(%dma_wait3A_127 : memref<10240xf32, #tpu.memory_space<vmem_shared>>)
      tpu.yield
    }) : () -> ()
    %barrier3A_116 = arith.constant 0 : index
    tpu.barrier barrier_id(%barrier3A_116)
    "tpu.region"() ({
      %run_scoped3A_117 = tpu.sem_alloc : memref<!tpu.dma_semaphore, #tpu.memory_space<semaphore_mem>>
      %dma_start3A_118 = arith.constant 0 : i32
      %dma_start3A_119 = tpu.memref_slice %arg4[%arg0, %mul3A_2, %dma_start3A_118] : memref<2x10240x128xf32, #tpu.memory_space<hbm>> -> memref<1x640x128xf32, #tpu.memory_space<hbm>>
      %dma_start3A_120 = tpu.memref_squeeze %dma_start3A_119 : memref<1x640x128xf32, #tpu.memory_space<hbm>> -> memref<640x128xf32, #tpu.memory_space<hbm>>
      %dma_start3A_121 = arith.constant 0 : i32
      %dma_start3A_122 = tpu.memref_slice %arg6[%mul3A_2, %dma_start3A_121] : memref<10240x128xf32, #tpu.memory_space<vmem_shared>> -> memref<640x128xf32, #tpu.memory_space<vmem_shared>>
      tpu.enqueue_dma source(%dma_start3A_122 : memref<640x128xf32, #tpu.memory_space<vmem_shared>>) target(%dma_start3A_120 : memref<640x128xf32, #tpu.memory_space<hbm>>) target_semaphore(%run_scoped3A_117 : memref<!tpu.dma_semaphore, #tpu.memory_space<semaphore_mem>>)
      %dma_wait3A_123 = arith.constant 0 : i32
      %dma_wait3A_124 = tpu.memref_slice %arg4[%arg0, %mul3A_2, %dma_wait3A_123] : memref<2x10240x128xf32, #tpu.memory_space<hbm>> -> memref<1x640x128xf32, #tpu.memory_space<hbm>>
      %dma_wait3A_125 = tpu.memref_squeeze %dma_wait3A_124 : memref<1x640x128xf32, #tpu.memory_space<hbm>> -> memref<640x128xf32, #tpu.memory_space<hbm>>
      %dma_wait3A_126 = arith.constant 0 : i32
      %dma_wait3A_127 = tpu.memref_slice %arg6[%mul3A_2, %dma_wait3A_126] : memref<10240x128xf32, #tpu.memory_space<vmem_shared>> -> memref<640x128xf32, #tpu.memory_space<vmem_shared>>
      tpu.wait_dma2 semaphore(%run_scoped3A_117 : memref<!tpu.dma_semaphore, #tpu.memory_space<semaphore_mem>>) src(%dma_wait3A_127 : memref<640x128xf32, #tpu.memory_space<vmem_shared>>) dst(%dma_wait3A_125 : memref<640x128xf32, #tpu.memory_space<hbm>>)
      tpu.yield
    }) : () -> ()
    "tpu.region"() ({
      %run_scoped3A_117 = tpu.sem_alloc : memref<!tpu.dma_semaphore, #tpu.memory_space<semaphore_mem>>
      %dma_start3A_118 = tpu.memref_slice %arg5[%arg0, %mul3A_2] : memref<2x10240xf32, #tpu.memory_space<hbm>> -> memref<1x640xf32, #tpu.memory_space<hbm>>
      %dma_start3A_119 = tpu.memref_squeeze %dma_start3A_118 : memref<1x640xf32, #tpu.memory_space<hbm>> -> memref<640xf32, #tpu.memory_space<hbm>>
      %dma_start3A_120 = tpu.memref_slice %arg13[%mul3A_2] : memref<10240xf32, #tpu.memory_space<vmem_shared>> -> memref<640xf32, #tpu.memory_space<vmem_shared>>
      tpu.enqueue_dma source(%dma_start3A_120 : memref<640xf32, #tpu.memory_space<vmem_shared>>) target(%dma_start3A_119 : memref<640xf32, #tpu.memory_space<hbm>>) target_semaphore(%run_scoped3A_117 : memref<!tpu.dma_semaphore, #tpu.memory_space<semaphore_mem>>)
      %dma_wait3A_121 = tpu.memref_slice %arg5[%arg0, %mul3A_2] : memref<2x10240xf32, #tpu.memory_space<hbm>> -> memref<1x640xf32, #tpu.memory_space<hbm>>
      %dma_wait3A_122 = tpu.memref_squeeze %dma_wait3A_121 : memref<1x640xf32, #tpu.memory_space<hbm>> -> memref<640xf32, #tpu.memory_space<hbm>>
      %dma_wait3A_123 = tpu.memref_slice %arg13[%mul3A_2] : memref<10240xf32, #tpu.memory_space<vmem_shared>> -> memref<640xf32, #tpu.memory_space<vmem_shared>>
      tpu.wait_dma2 semaphore(%run_scoped3A_117 : memref<!tpu.dma_semaphore, #tpu.memory_space<semaphore_mem>>) src(%dma_wait3A_123 : memref<640xf32, #tpu.memory_space<vmem_shared>>) dst(%dma_wait3A_122 : memref<640xf32, #tpu.memory_space<hbm>>)
      tpu.yield
    }) : () -> ()
    return
  }
}

module attributes {stable_mosaic.version = 14 : i64} {
  func.func @body(%arg0: i32, %arg1: memref<300x2560xf32, #tpu.memory_space<vmem>>, %arg2: memref<300x128xf32, #tpu.memory_space<vmem>>, %arg3: memref<2560x128xf32, #tpu.memory_space<vmem>>) attributes {dimension_semantics = [#tpu.dimension_semantics<arbitrary>], iteration_bounds = array<i64: 4>, scalar_prefetch = 0 : i64, scratch_operands = 0 : i64, tpu.core_type = #tpu.core_type<tc>, window_params = [{transform_indices = @transform_0, window_bounds = array<i64: 300, 2560>}, {pipeline_mode = #tpu.pipeline_mode<synchronous>, transform_indices = @transform_1, window_bounds = array<i64: 300, 128>}, {transform_indices = @transform_2, window_bounds = array<i64: 2560, 128>}]} {
    %get3A = arith.constant 0 : index
    %get3A_0 = arith.constant 0 : index
    %get3A_1 = vector.load %arg1[%get3A, %get3A_0] : memref<300x2560xf32, #tpu.memory_space<vmem>>, vector<300x2560xf32>
    %get3A_2 = arith.constant 0 : index
    %get3A_3 = arith.constant 0 : index
    %get3A_4 = vector.load %arg2[%get3A_2, %get3A_3] : memref<300x128xf32, #tpu.memory_space<vmem>>, vector<300x128xf32>
    %dot_general3A = arith.constant dense<0.000000e+00> : vector<2560x128xf32>
    %dot_general3A_5 = tpu.matmul %get3A_1, %get3A_4, %dot_general3A {dimension_numbers = #tpu.dot_dimension_numbers<[0], [0], [1], [1], [0, 1, 1, 1], [], []>, transpose_lhs_hint = false} : vector<300x2560xf32>, vector<300x128xf32>, vector<2560x128xf32> -> vector<2560x128xf32>
    %add3A = arith.constant 0.000000e+00 : f32
    %add3A_6 = vector.broadcast %add3A : f32 to vector<2560x128xf32>
    %add3A_7 = arith.addf %dot_general3A_5, %add3A_6 : vector<2560x128xf32>
    %swap3A = arith.constant 0 : index
    %swap3A_8 = arith.constant 0 : index
    %swap3A_9 = vector.load %arg3[%swap3A, %swap3A_8] : memref<2560x128xf32, #tpu.memory_space<vmem>>, vector<2560x128xf32>
    tpu.vector_store %arg3[%swap3A, %swap3A_8], %add3A_7 {strides = array<i32>} : memref<2560x128xf32, #tpu.memory_space<vmem>>, vector<2560x128xf32>,
    return
  }
  func.func @transform_0(%arg0: i32) -> (i32, i32) {
    %c0_i32 = arith.constant 0 : i32
    %c0_i32_0 = arith.constant 0 : i32
    return %c0_i32, %arg0 : i32, i32
  }
  func.func @transform_1(%arg0: i32) -> (i32, i32) {
    %c0_i32 = arith.constant 0 : i32
    %c0_i32_0 = arith.constant 0 : i32
    %c0_i32_1 = arith.constant 0 : i32
    return %c0_i32, %c0_i32_0 : i32, i32
  }
  func.func @transform_2(%arg0: i32) -> (i32, i32) {
    %c0_i32 = arith.constant 0 : i32
    %c0_i32_0 = arith.constant 0 : i32
    return %arg0, %c0_i32 : i32, i32
  }
}

module attributes {stable_mosaic.version = 14 : i64} {
  func.func @body(%arg0: i32, %arg1: memref<300x2560xf32, #tpu.memory_space<vmem>>, %arg2: memref<300x128xf32, #tpu.memory_space<vmem>>, %arg3: memref<1x128xf32, #tpu.memory_space<vmem>>, %arg4: memref<2560x128xf32, #tpu.memory_space<vmem>>) attributes {dimension_semantics = [#tpu.dimension_semantics<arbitrary>], iteration_bounds = array<i64: 4>, scalar_prefetch = 0 : i64, scratch_operands = 0 : i64, tpu.core_type = #tpu.core_type<tc>, window_params = [{transform_indices = @transform_0, window_bounds = array<i64: 300, 2560>}, {pipeline_mode = #tpu.pipeline_mode<synchronous>, transform_indices = @transform_1, window_bounds = array<i64: 300, 128>}, {pipeline_mode = #tpu.pipeline_mode<synchronous>, transform_indices = @transform_2, window_bounds = array<i64: 1, 128>}, {transform_indices = @transform_3, window_bounds = array<i64: 2560, 128>}]} {
    %get3A = arith.constant 0 : index
    %get3A_0 = arith.constant 0 : index
    %get3A_1 = vector.load %arg3[%get3A, %get3A_0] : memref<1x128xf32, #tpu.memory_space<vmem>>, vector<1x128xf32>
    %get3A_2 = arith.constant 0 : index
    %get3A_3 = arith.constant 0 : index
    %get3A_4 = vector.load %arg1[%get3A_2, %get3A_3] : memref<300x2560xf32, #tpu.memory_space<vmem>>, vector<300x2560xf32>
    %get3A_5 = arith.constant 0 : index
    %get3A_6 = arith.constant 0 : index
    %get3A_7 = vector.load %arg2[%get3A_5, %get3A_6] : memref<300x128xf32, #tpu.memory_space<vmem>>, vector<300x128xf32>
    %dot_general3A = arith.constant dense<0.000000e+00> : vector<2560x128xf32>
    %dot_general3A_8 = tpu.matmul %get3A_4, %get3A_7, %dot_general3A {dimension_numbers = #tpu.dot_dimension_numbers<[0], [0], [1], [1], [0, 1, 1, 1], [], []>, transpose_lhs_hint = false} : vector<300x2560xf32>, vector<300x128xf32>, vector<2560x128xf32> -> vector<2560x128xf32>
    %add3A = vector.broadcast %get3A_1 : vector<1x128xf32> to vector<2560x128xf32>
    %add3A_9 = arith.addf %dot_general3A_8, %add3A : vector<2560x128xf32>
    %swap3A = arith.constant 0 : index
    %swap3A_10 = arith.constant 0 : index
    %swap3A_11 = vector.load %arg4[%swap3A, %swap3A_10] : memref<2560x128xf32, #tpu.memory_space<vmem>>, vector<2560x128xf32>
    tpu.vector_store %arg4[%swap3A, %swap3A_10], %add3A_9 {strides = array<i32>} : memref<2560x128xf32, #tpu.memory_space<vmem>>, vector<2560x128xf32>,
    return
  }
  func.func @transform_0(%arg0: i32) -> (i32, i32) {
    %c0_i32 = arith.constant 0 : i32
    %c0_i32_0 = arith.constant 0 : i32
    return %c0_i32, %arg0 : i32, i32
  }
  func.func @transform_1(%arg0: i32) -> (i32, i32) {
    %c0_i32 = arith.constant 0 : i32
    %c0_i32_0 = arith.constant 0 : i32
    %c0_i32_1 = arith.constant 0 : i32
    return %c0_i32, %c0_i32_0 : i32, i32
  }
  func.func @transform_2(%arg0: i32) -> (i32, i32) {
    %c0_i32 = arith.constant 0 : i32
    %c0_i32_0 = arith.constant 0 : i32
    %c0_i32_1 = arith.constant 0 : i32
    return %c0_i32, %c0_i32_0 : i32, i32
  }
  func.func @transform_3(%arg0: i32) -> (i32, i32) {
    %c0_i32 = arith.constant 0 : i32
    %c0_i32_0 = arith.constant 0 : i32
    return %arg0, %c0_i32 : i32, i32
  }
}

module attributes {stable_mosaic.version = 14 : i64} {
  func.func @body(%arg0: i32, %arg1: memref<2560x128xf32, #tpu.memory_space<vmem>>, %arg2: memref<2x2560x128xf32, #tpu.memory_space<vmem>>, %arg3: memref<2x2560xf32, #tpu.memory_space<vmem>>, %arg4: memref<128x128xf32, #tpu.memory_space<vmem>>, %arg5: memref<2560x128xf32, #tpu.memory_space<vmem>>) attributes {dimension_semantics = [#tpu.dimension_semantics<arbitrary>], iteration_bounds = array<i64: 4>, scalar_prefetch = 0 : i64, scratch_operands = 0 : i64, tpu.core_type = #tpu.core_type<tc>, window_params = [{transform_indices = @transform_0, window_bounds = array<i64: 2560, 128>}, {transform_indices = @transform_1, window_bounds = array<i64: 2, 2560, 128>}, {transform_indices = @transform_2, window_bounds = array<i64: 2, 2560>}, {pipeline_mode = #tpu.pipeline_mode<synchronous>, transform_indices = @transform_3, window_bounds = array<i64: 128, 128>}, {transform_indices = @transform_4, window_bounds = array<i64: 2560, 128>}]} {
    %get3A = arith.constant 0 : index
    %get3A_0 = arith.constant 0 : index
    %get3A_1 = arith.constant 0 : index
    %get3A_2 = vector.load %arg2[%get3A, %get3A_0, %get3A_1] : memref<2x2560x128xf32, #tpu.memory_space<vmem>>, vector<1x2560x128xf32>
    %get3A_3 = vector.shape_cast %get3A_2 : vector<1x2560x128xf32> to vector<2560x128xf32>
    %get3A_4 = arith.constant 1 : index
    %get3A_5 = arith.constant 0 : index
    %get3A_6 = arith.constant 0 : index
    %get3A_7 = vector.load %arg2[%get3A_4, %get3A_5, %get3A_6] : memref<2x2560x128xf32, #tpu.memory_space<vmem>>, vector<1x2560x128xf32>
    %get3A_8 = vector.shape_cast %get3A_7 : vector<1x2560x128xf32> to vector<2560x128xf32>
    %add3A = arith.addf %get3A_3, %get3A_8 : vector<2560x128xf32>
    %get3A_9 = arith.constant 0 : index
    %get3A_10 = arith.constant 0 : index
    %get3A_11 = vector.load %arg3[%get3A_9, %get3A_10] : memref<2x2560xf32, #tpu.memory_space<vmem>>, vector<1x2560xf32>
    %get3A_12 = vector.shape_cast %get3A_11 : vector<1x2560xf32> to vector<2560xf32>
    %get3A_13 = arith.constant 1 : index
    %get3A_14 = arith.constant 0 : index
    %get3A_15 = vector.load %arg3[%get3A_13, %get3A_14] : memref<2x2560xf32, #tpu.memory_space<vmem>>, vector<1x2560xf32>
    %get3A_16 = vector.shape_cast %get3A_15 : vector<1x2560xf32> to vector<2560xf32>
    %add3A_17 = arith.addf %get3A_12, %get3A_16 : vector<2560xf32>
    %max3A = arith.constant 1.000000e+00 : f32
    %max3A_18 = vector.broadcast %max3A : f32 to vector<2560xf32>
    %max3A_19 = arith.maximumf %add3A_17, %max3A_18 : vector<2560xf32>
    %div3A = arith.constant 1.000000e+00 : f32
    %div3A_20 = vector.broadcast %div3A : f32 to vector<2560xf32>
    %div3A_21 = arith.divf %div3A_20, %max3A_19 : vector<2560xf32>
    %get3A_22 = arith.constant 0 : index
    %get3A_23 = arith.constant 0 : index
    %get3A_24 = vector.load %arg1[%get3A_22, %get3A_23] : memref<2560x128xf32, #tpu.memory_space<vmem>>, vector<2560x128xf32>
    %broadcast_in_dim3A = vector.shape_cast %div3A_21 : vector<2560xf32> to vector<2560x1xf32>
    %mul3A = vector.broadcast %broadcast_in_dim3A : vector<2560x1xf32> to vector<2560x128xf32>
    %mul3A_25 = arith.mulf %add3A, %mul3A : vector<2560x128xf32>
    %add3A_26 = arith.addf %get3A_24, %mul3A_25 : vector<2560x128xf32>
    %max3A_27 = arith.constant 0.000000e+00 : f32
    %max3A_28 = vector.broadcast %max3A_27 : f32 to vector<2560x128xf32>
    %max3A_29 = arith.maximumf %add3A_26, %max3A_28 : vector<2560x128xf32>
    %get3A_30 = arith.constant 0 : index
    %get3A_31 = arith.constant 0 : index
    %get3A_32 = vector.load %arg4[%get3A_30, %get3A_31] : memref<128x128xf32, #tpu.memory_space<vmem>>, vector<128x128xf32>
    %dot_general3A = arith.constant dense<0.000000e+00> : vector<2560x128xf32>
    %dot_general3A_33 = tpu.matmul %max3A_29, %get3A_32, %dot_general3A {dimension_numbers = #tpu.dot_dimension_numbers<[1], [0], [0], [1], [0, 0, 1, 1], [], []>, transpose_lhs_hint = false} : vector<2560x128xf32>, vector<128x128xf32>, vector<2560x128xf32> -> vector<2560x128xf32>
    %add3A_34 = arith.constant 0.000000e+00 : f32
    %add3A_35 = vector.broadcast %add3A_34 : f32 to vector<2560x128xf32>
    %add3A_36 = arith.addf %dot_general3A_33, %add3A_35 : vector<2560x128xf32>
    %swap3A = arith.constant 0 : index
    %swap3A_37 = arith.constant 0 : index
    %swap3A_38 = vector.load %arg5[%swap3A, %swap3A_37] : memref<2560x128xf32, #tpu.memory_space<vmem>>, vector<2560x128xf32>
    tpu.vector_store %arg5[%swap3A, %swap3A_37], %add3A_36 {strides = array<i32>} : memref<2560x128xf32, #tpu.memory_space<vmem>>, vector<2560x128xf32>,
    return
  }
  func.func @transform_0(%arg0: i32) -> (i32, i32) {
    %c0_i32 = arith.constant 0 : i32
    %c0_i32_0 = arith.constant 0 : i32
    return %arg0, %c0_i32 : i32, i32
  }
  func.func @transform_1(%arg0: i32) -> (i32, i32, i32) {
    %c0_i32 = arith.constant 0 : i32
    %c0_i32_0 = arith.constant 0 : i32
    %c0_i32_1 = arith.constant 0 : i32
    return %c0_i32, %arg0, %c0_i32_0 : i32, i32, i32
  }
  func.func @transform_2(%arg0: i32) -> (i32, i32) {
    %c0_i32 = arith.constant 0 : i32
    %c0_i32_0 = arith.constant 0 : i32
    return %c0_i32, %arg0 : i32, i32
  }
  func.func @transform_3(%arg0: i32) -> (i32, i32) {
    %c0_i32 = arith.constant 0 : i32
    %c0_i32_0 = arith.constant 0 : i32
    %c0_i32_1 = arith.constant 0 : i32
    return %c0_i32, %c0_i32_0 : i32, i32
  }
  func.func @transform_4(%arg0: i32) -> (i32, i32) {
    %c0_i32 = arith.constant 0 : i32
    %c0_i32_0 = arith.constant 0 : i32
    return %arg0, %c0_i32 : i32, i32
  }
}

module attributes {stable_mosaic.version = 14 : i64} {
  func.func @body(%arg0: i32, %arg1: memref<2560x128xf32, #tpu.memory_space<vmem>>, %arg2: memref<2x2560x128xf32, #tpu.memory_space<vmem>>, %arg3: memref<2x2560xf32, #tpu.memory_space<vmem>>, %arg4: memref<128x128xf32, #tpu.memory_space<vmem>>, %arg5: memref<1x128xf32, #tpu.memory_space<vmem>>, %arg6: memref<2560x128xf32, #tpu.memory_space<vmem>>) attributes {dimension_semantics = [#tpu.dimension_semantics<arbitrary>], iteration_bounds = array<i64: 4>, scalar_prefetch = 0 : i64, scratch_operands = 0 : i64, tpu.core_type = #tpu.core_type<tc>, window_params = [{transform_indices = @transform_0, window_bounds = array<i64: 2560, 128>}, {transform_indices = @transform_1, window_bounds = array<i64: 2, 2560, 128>}, {transform_indices = @transform_2, window_bounds = array<i64: 2, 2560>}, {pipeline_mode = #tpu.pipeline_mode<synchronous>, transform_indices = @transform_3, window_bounds = array<i64: 128, 128>}, {pipeline_mode = #tpu.pipeline_mode<synchronous>, transform_indices = @transform_4, window_bounds = array<i64: 1, 128>}, {transform_indices = @transform_5, window_bounds = array<i64: 2560, 128>}]} {
    %get3A = arith.constant 0 : index
    %get3A_0 = arith.constant 0 : index
    %get3A_1 = vector.load %arg5[%get3A, %get3A_0] : memref<1x128xf32, #tpu.memory_space<vmem>>, vector<1x128xf32>
    %get3A_2 = arith.constant 0 : index
    %get3A_3 = arith.constant 0 : index
    %get3A_4 = arith.constant 0 : index
    %get3A_5 = vector.load %arg2[%get3A_2, %get3A_3, %get3A_4] : memref<2x2560x128xf32, #tpu.memory_space<vmem>>, vector<1x2560x128xf32>
    %get3A_6 = vector.shape_cast %get3A_5 : vector<1x2560x128xf32> to vector<2560x128xf32>
    %get3A_7 = arith.constant 1 : index
    %get3A_8 = arith.constant 0 : index
    %get3A_9 = arith.constant 0 : index
    %get3A_10 = vector.load %arg2[%get3A_7, %get3A_8, %get3A_9] : memref<2x2560x128xf32, #tpu.memory_space<vmem>>, vector<1x2560x128xf32>
    %get3A_11 = vector.shape_cast %get3A_10 : vector<1x2560x128xf32> to vector<2560x128xf32>
    %add3A = arith.addf %get3A_6, %get3A_11 : vector<2560x128xf32>
    %get3A_12 = arith.constant 0 : index
    %get3A_13 = arith.constant 0 : index
    %get3A_14 = vector.load %arg3[%get3A_12, %get3A_13] : memref<2x2560xf32, #tpu.memory_space<vmem>>, vector<1x2560xf32>
    %get3A_15 = vector.shape_cast %get3A_14 : vector<1x2560xf32> to vector<2560xf32>
    %get3A_16 = arith.constant 1 : index
    %get3A_17 = arith.constant 0 : index
    %get3A_18 = vector.load %arg3[%get3A_16, %get3A_17] : memref<2x2560xf32, #tpu.memory_space<vmem>>, vector<1x2560xf32>
    %get3A_19 = vector.shape_cast %get3A_18 : vector<1x2560xf32> to vector<2560xf32>
    %add3A_20 = arith.addf %get3A_15, %get3A_19 : vector<2560xf32>
    %max3A = arith.constant 1.000000e+00 : f32
    %max3A_21 = vector.broadcast %max3A : f32 to vector<2560xf32>
    %max3A_22 = arith.maximumf %add3A_20, %max3A_21 : vector<2560xf32>
    %div3A = arith.constant 1.000000e+00 : f32
    %div3A_23 = vector.broadcast %div3A : f32 to vector<2560xf32>
    %div3A_24 = arith.divf %div3A_23, %max3A_22 : vector<2560xf32>
    %get3A_25 = arith.constant 0 : index
    %get3A_26 = arith.constant 0 : index
    %get3A_27 = vector.load %arg1[%get3A_25, %get3A_26] : memref<2560x128xf32, #tpu.memory_space<vmem>>, vector<2560x128xf32>
    %broadcast_in_dim3A = vector.shape_cast %div3A_24 : vector<2560xf32> to vector<2560x1xf32>
    %mul3A = vector.broadcast %broadcast_in_dim3A : vector<2560x1xf32> to vector<2560x128xf32>
    %mul3A_28 = arith.mulf %add3A, %mul3A : vector<2560x128xf32>
    %add3A_29 = arith.addf %get3A_27, %mul3A_28 : vector<2560x128xf32>
    %max3A_30 = arith.constant 0.000000e+00 : f32
    %max3A_31 = vector.broadcast %max3A_30 : f32 to vector<2560x128xf32>
    %max3A_32 = arith.maximumf %add3A_29, %max3A_31 : vector<2560x128xf32>
    %get3A_33 = arith.constant 0 : index
    %get3A_34 = arith.constant 0 : index
    %get3A_35 = vector.load %arg4[%get3A_33, %get3A_34] : memref<128x128xf32, #tpu.memory_space<vmem>>, vector<128x128xf32>
    %dot_general3A = arith.constant dense<0.000000e+00> : vector<2560x128xf32>
    %dot_general3A_36 = tpu.matmul %max3A_32, %get3A_35, %dot_general3A {dimension_numbers = #tpu.dot_dimension_numbers<[1], [0], [0], [1], [0, 0, 1, 1], [], []>, transpose_lhs_hint = false} : vector<2560x128xf32>, vector<128x128xf32>, vector<2560x128xf32> -> vector<2560x128xf32>
    %add3A_37 = vector.broadcast %get3A_1 : vector<1x128xf32> to vector<2560x128xf32>
    %add3A_38 = arith.addf %dot_general3A_36, %add3A_37 : vector<2560x128xf32>
    %swap3A = arith.constant 0 : index
    %swap3A_39 = arith.constant 0 : index
    %swap3A_40 = vector.load %arg6[%swap3A, %swap3A_39] : memref<2560x128xf32, #tpu.memory_space<vmem>>, vector<2560x128xf32>
    tpu.vector_store %arg6[%swap3A, %swap3A_39], %add3A_38 {strides = array<i32>} : memref<2560x128xf32, #tpu.memory_space<vmem>>, vector<2560x128xf32>,
    return
  }
  func.func @transform_0(%arg0: i32) -> (i32, i32) {
    %c0_i32 = arith.constant 0 : i32
    %c0_i32_0 = arith.constant 0 : i32
    return %arg0, %c0_i32 : i32, i32
  }
  func.func @transform_1(%arg0: i32) -> (i32, i32, i32) {
    %c0_i32 = arith.constant 0 : i32
    %c0_i32_0 = arith.constant 0 : i32
    %c0_i32_1 = arith.constant 0 : i32
    return %c0_i32, %arg0, %c0_i32_0 : i32, i32, i32
  }
  func.func @transform_2(%arg0: i32) -> (i32, i32) {
    %c0_i32 = arith.constant 0 : i32
    %c0_i32_0 = arith.constant 0 : i32
    return %c0_i32, %arg0 : i32, i32
  }
  func.func @transform_3(%arg0: i32) -> (i32, i32) {
    %c0_i32 = arith.constant 0 : i32
    %c0_i32_0 = arith.constant 0 : i32
    %c0_i32_1 = arith.constant 0 : i32
    return %c0_i32, %c0_i32_0 : i32, i32
  }
  func.func @transform_4(%arg0: i32) -> (i32, i32) {
    %c0_i32 = arith.constant 0 : i32
    %c0_i32_0 = arith.constant 0 : i32
    %c0_i32_1 = arith.constant 0 : i32
    return %c0_i32, %c0_i32_0 : i32, i32
  }
  func.func @transform_5(%arg0: i32) -> (i32, i32) {
    %c0_i32 = arith.constant 0 : i32
    %c0_i32_0 = arith.constant 0 : i32
    return %arg0, %c0_i32 : i32, i32
  }
}

module attributes {stable_mosaic.version = 14 : i64} {
  func.func @body(%arg0: i32, %arg1: memref<2560x128xf32, #tpu.memory_space<vmem>>, %arg2: memref<2x2560x128xf32, #tpu.memory_space<vmem>>, %arg3: memref<2x2560xf32, #tpu.memory_space<vmem>>, %arg4: memref<128x64xf32, #tpu.memory_space<vmem>>, %arg5: memref<1x64xf32, #tpu.memory_space<vmem>>, %arg6: memref<2560x64xf32, #tpu.memory_space<vmem>>) attributes {dimension_semantics = [#tpu.dimension_semantics<arbitrary>], iteration_bounds = array<i64: 4>, scalar_prefetch = 0 : i64, scratch_operands = 0 : i64, tpu.core_type = #tpu.core_type<tc>, window_params = [{transform_indices = @transform_0, window_bounds = array<i64: 2560, 128>}, {transform_indices = @transform_1, window_bounds = array<i64: 2, 2560, 128>}, {transform_indices = @transform_2, window_bounds = array<i64: 2, 2560>}, {pipeline_mode = #tpu.pipeline_mode<synchronous>, transform_indices = @transform_3, window_bounds = array<i64: 128, 64>}, {pipeline_mode = #tpu.pipeline_mode<synchronous>, transform_indices = @transform_4, window_bounds = array<i64: 1, 64>}, {transform_indices = @transform_5, window_bounds = array<i64: 2560, 64>}]} {
    %get3A = arith.constant 0 : index
    %get3A_0 = arith.constant 0 : index
    %get3A_1 = vector.load %arg5[%get3A, %get3A_0] : memref<1x64xf32, #tpu.memory_space<vmem>>, vector<1x64xf32>
    %get3A_2 = arith.constant 0 : index
    %get3A_3 = arith.constant 0 : index
    %get3A_4 = arith.constant 0 : index
    %get3A_5 = vector.load %arg2[%get3A_2, %get3A_3, %get3A_4] : memref<2x2560x128xf32, #tpu.memory_space<vmem>>, vector<1x2560x128xf32>
    %get3A_6 = vector.shape_cast %get3A_5 : vector<1x2560x128xf32> to vector<2560x128xf32>
    %get3A_7 = arith.constant 1 : index
    %get3A_8 = arith.constant 0 : index
    %get3A_9 = arith.constant 0 : index
    %get3A_10 = vector.load %arg2[%get3A_7, %get3A_8, %get3A_9] : memref<2x2560x128xf32, #tpu.memory_space<vmem>>, vector<1x2560x128xf32>
    %get3A_11 = vector.shape_cast %get3A_10 : vector<1x2560x128xf32> to vector<2560x128xf32>
    %add3A = arith.addf %get3A_6, %get3A_11 : vector<2560x128xf32>
    %get3A_12 = arith.constant 0 : index
    %get3A_13 = arith.constant 0 : index
    %get3A_14 = vector.load %arg3[%get3A_12, %get3A_13] : memref<2x2560xf32, #tpu.memory_space<vmem>>, vector<1x2560xf32>
    %get3A_15 = vector.shape_cast %get3A_14 : vector<1x2560xf32> to vector<2560xf32>
    %get3A_16 = arith.constant 1 : index
    %get3A_17 = arith.constant 0 : index
    %get3A_18 = vector.load %arg3[%get3A_16, %get3A_17] : memref<2x2560xf32, #tpu.memory_space<vmem>>, vector<1x2560xf32>
    %get3A_19 = vector.shape_cast %get3A_18 : vector<1x2560xf32> to vector<2560xf32>
    %add3A_20 = arith.addf %get3A_15, %get3A_19 : vector<2560xf32>
    %max3A = arith.constant 1.000000e+00 : f32
    %max3A_21 = vector.broadcast %max3A : f32 to vector<2560xf32>
    %max3A_22 = arith.maximumf %add3A_20, %max3A_21 : vector<2560xf32>
    %div3A = arith.constant 1.000000e+00 : f32
    %div3A_23 = vector.broadcast %div3A : f32 to vector<2560xf32>
    %div3A_24 = arith.divf %div3A_23, %max3A_22 : vector<2560xf32>
    %get3A_25 = arith.constant 0 : index
    %get3A_26 = arith.constant 0 : index
    %get3A_27 = vector.load %arg1[%get3A_25, %get3A_26] : memref<2560x128xf32, #tpu.memory_space<vmem>>, vector<2560x128xf32>
    %broadcast_in_dim3A = vector.shape_cast %div3A_24 : vector<2560xf32> to vector<2560x1xf32>
    %mul3A = vector.broadcast %broadcast_in_dim3A : vector<2560x1xf32> to vector<2560x128xf32>
    %mul3A_28 = arith.mulf %add3A, %mul3A : vector<2560x128xf32>
    %add3A_29 = arith.addf %get3A_27, %mul3A_28 : vector<2560x128xf32>
    %max3A_30 = arith.constant 0.000000e+00 : f32
    %max3A_31 = vector.broadcast %max3A_30 : f32 to vector<2560x128xf32>
    %max3A_32 = arith.maximumf %add3A_29, %max3A_31 : vector<2560x128xf32>
    %get3A_33 = arith.constant 0 : index
    %get3A_34 = arith.constant 0 : index
    %get3A_35 = vector.load %arg4[%get3A_33, %get3A_34] : memref<128x64xf32, #tpu.memory_space<vmem>>, vector<128x64xf32>
    %dot_general3A = arith.constant dense<0.000000e+00> : vector<2560x64xf32>
    %dot_general3A_36 = tpu.matmul %max3A_32, %get3A_35, %dot_general3A {dimension_numbers = #tpu.dot_dimension_numbers<[1], [0], [0], [1], [0, 0, 1, 1], [], []>, transpose_lhs_hint = false} : vector<2560x128xf32>, vector<128x64xf32>, vector<2560x64xf32> -> vector<2560x64xf32>
    %add3A_37 = vector.broadcast %get3A_1 : vector<1x64xf32> to vector<2560x64xf32>
    %add3A_38 = arith.addf %dot_general3A_36, %add3A_37 : vector<2560x64xf32>
    %swap3A = arith.constant 0 : index
    %swap3A_39 = arith.constant 0 : index
    %swap3A_40 = vector.load %arg6[%swap3A, %swap3A_39] : memref<2560x64xf32, #tpu.memory_space<vmem>>, vector<2560x64xf32>
    tpu.vector_store %arg6[%swap3A, %swap3A_39], %add3A_38 {strides = array<i32>} : memref<2560x64xf32, #tpu.memory_space<vmem>>, vector<2560x64xf32>,
    return
  }
  func.func @transform_0(%arg0: i32) -> (i32, i32) {
    %c0_i32 = arith.constant 0 : i32
    %c0_i32_0 = arith.constant 0 : i32
    return %arg0, %c0_i32 : i32, i32
  }
  func.func @transform_1(%arg0: i32) -> (i32, i32, i32) {
    %c0_i32 = arith.constant 0 : i32
    %c0_i32_0 = arith.constant 0 : i32
    %c0_i32_1 = arith.constant 0 : i32
    return %c0_i32, %arg0, %c0_i32_0 : i32, i32, i32
  }
  func.func @transform_2(%arg0: i32) -> (i32, i32) {
    %c0_i32 = arith.constant 0 : i32
    %c0_i32_0 = arith.constant 0 : i32
    return %c0_i32, %arg0 : i32, i32
  }
  func.func @transform_3(%arg0: i32) -> (i32, i32) {
    %c0_i32 = arith.constant 0 : i32
    %c0_i32_0 = arith.constant 0 : i32
    %c0_i32_1 = arith.constant 0 : i32
    return %c0_i32, %c0_i32_0 : i32, i32
  }
  func.func @transform_4(%arg0: i32) -> (i32, i32) {
    %c0_i32 = arith.constant 0 : i32
    %c0_i32_0 = arith.constant 0 : i32
    %c0_i32_1 = arith.constant 0 : i32
    return %c0_i32, %c0_i32_0 : i32, i32
  }
  func.func @transform_5(%arg0: i32) -> (i32, i32) {
    %c0_i32 = arith.constant 0 : i32
    %c0_i32_0 = arith.constant 0 : i32
    return %arg0, %c0_i32 : i32, i32
  }
}

module attributes {stable_mosaic.version = 14 : i64} {
  func.func @_final_body(%arg0: i32, %arg1: memref<2560x64xf32, #tpu.memory_space<vmem>>, %arg2: memref<2x2560x128xf32, #tpu.memory_space<vmem>>, %arg3: memref<2x2560xf32, #tpu.memory_space<vmem>>, %arg4: memref<64x2560xf32, #tpu.memory_space<vmem>>) attributes {dimension_semantics = [#tpu.dimension_semantics<arbitrary>], iteration_bounds = array<i64: 4>, scalar_prefetch = 0 : i64, scratch_operands = 0 : i64, tpu.core_type = #tpu.core_type<tc>, window_params = [{transform_indices = @transform_0, window_bounds = array<i64: 2560, 64>}, {transform_indices = @transform_1, window_bounds = array<i64: 2, 2560, 128>}, {transform_indices = @transform_2, window_bounds = array<i64: 2, 2560>}, {transform_indices = @transform_3, window_bounds = array<i64: 64, 2560>}]} {
    %get3A = arith.constant 0 : index
    %get3A_0 = arith.constant 0 : index
    %get3A_1 = arith.constant 0 : index
    %get3A_2 = vector.load %arg2[%get3A, %get3A_0, %get3A_1] : memref<2x2560x128xf32, #tpu.memory_space<vmem>>, vector<1x2560x64xf32>
    %get3A_3 = vector.shape_cast %get3A_2 : vector<1x2560x64xf32> to vector<2560x64xf32>
    %get3A_4 = arith.constant 1 : index
    %get3A_5 = arith.constant 0 : index
    %get3A_6 = arith.constant 0 : index
    %get3A_7 = vector.load %arg2[%get3A_4, %get3A_5, %get3A_6] : memref<2x2560x128xf32, #tpu.memory_space<vmem>>, vector<1x2560x64xf32>
    %get3A_8 = vector.shape_cast %get3A_7 : vector<1x2560x64xf32> to vector<2560x64xf32>
    %add3A = arith.addf %get3A_3, %get3A_8 : vector<2560x64xf32>
    %get3A_9 = arith.constant 0 : index
    %get3A_10 = arith.constant 0 : index
    %get3A_11 = vector.load %arg3[%get3A_9, %get3A_10] : memref<2x2560xf32, #tpu.memory_space<vmem>>, vector<1x2560xf32>
    %get3A_12 = vector.shape_cast %get3A_11 : vector<1x2560xf32> to vector<2560xf32>
    %get3A_13 = arith.constant 1 : index
    %get3A_14 = arith.constant 0 : index
    %get3A_15 = vector.load %arg3[%get3A_13, %get3A_14] : memref<2x2560xf32, #tpu.memory_space<vmem>>, vector<1x2560xf32>
    %get3A_16 = vector.shape_cast %get3A_15 : vector<1x2560xf32> to vector<2560xf32>
    %add3A_17 = arith.addf %get3A_12, %get3A_16 : vector<2560xf32>
    %get3A_18 = arith.constant 0 : index
    %get3A_19 = arith.constant 0 : index
    %get3A_20 = vector.load %arg1[%get3A_18, %get3A_19] : memref<2560x64xf32, #tpu.memory_space<vmem>>, vector<2560x64xf32>
    %max3A = arith.constant 1.000000e+00 : f32
    %max3A_21 = vector.broadcast %max3A : f32 to vector<2560xf32>
    %max3A_22 = arith.maximumf %add3A_17, %max3A_21 : vector<2560xf32>
    %div3A = arith.constant 1.000000e+00 : f32
    %div3A_23 = vector.broadcast %div3A : f32 to vector<2560xf32>
    %div3A_24 = arith.divf %div3A_23, %max3A_22 : vector<2560xf32>
    %broadcast_in_dim3A = vector.shape_cast %div3A_24 : vector<2560xf32> to vector<2560x1xf32>
    %mul3A = vector.broadcast %broadcast_in_dim3A : vector<2560x1xf32> to vector<2560x64xf32>
    %mul3A_25 = arith.mulf %add3A, %mul3A : vector<2560x64xf32>
    %add3A_26 = arith.addf %get3A_20, %mul3A_25 : vector<2560x64xf32>
    %transpose3A = tpu.transpose %add3A_26, [1, 0] : vector<2560x64xf32> -> vector<64x2560xf32>
    %swap3A = arith.constant 0 : index
    %swap3A_27 = arith.constant 0 : index
    %swap3A_28 = vector.load %arg4[%swap3A, %swap3A_27] : memref<64x2560xf32, #tpu.memory_space<vmem>>, vector<64x2560xf32>
    tpu.vector_store %arg4[%swap3A, %swap3A_27], %transpose3A {strides = array<i32>} : memref<64x2560xf32, #tpu.memory_space<vmem>>, vector<64x2560xf32>,
    return
  }
  func.func @transform_0(%arg0: i32) -> (i32, i32) {
    %c0_i32 = arith.constant 0 : i32
    %c0_i32_0 = arith.constant 0 : i32
    return %arg0, %c0_i32 : i32, i32
  }
  func.func @transform_1(%arg0: i32) -> (i32, i32, i32) {
    %c0_i32 = arith.constant 0 : i32
    %c0_i32_0 = arith.constant 0 : i32
    %c0_i32_1 = arith.constant 0 : i32
    return %c0_i32, %arg0, %c0_i32_0 : i32, i32, i32
  }
  func.func @transform_2(%arg0: i32) -> (i32, i32) {
    %c0_i32 = arith.constant 0 : i32
    %c0_i32_0 = arith.constant 0 : i32
    return %c0_i32, %arg0 : i32, i32
  }
  func.func @transform_3(%arg0: i32) -> (i32, i32) {
    %c0_i32 = arith.constant 0 : i32
    %c0_i32_0 = arith.constant 0 : i32
    return %c0_i32, %arg0 : i32, i32
  }
}

</mosaic_0001>

<sc_bundles>
// kernel: kernel.12.cloned.1.call-start
scs
__scs_entry_jumppad:
0x0: {  	(pc) =	sbr.rel $0x88, $3  }
0x1: {  	(tag) =	ssettag $0x0;
	lr =	simm.s32 $0x1  }
0x2: {  	[smem:$0x3F96] =	sst lr;
	_ =	strace $0xD0000000  }
0x3: {  	_ = 	snop  }
0x4: {  	_ = 	snop  }
0x5: {  	_ = 	snop  }
0x6: {  	_ = 	snop  }
0x7: {  	_ = 	snop  }
__scs_overlays_trampoline_lowered:
0x8: {  	[smem:$0x3FA5] =	sst s0  }
0x9: {  	[smem:$0x3FA6] =	sst s1  }
0xa: {  	[smem:$0x3FA7] =	sst s2  }
0xb: {  	[smem:$0x3FA8] =	sst s3  }
0xc: {  	[smem:$0x3FA9] =	sst s4  }
0xd: {  	[smem:$0x3FAA] =	sst s5  }
0xe: {  	[smem:$0x3FAB] =	sst s6  }
0xf: {  	[smem:$0x3FAC] =	sst s7  }
0x10: {  	[smem:$0x3FAD] =	sst s8  }
0x11: {  	[smem:$0x3FAE] =	sst s9;
	s0 =	simm.s32 @!p0 $0x0  }
0x12: {  	s1 =	sld [smem:$0x3F94];
	s0 =	simm.s32 @p0 $0x1  }
0x13: {  	[smem:$0x3FAF] =	sst s0;
	s0 =	simm.s32 @!p1 $0x0  }
0x14: {  	s2 =	sld [smem:$0x3F93];
	s0 =	simm.s32 @p1 $0x1  }
0x15: {  	[smem:$0x3FB0] =	sst s0;
	s0 =	simm.s32 @!p2 $0x0  }
0x16: {  	s3 =	sld [smem:$0x3FDB];
	s0 =	simm.s32 @p2 $0x1  }
0x17: {  	s4 =	simm.s32 $0x1BF5;
	[smem:$0x3FB2] =	sst s0  }
0x18: {  	s0 =	sld [smem:$0x3F95];
	_ =	swait.ge [sflag:s4], $0x0  }
0x19: {  	s7 =	sld [smem:$0x3F96]  }
0x1a: {  	s8 =	sadd.s32 $0xFFFFE003, lr  }
0x1b: {  	s9 =	sadd.s32 $0xFFFFFEF7, lr;
	s5 =	simm.s32 $0xFFFFFFFF;
	p2 =	slt.u32 s8, $0xFFFFF086  }
0x1c: {  	p1 =	slt.u32 s9, $0xF7A;
	s5 =	simm.s32 @!p2 $0x0  }
0x1d: {  	s5 =	simm.s32 @p1 $0x1;
	p0 =	seq.s32 s7, s2  }
0x1e: {  	s7 =	smul.u32 @!p0 $0xF7A, s2;
	p2 =	seq.s32 @!p0 s5, $0x0  }
0x1f: {  	s9 =	smul.u32 $0xF7A, s1;
	s8 =	simm.s32 @!p0 $0x1BF5;
	p2 =	por !p2, p0  }
0x20: {  	[sflag:s8] =	ssyncset.s32 @!p0 $0xFFFFF086;
	s6 =	sadd.s32 @!p0 s3, s7;
	s7 =	simm.s32 @!p0 $0x108  }
0x21: {  	s3 =	sadd.s32 s3, s9;
	s6 =	sadd.s32 @!p0 $0x88, s6;
	s7 =	simm.s32 @p2 $0x1082  }
0x22: {  	[simem:s7], [sflag:s8] =	dma.local @!p0 [hbm:s6], $0xF7A  }
0x23: {  	s9 =	sor.u32 $0xD0000000, s2;
	s6 =	simm.s32 $0x108;
	_ =	swait.ge @!p0 [sflag:s8], $0x0  }
0x24: {  	s3 =	sadd.s32 $0x88, s3;
	s6 =	simm.s32 @!p1 $0x1082;
	[sflag:s4] =	ssyncset.s32 $0xFFFFF086  }
0x25: {  	[simem:s6], [sflag:s4] =	dma.local [hbm:s3], $0xF7A  }
0x26: {  	[smem:$0x3F96] =	sst s1;
	(tag) =	ssettag s2;
	_ =	strace s9  }
0x27: {  	s1 =	sld [smem:$0x3FA6]  }
0x28: {  	s2 =	sld [smem:$0x3FA7]  }
0x29: {  	s4 =	sld [smem:$0x3FA9]  }
0x2a: {  	p0 =	seq.s32 s5, $0x0;
	s5 =	sld [smem:$0x3FAA]  }
0x2b: {  	s6 =	sld [smem:$0x3FAB]  }
0x2c: {  	s7 =	sld [smem:$0x3FAC]  }
0x2d: {  	s3 =	simm.s32 $0x108;
	s8 =	sld [smem:$0x3FAD]  }
0x2e: {  	s3 =	simm.s32 @!p0 $0x1082;
	s9 =	sld [smem:$0x3FAE]  }
0x2f: {  	lr =	sadd.s32 s0, s3;
	s0 =	sld [smem:$0x3FA5]  }
0x30: {  	s3 =	sld [smem:$0x3FA8]  }
0x31: {  	[smem:$0x3FB1] =	sst s10  }
0x32: {  	s10 =	sld [smem:$0x3FAF];
	_ =	sdelay $0x3  }
0x33: {  	p0 =	seq.s32 s10, $0x1;
	s10 =	sld [smem:$0x3FB1];
	_ =	sdelay $0x3  }
0x34: {  	[smem:$0x3FB1] =	sst s10  }
0x35: {  	s10 =	sld [smem:$0x3FB0];
	_ =	sdelay $0x3  }
0x36: {  	p1 =	seq.s32 s10, $0x1;
	s10 =	sld [smem:$0x3FB1];
	_ =	sdelay $0x3  }
0x37: {  	[smem:$0x3FB1] =	sst s10  }
0x38: {  	s10 =	sld [smem:$0x3FB2]  }
0x39: {  	_ = 	snop;
	(pc) =	sbr.ind lr, $3  }
0x3a: {  	_ = 	snop  }
0x3b: {  	_ = 	snop  }
0x3c: {  	p2 =	seq.s32 s10, $0x1;
	s10 =	sld [smem:$0x3FB1]  }
0x3d: {  	_ =	shalt  }
0x3e: {  	_ =	shalt  }
0x3f: {  	_ =	shalt  }
0x40: {  	_ =	shalt  }
0x41: {  	_ =	shalt  }
0x42: {  	_ =	shalt  }
0x43: {  	_ =	shalt  }
0x44: {  	_ =	shalt  }
0x45: {  	_ =	shalt  }
0x46: {  	_ =	shalt  }
0x47: {  	_ =	shalt  }
0x48: {  	_ =	shalt  }
0x49: {  	_ =	shalt  }
0x4a: {  	_ =	shalt  }
0x4b: {  	_ =	shalt  }
0x4c: {  	_ =	shalt  }
0x4d: {  	_ =	shalt  }
0x4e: {  	_ =	shalt  }
0x4f: {  	_ =	shalt  }
0x50: {  	_ =	shalt  }
0x51: {  	_ =	shalt  }
0x52: {  	_ =	shalt  }
0x53: {  	_ =	shalt  }
0x54: {  	_ =	shalt  }
0x55: {  	_ =	shalt  }
0x56: {  	_ =	shalt  }
0x57: {  	_ =	shalt  }
0x58: {  	_ =	shalt  }
0x59: {  	_ =	shalt  }
0x5a: {  	_ =	shalt  }
0x5b: {  	_ =	shalt  }
0x5c: {  	_ =	shalt  }
0x5d: {  	_ =	shalt  }
0x5e: {  	_ =	shalt  }
0x5f: {  	_ =	shalt  }
0x60: {  	_ =	shalt  }
0x61: {  	_ =	shalt  }
0x62: {  	_ =	shalt  }
0x63: {  	_ =	shalt  }
0x64: {  	_ =	shalt  }
0x65: {  	_ =	shalt  }
0x66: {  	_ =	shalt  }
0x67: {  	_ =	shalt  }
0x68: {  	_ =	shalt  }
0x69: {  	_ =	shalt  }
0x6a: {  	_ =	shalt  }
0x6b: {  	_ =	shalt  }
0x6c: {  	_ =	shalt  }
0x6d: {  	_ =	shalt  }
0x6e: {  	_ =	shalt  }
0x6f: {  	_ =	shalt  }
0x70: {  	_ =	shalt  }
0x71: {  	_ =	shalt  }
0x72: {  	_ =	shalt  }
0x73: {  	_ =	shalt  }
0x74: {  	_ =	shalt  }
0x75: {  	_ =	shalt  }
0x76: {  	_ =	shalt  }
0x77: {  	_ =	shalt  }
0x78: {  	_ =	shalt  }
0x79: {  	_ =	shalt  }
0x7a: {  	_ =	shalt  }
0x7b: {  	_ =	shalt  }
0x7c: {  	_ =	shalt  }
0x7d: {  	_ =	shalt  }
0x7e: {  	_ =	shalt  }
0x7f: {  	_ =	shalt  }
0x80: {  	_ =	shalt  }
0x81: {  	_ =	shalt  }
0x82: {  	_ =	shalt  }
0x83: {  	_ =	shalt  }
0x84: {  	_ =	shalt  }
0x85: {  	_ =	shalt  }
0x86: {  	_ =	shalt  }
0x87: {  	_ =	shalt  }
.Lfunc_end0:
.L_simem_size_0:
called_computation_lowered:
.L_overlay_start_0:
0x88: {  	s2 =	sld [smem:$0x3FD9]  }
0x89: {  	s3 =	sld [smem:$0x3FFE];
	_ =	sdelay $0x1  }
0x8a: {  	s1 =	srdreg.scid  }
0x8b: {  	s0 =	sand.u32 $0x1, s1  }
0x8c: {  	s17 =	sshll.u32 s0, $0xA;
	s2 =	sadd.s32 s3, s2  }
0x8d: {  	s2 =	sadd.s32 s2, s17  }
0x8e: {  	[smem:$0x3FBD] =	sst s2  }
0x8f: {  	_ = 	snop  }
0x90: {  	s2 =	sld [smem:$0x3FD0];
	(tm) =	ssettm $0x1  }
0x91: {  	s18 =	sld [smem:$0x3FFB];
	_ =	sdelay $0x3  }
0x92: {  	_ =	strace s18  }
0x93: {  	s3 =	sld [smem:$0x3FFC];
	_ =	sdelay $0x3  }
0x94: {  	_ =	strace s3  }
0x95: {  	s3 =	sld [smem:$0x3FFD];
	_ =	sdelay $0x3  }
0x96: {  	_ =	strace s3  }
0x97: {  	_ =	strace $0x8FFFFFFF  }
0x98: {  	s19 =	sld [smem:$0x3FDB];
	_ =	sdelay $0x1  }
0x99: {  	s4 =	simm.s32 $_scs_section_size  }
0x9a: {  	s5 =	simm.s32 $_size__tile_overlayer_lowered;
	s6 =	simm.s32 $_tile_overlayer_lowered  }
0x9b: {  	s22 =	simm.s32 $0x1BFF;
	s21 =	sshll.u32 s6, $0x1;
	s3 =	sadd.s32 s4, s19  }
0x9c: {  	s7 =	simm.s32 $0x0;
	s20 =	sshll.u32 s5, $0x1;
	s5 =	sadd.s32 s21, s3  }
0x9d: {  	[timem:s7], [sflag:s22] =	dma.local [hbm:s5], s20  }
0x9e: {  	_ =	swait.ge [sflag:s22], s20  }
0x9f: {  	s4 =	ssub.s32 $0x0, s20;
	[sflag:s22] =	ssyncset.done $0x0  }
0xa0: {  	[sflag:s22] =	ssyncadd.s32 s4;
	_ =	sdelay $0x1  }
0xa1: {  	s23 =	simm.s32 $0x1B8B  }
0xa2: {  	_ =	swait.ge [sflag:s23], $0x1  }
0xa3: {  	[sflag:s23] =	ssyncset.done $0x0  }
0xa4: {  	s25 =	simm.s32 $0x1B8E;
	s24 =	sld [smem:$0x3FFE];
	[sflag:s23] =	ssyncadd.s32 $0xFFFFFFFF  }
0xa5: {  	s26 =	simm.s32 $execute0_lowered;
	[smem:$0x3FD2] =	sst s25  }
0xa6: {  	s5 =	sshll.u32 s26, $0x1;
	_ =	strace $0x80000046;
	[dreg:$0x1] =	wrdreg $0xFFFFFFFF  }
0xa7: {  	s28 =	simm.s32 $_size_execute0_lowered;
	s3 =	sadd.s32 s3, s5;
	[dreg:$0x0] =	wrdreg $0x0  }
0xa8: {  	s5 =	sshll.u32 s28, $0x1;
	[dreg:$0x2] =	wrdreg s3  }
0xa9: {  	[dreg:$0x3] =	wrdreg s5  }
0xaa: {  	[dreg:$0x4] =	wrdreg $0xC0  }
0xab: {  	_ =	task [dreg:s7], $0x5FFFF  }
0xac: {  	[dreg:$0x1] =	wrdreg $0xFFFFFFFF  }
0xad: {  	[dreg:$0x0] =	wrdreg $0x60  }
0xae: {  	[dreg:$0x2] =	wrdreg s24  }
0xaf: {  	[dreg:$0x3] =	wrdreg s2  }
0xb0: {  	[dreg:$0x4] =	wrdreg $0x0  }
0xb1: {  	[dreg:$0x5] =	wrdreg $0x1E8000  }
0xb2: {  	[dreg:$0x6] =	wrdreg $0x9  }
0xb3: {  	_ =	task.clear_ibuf [dreg:s7], $0x7FFFF;
	_ =	strace $0x90000046  }
0xb4: {  	s29 =	simm.s32 $0x9;
	_ =	strace $0x80000048  }
0xb5: {  	_ =	swait.ge [sflag:s29], $0x1  }
0xb6: {  	[sflag:s29] =	ssyncadd.s32 $0xFFFFFFFF  }
0xb7: {  	_ =	strace $0x90000048  }
0xb8: {  	_ =	sfence  }
0xb9: {  	s30 =	sld [smem:$0x0];
	_ =	sdelay $0x2  }
0xba: {  	s31 =	sshll.u32 s1, $0xD;
	s1 =	sshrl.u32 s1, $0x2  }
0xbb: {  	s3 =	sand.u32 $0x4000, s31;
	s1 =	sadd.s32 s1, s30  }
0xbc: {  	s0 =	sor.u32 s3, s0;
	s1 =	sshll.u32 s1, $0x11  }
0xbd: {  	s0 =	sor.u32 s1, s0  }
0xbe: {  	s0 =	sadd.s32 $0x8F2B, s0  }
0xbf: {  	[sflag:s0] =	ssyncadd.remote.s32 $0x1  }
0xc0: {  	_ =	sfence.sel $0xFFFF  }
0xc1: {  	[dreg:$0x0] =	wrdreg $0xFFFFFFFF;
	(pc) =	sbr.abs _section_cstart, $3  }
0xc2: {  	[dreg:$0x1] =	wrdreg $0xFFFFFFFF  }
0xc3: {  	_ =	task.clear_ibuf [dreg:s7], $0x2FFFF;
	_ =	strace $0x9FFFFFFF  }
0xc4: {  	(tm) =	ssettm $0x7FFFFFFF  }
0xc5: {  	_ =	shalt  }
tec
execute0_lowered:
.L_overlay_start_1:
0x0: {  	(tag) =	ssettag $0x1  }
0x1: {  	s0 =	rddreg [dreg:$0x0]  }
0x2: {  	s1 =	rddreg [dreg:$0x1];
	s3 =	srdreg.scid  }
0x3: {  	s2 =	rddreg [dreg:$0x2];
	s9 =	stileid.u32  }
0x4: {  	s7 =	simm.s32 $0x0;
	s29 =	simm.s32 $0x1;
	s6 =	smul.u32 $0x14000, s9  }
0x5: {  	s30 =	simm.s32 $0x1EA80;
	s31 =	simm.s32 $0x2;
	s20 =	smul.u32 $0x500, s9  }
0x6: {  	s4 =	sand.u32 $0x1, s3;
	s3 =	rddreg [dreg:$0x3];
	s13 =	smul.u32 $0x280, s9  }
0x7: {  	[smem:$0x7FF] =	sst s7;
	s21 =	sshll.u32 s9, $0x1;
	s9 =	smul.u32 $0x50000, s9  }
0x8: {  	s5 =	smul.u32 $0x140000, s4;
	_ =	strace $0x80000047;
	s8 =	sshll.u32 s4, $0x7  }
0x9: {  	s7 =	sor.u32 s4, s21;
	s4 =	ssub.s32 $0x2, s4;
	s21 =	simm.s32 $0x14000  }
0xa: {  	s7 =	smul.u32 $0x1400, s7;
	s22 =	sshrl.u32 s4, $0x1;
	s24 =	sshrl.u32 s9, $0x2  }
0xb: {  	s14 =	sadd.s32 $0x80, s13;
	s28 =	sadd.s32 $0x100, s13;
	s16 =	sadd.s32 $0x180, s13  }
0xc: {  	s17 =	sadd.s32 $0x200, s13;
	s13 =	sadd.s32 s13, s3;
	s9 =	simm.s32 $0x10  }
0xd: {  	s6 =	sadd.s32 s6, s5;
	s5 =	sadd.s32 $0x4C00, s0;
	s4 =	ssub.s32 s4, s22  }
0xe: {  	s26 =	sshll.u32 s14, $0x7;
	s10 =	sshll.u32 s28, $0x7;
	s11 =	sshll.u32 s16, $0x7  }
0xf: {  	s12 =	sshll.u32 s17, $0x7;
	s14 =	sadd.s32 s14, s3;
	s15 =	sadd.s32 s28, s3  }
0x10: {  	s16 =	sadd.s32 s16, s3;
	s17 =	sadd.s32 s17, s3;
	s22 =	simm.s32 $0x3  }
0x11: {  	s6 =	sshrl.u32 s6, $0x3;
	s23 =	sshrl.u32 s7, $0x3;
	s10 =	sadd.s32 s10, s2  }
0x12: {  	s11 =	sadd.s32 s11, s2;
	s12 =	sadd.s32 s12, s2;
	s18 =	sadd.s32 s6, s0  }
0x13: {  	s6 =	sor.u32 s8, s20;
	s8 =	sadd.s32 s24, s2;
	s20 =	smax.u32 s4, $0x1  }
0x14: {  	s24 =	simm.s32 $0x80;
	s6 =	sshrl.u32 s6, $0x3;
	s18 =	sadd.s32 $0x2CC00, s18  }
0x15: {  	s0 =	sadd.s32 s6, s0;
	s6 =	sadd.s32 s1, s23;
	s1 =	sadd.s32 s26, s2  }
0x16: {  	s26 =	simm.s32 $0x1A800;
	s23 =	simm.s32 $0x0;
	s25 =	sadd.s32 $0x5000, s6  }
0x17: {  	[dreg:$0x6] =	wrdreg s1;
	s19 =	sadd.s32 $0x7CC00, s0;
	s1 =	simm.s32 $0x16700  }
0x18: {  	v0 =	vimm.f32 $0.0e+00;
	v1 =	vimm.f32 $1.000000000e+00;
	s0 =	simm.s32 $0x16780;
	[dreg:$0x5] =	wrdreg s25;
	s25 =	simm.s32 $0x16800  }
.LBB2_1:
0x19: {  	s4 =	simm.s32 $0x0  }
0x1a: {  	[tilespmem:s21], [sflag:$0x3] =	stream.linear.gather [hbm4b:s6+s4], $0x1400, $0x38;
	[tilespmem:$0x1EB00] =	vst v63  }
0x1b: {  	_ =	swait.ge [sflag:s22], $0x1400  }
0x1c: {  	[sflag:s22] =	ssyncset.done $0x0  }
0x1d: {  	s28 =	simm.s32 $0x15400;
	s7 =	rddreg [dreg:$0x5];
	[sflag:s22] =	ssyncadd.s32 $0xFFFFEC00  }
0x1e: {  	[tilespmem:s28], [sflag:$0x3] =	stream.linear.gather [hbm4b:s7+s4], $0x1400, $0x38;
	[tilespmem:$0x1EB00] =	vst v63  }
0x1f: {  	_ =	swait.ge [sflag:s22], $0x1400  }
0x20: {  	[sflag:s22] =	ssyncset.done $0x0  }
0x21: {  	s28 =	simm.s32 $0x0;
	s4 =	simm.s32 $0x200;
	[sflag:s22] =	ssyncadd.s32 $0xFFFFEC00  }
0x22: {  	[tilespmem:s25], [sflag:$0x1] =	stream.indirect.gather [hbm4b:s5+s24], $0x80, s21, s24, $0xb8;
	[tilespmem:$0x1EB00] =	vst v63  }
.LBB2_2:
0x23: {  	p0 =	sne.s32 s4, $0xFE00;
	[tilespmem:s28+$0x1A870] =	vst v0  }
0x24: {  	[tilespmem:s28+$0x1A800] =	vst v0  }
0x25: {  	[tilespmem:s28+$0x1A810] =	vst v0  }
.Ltmp0:
0x26: {  	[tilespmem:s28+$0x1A820] =	vst v0;
	(pc) =	sbr.rel @p0 .LBB2_2-.Ltmp0, $4  }
0x27: {  	[tilespmem:s28+$0x1A830] =	vst v0  }
0x28: {  	[tilespmem:s28+$0x1A840] =	vst v0  }
0x29: {  	[tilespmem:s28+$0x1A850] =	vst v0  }
0x2a: {  	[tilespmem:s28+$0x1A860] =	vst v0;
	s28 =	sshra.s32 s4, $0x2;
	s4 =	sadd.s32 $0x200, s4  }
0x2b: {  	[tilespmem:s28+$0x1A870] =	vst v0  }
0x2c: {  	[tilespmem:s28+$0x1A800] =	vst v0  }
0x2d: {  	[tilespmem:s28+$0x1A810] =	vst v0  }
0x2e: {  	[tilespmem:s28+$0x1A820] =	vst v0  }
0x2f: {  	[tilespmem:s28+$0x1A830] =	vst v0  }
0x30: {  	[tilespmem:s28+$0x1A840] =	vst v0  }
0x31: {  	[tilespmem:s28+$0x1A850] =	vst v0  }
0x32: {  	[tilespmem:s28+$0x1A860] =	vst v0  }
0x33: {  	[spmem:s8] =	stream.linear.scatter [tilespmem:s26], [sflag:$0x3], $0x4000, $0x38;
	[tilespmem:$0x1EB00] =	vst v63  }
0x34: {  	_ =	swait.ge [sflag:s22], $0x4000  }
0x35: {  	[sflag:s22] =	ssyncset.done $0x0  }
0x36: {  	s4 =	rddreg [dreg:$0x6];
	[sflag:s22] =	ssyncadd.s32 $0xFFFFC000  }
0x37: {  	[spmem:s4] =	stream.linear.scatter [tilespmem:s26], [sflag:$0x3], $0x4000, $0x38;
	[tilespmem:$0x1EB00] =	vst v63  }
0x38: {  	_ =	swait.ge [sflag:s22], $0x4000  }
0x39: {  	[sflag:s22] =	ssyncset.done $0x0  }
0x3a: {  	[sflag:s22] =	ssyncadd.s32 $0xFFFFC000  }
0x3b: {  	[spmem:s10] =	stream.linear.scatter [tilespmem:s26], [sflag:$0x3], $0x4000, $0x38;
	[tilespmem:$0x1EB00] =	vst v63  }
0x3c: {  	_ =	swait.ge [sflag:s22], $0x4000  }
0x3d: {  	[sflag:s22] =	ssyncset.done $0x0  }
0x3e: {  	[sflag:s22] =	ssyncadd.s32 $0xFFFFC000  }
0x3f: {  	[spmem:s11] =	stream.linear.scatter [tilespmem:s26], [sflag:$0x3], $0x4000, $0x38;
	[tilespmem:$0x1EB00] =	vst v63  }
0x40: {  	_ =	swait.ge [sflag:s22], $0x4000  }
0x41: {  	[sflag:s22] =	ssyncset.done $0x0  }
0x42: {  	[sflag:s22] =	ssyncadd.s32 $0xFFFFC000  }
0x43: {  	[spmem:s12] =	stream.linear.scatter [tilespmem:s26], [sflag:$0x3], $0x4000, $0x38;
	[tilespmem:$0x1EB00] =	vst v63  }
0x44: {  	_ =	swait.ge [sflag:s22], $0x4000  }
0x45: {  	[sflag:s22] =	ssyncset.done $0x0  }
0x46: {  	[sflag:s22] =	ssyncadd.s32 $0xFFFFC000  }
0x47: {  	[spmem:s13] =	stream.linear.scatter [tilespmem:s26], [sflag:$0x3], $0x80, $0x38;
	[tilespmem:$0x1EB00] =	vst v63  }
0x48: {  	_ =	swait.ge [sflag:s22], $0x80  }
0x49: {  	[sflag:s22] =	ssyncset.done $0x0  }
0x4a: {  	[sflag:s22] =	ssyncadd.s32 $0xFFFFFF80  }
0x4b: {  	[spmem:s14] =	stream.linear.scatter [tilespmem:s26], [sflag:$0x3], $0x80, $0x38;
	[tilespmem:$0x1EB00] =	vst v63  }
0x4c: {  	_ =	swait.ge [sflag:s22], $0x80  }
0x4d: {  	[sflag:s22] =	ssyncset.done $0x0  }
0x4e: {  	[sflag:s22] =	ssyncadd.s32 $0xFFFFFF80  }
0x4f: {  	[spmem:s15] =	stream.linear.scatter [tilespmem:s26], [sflag:$0x3], $0x80, $0x38;
	[tilespmem:$0x1EB00] =	vst v63  }
0x50: {  	_ =	swait.ge [sflag:s22], $0x80  }
0x51: {  	[sflag:s22] =	ssyncset.done $0x0  }
0x52: {  	[sflag:s22] =	ssyncadd.s32 $0xFFFFFF80  }
0x53: {  	[spmem:s16] =	stream.linear.scatter [tilespmem:s26], [sflag:$0x3], $0x80, $0x38;
	[tilespmem:$0x1EB00] =	vst v63  }
0x54: {  	_ =	swait.ge [sflag:s22], $0x80  }
0x55: {  	[sflag:s22] =	ssyncset.done $0x0  }
0x56: {  	[sflag:s22] =	ssyncadd.s32 $0xFFFFFF80  }
0x57: {  	[spmem:s17] =	stream.linear.scatter [tilespmem:s26], [sflag:$0x3], $0x80, $0x38;
	[tilespmem:$0x1EB00] =	vst v63  }
0x58: {  	_ =	swait.ge [sflag:s22], $0x80  }
0x59: {  	[sflag:s22] =	ssyncset.done $0x0  }
0x5a: {  	[sflag:s22] =	ssyncadd.s32 $0xFFFFFF80  }
0x5b: {  	[tilespmem:$0x1EA80] =	vst v1  }
0x5c: {  	[tilespmem:$0x1EA90] =	vst v1  }
0x5d: {  	[tilespmem:$0x1EAA0] =	vst v1  }
0x5e: {  	[tilespmem:$0x1EAB0] =	vst v1  }
0x5f: {  	[tilespmem:$0x1EAC0] =	vst v1  }
0x60: {  	[tilespmem:$0x1EAD0] =	vst v1  }
0x61: {  	[tilespmem:$0x1EAE0] =	vst v1  }
0x62: {  	[tilespmem:$0x1EAF0] =	vst v1  }
0x63: {  	s7 =	simm.s32 $0x14080;
	[bflag:$0x0] =	sbarrier.arrive $0xFFFF  }
0x64: {  	[tilespmem:s26], [sflag:$0x2] =	stream.indirect.gather [hbm4b:s5+s24], $0x80, s7, s24, $0xb8;
	[tilespmem:$0x1EB00] =	vst v63  }
0x65: {  	_ =	swait.ge [sflag:s29], $0x4000  }
0x66: {  	[sflag:s29] =	ssyncset.done $0x0  }
0x67: {  	s7 =	simm.s32 $0x15400;
	[sflag:s29] =	ssyncadd.s32 $0xFFFFC000  }
0x68: {  	[spmem:s2] =	stream.indirect.scatter.add.f32 [tilespmem:s25], [sflag:$0x3], $0x80, s7, s24, $0xb8;
	[tilespmem:$0x1EB00] =	vst v63  }
0x69: {  	_ =	swait.ge [sflag:s22], $0x4000  }
0x6a: {  	[sflag:s22] =	ssyncset.done $0x0  }
0x6b: {  	[sflag:s22] =	ssyncadd.s32 $0xFFFFC000  }
0x6c: {  	[spmem:s3] =	stream.indirect.scatter.add.f32 [tilespmem:s30], [sflag:$0x3], $0x1, s7, s24, $0xb8;
	[tilespmem:$0x1EB00] =	vst v63  }
0x6d: {  	_ =	swait.ge [sflag:s22], $0x80  }
0x6e: {  	[sflag:s22] =	ssyncset.done $0x0  }
0x6f: {  	s7 =	simm.s32 $0x14100;
	[sflag:s22] =	ssyncadd.s32 $0xFFFFFF80  }
0x70: {  	[tilespmem:s25], [sflag:$0x1] =	stream.indirect.gather [hbm4b:s5+s24], $0x80, s7, s24, $0xb8;
	[tilespmem:$0x1EB00] =	vst v63  }
0x71: {  	_ =	swait.ge [sflag:s31], $0x4000  }
0x72: {  	[sflag:s31] =	ssyncset.done $0x0  }
0x73: {  	s7 =	simm.s32 $0x15480;
	[sflag:s31] =	ssyncadd.s32 $0xFFFFC000  }
0x74: {  	[spmem:s2] =	stream.indirect.scatter.add.f32 [tilespmem:s26], [sflag:$0x3], $0x80, s7, s24, $0xb8;
	[tilespmem:$0x1EB00] =	vst v63  }
0x75: {  	_ =	swait.ge [sflag:s22], $0x4000  }
0x76: {  	[sflag:s22] =	ssyncset.done $0x0  }
0x77: {  	[sflag:s22] =	ssyncadd.s32 $0xFFFFC000  }
0x78: {  	[spmem:s3] =	stream.indirect.scatter.add.f32 [tilespmem:s30], [sflag:$0x3], $0x1, s7, s24, $0xb8;
	[tilespmem:$0x1EB00] =	vst v63  }
0x79: {  	_ =	swait.ge [sflag:s22], $0x80  }
0x7a: {  	[sflag:s22] =	ssyncset.done $0x0  }
0x7b: {  	s28 =	simm.s32 $0x400;
	s4 =	simm.s32 $0x14180;
	[sflag:s22] =	ssyncadd.s32 $0xFFFFFF80  }
.LBB2_4:
0x7c: {  	[tilespmem:s26], [sflag:$0x2] =	stream.indirect.gather [hbm4b:s5+s24], $0x80, s4, s24, $0xb8;
	[tilespmem:$0x1EB00] =	vst v63  }
0x7d: {  	s4 =	smov.u32 s28  }
0x7e: {  	p0 =	sne.s32 s28, $0x4800;
	s28 =	sadd.s32 $0x400, s28;
	_ =	swait.ge [sflag:s29], $0x4000  }
0x7f: {  	s4 =	sshra.s32 s4, $0x2;
	[sflag:s29] =	ssyncset.done $0x0  }
0x80: {  	s7 =	sadd.s32 $0x15400, s4;
	[sflag:s29] =	ssyncadd.s32 $0xFFFFC000  }
0x81: {  	[spmem:s2] =	stream.indirect.scatter.add.f32 [tilespmem:s25], [sflag:$0x3], $0x80, s7, s24, $0xb8;
	[tilespmem:$0x1EB00] =	vst v63  }
0x82: {  	_ =	swait.ge [sflag:s22], $0x4000  }
0x83: {  	[sflag:s22] =	ssyncset.done $0x0  }
0x84: {  	[sflag:s22] =	ssyncadd.s32 $0xFFFFC000  }
0x85: {  	[spmem:s3] =	stream.indirect.scatter.add.f32 [tilespmem:s30], [sflag:$0x3], $0x1, s7, s24, $0xb8;
	[tilespmem:$0x1EB00] =	vst v63  }
0x86: {  	_ =	swait.ge [sflag:s22], $0x80  }
0x87: {  	[sflag:s22] =	ssyncset.done $0x0  }
0x88: {  	s7 =	sadd.s32 $0x14100, s4;
	[sflag:s22] =	ssyncadd.s32 $0xFFFFFF80  }
0x89: {  	[tilespmem:s25], [sflag:$0x1] =	stream.indirect.gather [hbm4b:s5+s24], $0x80, s7, s24, $0xb8;
	[tilespmem:$0x1EB00] =	vst v63  }
0x8a: {  	_ =	swait.ge [sflag:s31], $0x4000  }
0x8b: {  	[sflag:s31] =	ssyncset.done $0x0  }
0x8c: {  	s7 =	sadd.s32 $0x15480, s4;
	[sflag:s31] =	ssyncadd.s32 $0xFFFFC000  }
0x8d: {  	[spmem:s2] =	stream.indirect.scatter.add.f32 [tilespmem:s26], [sflag:$0x3], $0x80, s7, s24, $0xb8;
	[tilespmem:$0x1EB00] =	vst v63  }
0x8e: {  	_ =	swait.ge [sflag:s22], $0x4000  }
0x8f: {  	[sflag:s22] =	ssyncset.done $0x0  }
.Ltmp1:
0x90: {  	[sflag:s22] =	ssyncadd.s32 $0xFFFFC000;
	(pc) =	sbr.rel @p0 .LBB2_4-.Ltmp1, $4  }
0x91: {  	[spmem:s3] =	stream.indirect.scatter.add.f32 [tilespmem:s30], [sflag:$0x3], $0x1, s7, s24, $0xb8;
	[tilespmem:$0x1EB00] =	vst v63  }
0x92: {  	_ =	swait.ge [sflag:s22], $0x80  }
0x93: {  	[sflag:s22] =	ssyncset.done $0x0  }
0x94: {  	s4 =	sadd.s32 $0x14180, s4;
	[sflag:s22] =	ssyncadd.s32 $0xFFFFFF80  }
0x95: {  	[tilespmem:s26], [sflag:$0x2] =	stream.indirect.gather [hbm4b:s5+s24], $0x80, s4, s24, $0xb8;
	[tilespmem:$0x1EB00] =	vst v63  }
0x96: {  	_ =	swait.ge [sflag:s29], $0x4000  }
0x97: {  	[sflag:s29] =	ssyncset.done $0x0  }
0x98: {  	[sflag:s29] =	ssyncadd.s32 $0xFFFFC000  }
0x99: {  	[spmem:s2] =	stream.indirect.scatter.add.f32 [tilespmem:s25], [sflag:$0x3], $0x80, s1, s24, $0xb8;
	[tilespmem:$0x1EB00] =	vst v63  }
0x9a: {  	_ =	swait.ge [sflag:s22], $0x4000  }
0x9b: {  	[sflag:s22] =	ssyncset.done $0x0  }
0x9c: {  	[sflag:s22] =	ssyncadd.s32 $0xFFFFC000  }
0x9d: {  	[spmem:s3] =	stream.indirect.scatter.add.f32 [tilespmem:s30], [sflag:$0x3], $0x1, s1, s24, $0xb8;
	[tilespmem:$0x1EB00] =	vst v63  }
0x9e: {  	_ =	swait.ge [sflag:s22], $0x80  }
0x9f: {  	[sflag:s22] =	ssyncset.done $0x0  }
0xa0: {  	[sflag:s22] =	ssyncadd.s32 $0xFFFFFF80  }
0xa1: {  	_ =	swait.ge [sflag:s31], $0x4000  }
0xa2: {  	[sflag:s31] =	ssyncset.done $0x0  }
0xa3: {  	[sflag:s31] =	ssyncadd.s32 $0xFFFFC000  }
0xa4: {  	[spmem:s2] =	stream.indirect.scatter.add.f32 [tilespmem:s26], [sflag:$0x3], $0x80, s0, s24, $0xb8;
	[tilespmem:$0x1EB00] =	vst v63  }
0xa5: {  	_ =	swait.ge [sflag:s22], $0x4000  }
0xa6: {  	[sflag:s22] =	ssyncset.done $0x0  }
0xa7: {  	[sflag:s22] =	ssyncadd.s32 $0xFFFFC000  }
0xa8: {  	[spmem:s3] =	stream.indirect.scatter.add.f32 [tilespmem:s30], [sflag:$0x3], $0x1, s0, s24, $0xb8;
	[tilespmem:$0x1EB00] =	vst v63  }
0xa9: {  	_ =	swait.ge [sflag:s22], $0x80  }
0xaa: {  	s28 =	stileid.u32;
	[sflag:s22] =	ssyncset.done $0x0  }
0xab: {  	s4 =	sshll.u32 s28, $0x6;
	[sflag:s22] =	ssyncadd.s32 $0xFFFFFF80  }
0xac: {  	s7 =	sshrl.u32 s8, $0x3;
	s4 =	sor.u32 $0x1C03, s4;
	[bflag:$0x0] =	sbarrier.arrive $0xFFFF  }
0xad: {  	[hbm:s18], [sflag:s4] =	dma.local [spmem:s7], $0x2800  }
0xae: {  	s23 =	sadd.s32 $0x1, s23;
	_ =	swait.ge [sflag:s22], $0x2800  }
0xaf: {  	s28 =	simm.s32 $0x20;
	p0 =	sne.s32 s23, s20;
	[sflag:s22] =	ssyncset.done $0x0  }
.Ltmp2:
0xb0: {  	s7 =	sshrl.u32 s13, $0x3;
	[sflag:s22] =	ssyncadd.s32 $0xFFFFD800;
	(pc) =	sbr.rel @p0 .LBB2_1-.Ltmp2, $4  }
0xb1: {  	[hbm:s19@s28], [sflag:s4] =	dma.strided [spmem:s7@s9], $0x50, s29, $0x10   }
0xb2: {  	_ =	swait.ge [sflag:s22], $0x50  }
0xb3: {  	[sflag:s22] =	ssyncset.done $0x0  }
0xb4: {  	[sflag:s22] =	ssyncadd.s32 $0xFFFFFFB0  }
0xb5: {  	_ =	sfence.sel $0x180000  }
0xb6: {  	[bflag:$0x0] =	sbarrier.arrive $0xFFFF  }
0xb7: {  	_ =	strace $0x90000047  }
0xb8: {  	s0 =	stileid.u32;
	[bflag:$0x2] =	sbarrier.arrive $0xFFFF  }
0xb9: {  	p0 =	sne.s32 s0, $0x0;
	s0 =	rddreg [dreg:$0x4]  }
0xba: {  	s0 =	sadd.s32 @!p0 $0x100000, s0  }
0xbb: {  	[sflag:s0] =	ssyncadd.tile.s32 @!p0 $0x1;
	_ =	shalt  }
.Lfunc_end2:
_tile_overlayer_lowered:
.L_overlay_start_2:
0xbc: {  	(tag) =	ssettag $0x2  }
0xbd: {  	s0 =	rddreg [dreg:$0x0];
	s2 =	stileid.u32  }
0xbe: {  	s1 =	rddreg [dreg:$0x1];
	p0 =	sne.s32 s2, $0x0  }
0xbf: {  	s3 =	rddreg [dreg:$0x2];
	[bflag:$0x3] =	sbarrier.arrive $0xFFFF;
	s2 =	simm.s32 @!p0 $0x1C03  }
0xc0: {  	[timem:s3], [sflag:s2] =	dma.local @!p0 [hbm:s0], s1  }
0xc1: {  	s0 =	simm.s32 @!p0 $0x3  }
0xc2: {  	_ =	swait.ge @!p0 [sflag:s0], s1  }
0xc3: {  	s1 =	ssub.s32 @!p0 $0x0, s1;
	[sflag:s0] =	ssyncset.done @!p0 $0x0  }
0xc4: {  	[sflag:s0] =	ssyncadd.s32 @!p0 s1  }
0xc5: {  	[bflag:$0x3] =	sbarrier.arrive $0xFFFF  }
0xc6: {  	_ =	shalt  }

// kernel: kernel.15.cloned.1.call-start
scs
__scs_entry_jumppad:
0x0: {  	(pc) =	sbr.rel $0x88, $3  }
0x1: {  	(tag) =	ssettag $0x0;
	lr =	simm.s32 $0x1  }
0x2: {  	[smem:$0x3F96] =	sst lr;
	_ =	strace $0xD0000000  }
0x3: {  	_ = 	snop  }
0x4: {  	_ = 	snop  }
0x5: {  	_ = 	snop  }
0x6: {  	_ = 	snop  }
0x7: {  	_ = 	snop  }
__scs_overlays_trampoline_lowered:
0x8: {  	[smem:$0x3FA5] =	sst s0  }
0x9: {  	[smem:$0x3FA6] =	sst s1  }
0xa: {  	[smem:$0x3FA7] =	sst s2  }
0xb: {  	[smem:$0x3FA8] =	sst s3  }
0xc: {  	[smem:$0x3FA9] =	sst s4  }
0xd: {  	[smem:$0x3FAA] =	sst s5  }
0xe: {  	[smem:$0x3FAB] =	sst s6  }
0xf: {  	[smem:$0x3FAC] =	sst s7  }
0x10: {  	[smem:$0x3FAD] =	sst s8  }
0x11: {  	[smem:$0x3FAE] =	sst s9;
	s0 =	simm.s32 @!p0 $0x0  }
0x12: {  	s1 =	sld [smem:$0x3F94];
	s0 =	simm.s32 @p0 $0x1  }
0x13: {  	[smem:$0x3FAF] =	sst s0;
	s0 =	simm.s32 @!p1 $0x0  }
0x14: {  	s2 =	sld [smem:$0x3F93];
	s0 =	simm.s32 @p1 $0x1  }
0x15: {  	[smem:$0x3FB0] =	sst s0;
	s0 =	simm.s32 @!p2 $0x0  }
0x16: {  	s3 =	sld [smem:$0x3FDB];
	s0 =	simm.s32 @p2 $0x1  }
0x17: {  	s4 =	simm.s32 $0x1BF5;
	[smem:$0x3FB2] =	sst s0  }
0x18: {  	s0 =	sld [smem:$0x3F95];
	_ =	swait.ge [sflag:s4], $0x0  }
0x19: {  	s7 =	sld [smem:$0x3F96]  }
0x1a: {  	s8 =	sadd.s32 $0xFFFFE003, lr  }
0x1b: {  	s9 =	sadd.s32 $0xFFFFFEF7, lr;
	s5 =	simm.s32 $0xFFFFFFFF;
	p2 =	slt.u32 s8, $0xFFFFF086  }
0x1c: {  	p1 =	slt.u32 s9, $0xF7A;
	s5 =	simm.s32 @!p2 $0x0  }
0x1d: {  	s5 =	simm.s32 @p1 $0x1;
	p0 =	seq.s32 s7, s2  }
0x1e: {  	s7 =	smul.u32 @!p0 $0xF7A, s2;
	p2 =	seq.s32 @!p0 s5, $0x0  }
0x1f: {  	s9 =	smul.u32 $0xF7A, s1;
	s8 =	simm.s32 @!p0 $0x1BF5;
	p2 =	por !p2, p0  }
0x20: {  	[sflag:s8] =	ssyncset.s32 @!p0 $0xFFFFF086;
	s6 =	sadd.s32 @!p0 s3, s7;
	s7 =	simm.s32 @!p0 $0x108  }
0x21: {  	s3 =	sadd.s32 s3, s9;
	s6 =	sadd.s32 @!p0 $0x88, s6;
	s7 =	simm.s32 @p2 $0x1082  }
0x22: {  	[simem:s7], [sflag:s8] =	dma.local @!p0 [hbm:s6], $0xF7A  }
0x23: {  	s9 =	sor.u32 $0xD0000000, s2;
	s6 =	simm.s32 $0x108;
	_ =	swait.ge @!p0 [sflag:s8], $0x0  }
0x24: {  	s3 =	sadd.s32 $0x88, s3;
	s6 =	simm.s32 @!p1 $0x1082;
	[sflag:s4] =	ssyncset.s32 $0xFFFFF086  }
0x25: {  	[simem:s6], [sflag:s4] =	dma.local [hbm:s3], $0xF7A  }
0x26: {  	[smem:$0x3F96] =	sst s1;
	(tag) =	ssettag s2;
	_ =	strace s9  }
0x27: {  	s1 =	sld [smem:$0x3FA6]  }
0x28: {  	s2 =	sld [smem:$0x3FA7]  }
0x29: {  	s4 =	sld [smem:$0x3FA9]  }
0x2a: {  	p0 =	seq.s32 s5, $0x0;
	s5 =	sld [smem:$0x3FAA]  }
0x2b: {  	s6 =	sld [smem:$0x3FAB]  }
0x2c: {  	s7 =	sld [smem:$0x3FAC]  }
0x2d: {  	s3 =	simm.s32 $0x108;
	s8 =	sld [smem:$0x3FAD]  }
0x2e: {  	s3 =	simm.s32 @!p0 $0x1082;
	s9 =	sld [smem:$0x3FAE]  }
0x2f: {  	lr =	sadd.s32 s0, s3;
	s0 =	sld [smem:$0x3FA5]  }
0x30: {  	s3 =	sld [smem:$0x3FA8]  }
0x31: {  	[smem:$0x3FB1] =	sst s10  }
0x32: {  	s10 =	sld [smem:$0x3FAF];
	_ =	sdelay $0x3  }
0x33: {  	p0 =	seq.s32 s10, $0x1;
	s10 =	sld [smem:$0x3FB1];
	_ =	sdelay $0x3  }
0x34: {  	[smem:$0x3FB1] =	sst s10  }
0x35: {  	s10 =	sld [smem:$0x3FB0];
	_ =	sdelay $0x3  }
0x36: {  	p1 =	seq.s32 s10, $0x1;
	s10 =	sld [smem:$0x3FB1];
	_ =	sdelay $0x3  }
0x37: {  	[smem:$0x3FB1] =	sst s10  }
0x38: {  	s10 =	sld [smem:$0x3FB2]  }
0x39: {  	_ = 	snop;
	(pc) =	sbr.ind lr, $3  }
0x3a: {  	_ = 	snop  }
0x3b: {  	_ = 	snop  }
0x3c: {  	p2 =	seq.s32 s10, $0x1;
	s10 =	sld [smem:$0x3FB1]  }
0x3d: {  	_ =	shalt  }
0x3e: {  	_ =	shalt  }
0x3f: {  	_ =	shalt  }
0x40: {  	_ =	shalt  }
0x41: {  	_ =	shalt  }
0x42: {  	_ =	shalt  }
0x43: {  	_ =	shalt  }
0x44: {  	_ =	shalt  }
0x45: {  	_ =	shalt  }
0x46: {  	_ =	shalt  }
0x47: {  	_ =	shalt  }
0x48: {  	_ =	shalt  }
0x49: {  	_ =	shalt  }
0x4a: {  	_ =	shalt  }
0x4b: {  	_ =	shalt  }
0x4c: {  	_ =	shalt  }
0x4d: {  	_ =	shalt  }
0x4e: {  	_ =	shalt  }
0x4f: {  	_ =	shalt  }
0x50: {  	_ =	shalt  }
0x51: {  	_ =	shalt  }
0x52: {  	_ =	shalt  }
0x53: {  	_ =	shalt  }
0x54: {  	_ =	shalt  }
0x55: {  	_ =	shalt  }
0x56: {  	_ =	shalt  }
0x57: {  	_ =	shalt  }
0x58: {  	_ =	shalt  }
0x59: {  	_ =	shalt  }
0x5a: {  	_ =	shalt  }
0x5b: {  	_ =	shalt  }
0x5c: {  	_ =	shalt  }
0x5d: {  	_ =	shalt  }
0x5e: {  	_ =	shalt  }
0x5f: {  	_ =	shalt  }
0x60: {  	_ =	shalt  }
0x61: {  	_ =	shalt  }
0x62: {  	_ =	shalt  }
0x63: {  	_ =	shalt  }
0x64: {  	_ =	shalt  }
0x65: {  	_ =	shalt  }
0x66: {  	_ =	shalt  }
0x67: {  	_ =	shalt  }
0x68: {  	_ =	shalt  }
0x69: {  	_ =	shalt  }
0x6a: {  	_ =	shalt  }
0x6b: {  	_ =	shalt  }
0x6c: {  	_ =	shalt  }
0x6d: {  	_ =	shalt  }
0x6e: {  	_ =	shalt  }
0x6f: {  	_ =	shalt  }
0x70: {  	_ =	shalt  }
0x71: {  	_ =	shalt  }
0x72: {  	_ =	shalt  }
0x73: {  	_ =	shalt  }
0x74: {  	_ =	shalt  }
0x75: {  	_ =	shalt  }
0x76: {  	_ =	shalt  }
0x77: {  	_ =	shalt  }
0x78: {  	_ =	shalt  }
0x79: {  	_ =	shalt  }
0x7a: {  	_ =	shalt  }
0x7b: {  	_ =	shalt  }
0x7c: {  	_ =	shalt  }
0x7d: {  	_ =	shalt  }
0x7e: {  	_ =	shalt  }
0x7f: {  	_ =	shalt  }
0x80: {  	_ =	shalt  }
0x81: {  	_ =	shalt  }
0x82: {  	_ =	shalt  }
0x83: {  	_ =	shalt  }
0x84: {  	_ =	shalt  }
0x85: {  	_ =	shalt  }
0x86: {  	_ =	shalt  }
0x87: {  	_ =	shalt  }
.Lfunc_end0:
.L_simem_size_0:
called_computation.1_lowered:
.L_overlay_start_0:
0x88: {  	s2 =	sld [smem:$0x3FD9]  }
0x89: {  	s3 =	sld [smem:$0x3FFE];
	_ =	sdelay $0x1  }
0x8a: {  	s1 =	srdreg.scid  }
0x8b: {  	s0 =	sand.u32 $0x1, s1  }
0x8c: {  	s17 =	sshll.u32 s0, $0xA;
	s2 =	sadd.s32 s3, s2  }
0x8d: {  	s2 =	sadd.s32 s2, s17  }
0x8e: {  	[smem:$0x3FBD] =	sst s2  }
0x8f: {  	_ = 	snop  }
0x90: {  	s2 =	sld [smem:$0x3FD0];
	(tm) =	ssettm $0x1  }
0x91: {  	s18 =	sld [smem:$0x3FFB];
	_ =	sdelay $0x3  }
0x92: {  	_ =	strace s18  }
0x93: {  	s3 =	sld [smem:$0x3FFC];
	_ =	sdelay $0x3  }
0x94: {  	_ =	strace s3  }
0x95: {  	s3 =	sld [smem:$0x3FFD];
	_ =	sdelay $0x3  }
0x96: {  	_ =	strace s3  }
0x97: {  	_ =	strace $0x8FFFFFFF  }
0x98: {  	s19 =	sld [smem:$0x3FDB];
	_ =	sdelay $0x1  }
0x99: {  	s4 =	simm.s32 $_scs_section_size  }
0x9a: {  	s5 =	simm.s32 $_size__tile_overlayer_lowered;
	s6 =	simm.s32 $_tile_overlayer_lowered  }
0x9b: {  	s22 =	simm.s32 $0x1BFF;
	s21 =	sshll.u32 s6, $0x1;
	s3 =	sadd.s32 s4, s19  }
0x9c: {  	s7 =	simm.s32 $0x0;
	s20 =	sshll.u32 s5, $0x1;
	s5 =	sadd.s32 s21, s3  }
0x9d: {  	[timem:s7], [sflag:s22] =	dma.local [hbm:s5], s20  }
0x9e: {  	_ =	swait.ge [sflag:s22], s20  }
0x9f: {  	s4 =	ssub.s32 $0x0, s20;
	[sflag:s22] =	ssyncset.done $0x0  }
0xa0: {  	[sflag:s22] =	ssyncadd.s32 s4;
	_ =	sdelay $0x1  }
0xa1: {  	s23 =	simm.s32 $0x1B8B  }
0xa2: {  	_ =	swait.ge [sflag:s23], $0x1  }
0xa3: {  	[sflag:s23] =	ssyncset.done $0x0  }
0xa4: {  	s25 =	simm.s32 $0x1B8E;
	s24 =	sld [smem:$0x3FFE];
	[sflag:s23] =	ssyncadd.s32 $0xFFFFFFFF  }
0xa5: {  	s26 =	simm.s32 $execute0_lowered;
	[smem:$0x3FD2] =	sst s25  }
0xa6: {  	s5 =	sshll.u32 s26, $0x1;
	_ =	strace $0x80000049;
	[dreg:$0x1] =	wrdreg $0xFFFFFFFF  }
0xa7: {  	s28 =	simm.s32 $_size_execute0_lowered;
	s3 =	sadd.s32 s3, s5;
	[dreg:$0x0] =	wrdreg $0x0  }
0xa8: {  	s5 =	sshll.u32 s28, $0x1;
	[dreg:$0x2] =	wrdreg s3  }
0xa9: {  	[dreg:$0x3] =	wrdreg s5  }
0xaa: {  	[dreg:$0x4] =	wrdreg $0xC0  }
0xab: {  	_ =	task [dreg:s7], $0x5FFFF  }
0xac: {  	[dreg:$0x1] =	wrdreg $0xFFFFFFFF  }
0xad: {  	[dreg:$0x0] =	wrdreg $0x60  }
0xae: {  	[dreg:$0x2] =	wrdreg s24  }
0xaf: {  	[dreg:$0x3] =	wrdreg s2  }
0xb0: {  	[dreg:$0x4] =	wrdreg $0x0  }
0xb1: {  	[dreg:$0x5] =	wrdreg $0x9  }
0xb2: {  	_ =	task.clear_ibuf [dreg:s7], $0x6FFFF;
	_ =	strace $0x90000049  }
0xb3: {  	s29 =	simm.s32 $0x9;
	_ =	strace $0x8000004B  }
0xb4: {  	_ =	swait.ge [sflag:s29], $0x1  }
0xb5: {  	[sflag:s29] =	ssyncadd.s32 $0xFFFFFFFF  }
0xb6: {  	_ =	strace $0x9000004B  }
0xb7: {  	_ =	sfence  }
0xb8: {  	s30 =	sld [smem:$0x0];
	_ =	sdelay $0x2  }
0xb9: {  	s31 =	sshll.u32 s1, $0xD;
	s1 =	sshrl.u32 s1, $0x2  }
0xba: {  	s3 =	sand.u32 $0x4000, s31;
	s1 =	sadd.s32 s1, s30  }
0xbb: {  	s0 =	sor.u32 s3, s0;
	s1 =	sshll.u32 s1, $0x11  }
0xbc: {  	s0 =	sor.u32 s1, s0  }
0xbd: {  	s0 =	sadd.s32 $0x8F2B, s0  }
0xbe: {  	[sflag:s0] =	ssyncadd.remote.s32 $0x1  }
0xbf: {  	_ =	sfence.sel $0xFFFF  }
0xc0: {  	[dreg:$0x0] =	wrdreg $0xFFFFFFFF;
	(pc) =	sbr.abs _section_cstart, $3  }
0xc1: {  	[dreg:$0x1] =	wrdreg $0xFFFFFFFF  }
0xc2: {  	_ =	task.clear_ibuf [dreg:s7], $0x2FFFF;
	_ =	strace $0x9FFFFFFF  }
0xc3: {  	(tm) =	ssettm $0x7FFFFFFF  }
tec
execute0_lowered:
.L_overlay_start_1:
0x0: {  	(tag) =	ssettag $0x1  }
0x1: {  	s5 =	rddreg [dreg:$0x0]  }
0x2: {  	s6 =	rddreg [dreg:$0x1]  }
0x3: {  	s2 =	rddreg [dreg:$0x2];
	s1 =	srdreg.scid  }
0x4: {  	s0 =	rddreg [dreg:$0x3];
	s3 =	simm.s32 $0x0;
	s14 =	simm.s32 $0x14000  }
0x5: {  	s15 =	simm.s32 $0x3;
	s16 =	simm.s32 $0x15400;
	s17 =	simm.s32 $0x80  }
0x6: {  	s18 =	simm.s32 $0x16800;
	s19 =	simm.s32 $0x1A800;
	s20 =	simm.s32 $0x14080  }
0x7: {  	s21 =	simm.s32 $0x1;
	s22 =	simm.s32 $0x2;
	s23 =	simm.s32 $0x16700  }
0x8: {  	s24 =	simm.s32 $0x16780;
	s7 =	sand.u32 $0x1, s1;
	s1 =	stileid.u32  }
0x9: {  	s28 =	simm.s32 $0x0;
	[smem:$0x7FF] =	sst s3;
	s4 =	smul.u32 $0x140000, s7  }
0xa: {  	s8 =	smul.u32 $0x14000, s1;
	s9 =	sshll.u32 s1, $0x1;
	_ =	strace $0x8000004A  }
0xb: {  	s10 =	smul.u32 $0x50000, s1;
	s25 =	sshll.u32 s1, $0x6;
	s9 =	sor.u32 s7, s9  }
0xc: {  	s7 =	ssub.s32 $0x2, s7;
	s25 =	sor.u32 $0x1C03, s25;
	s8 =	sadd.s32 s8, s4  }
0xd: {  	s9 =	smul.u32 $0x1400, s9;
	s4 =	sadd.s32 $0x4C00, s5;
	s30 =	sshrl.u32 s7, $0x1  }
0xe: {  	s31 =	sshrl.u32 s10, $0x2;
	s8 =	sshrl.u32 s8, $0x3;
	s13 =	ssub.s32 s7, s30  }
0xf: {  	s7 =	sadd.s32 s31, s2;
	s12 =	sadd.s32 s8, s5;
	s29 =	sshrl.u32 s9, $0x3  }
0x10: {  	s8 =	sadd.s32 $0x4000, s7;
	s9 =	sadd.s32 $0x8000, s7;
	s10 =	sadd.s32 $0xC000, s7  }
0x11: {  	s11 =	sadd.s32 $0x10000, s7;
	s13 =	smax.u32 s13, $0x1;
	s5 =	sadd.s32 s6, s29  }
0x12: {  	v0 =	vimm.f32 $0.0e+00;
	s26 =	sshrl.u32 s7, $0x3;
	s12 =	sadd.s32 $0x2CC00, s12;
	s6 =	sadd.s32 $0x5000, s5  }
.LBB2_1:
0x13: {  	[tilespmem:s14], [sflag:$0x3] =	stream.linear.gather [hbm4b:s5+s3], $0x1400, $0x38;
	[tilespmem:$0x1E800] =	vst v63  }
0x14: {  	_ =	swait.ge [sflag:s15], $0x1400  }
0x15: {  	[sflag:s15] =	ssyncset.done $0x0  }
0x16: {  	[sflag:s15] =	ssyncadd.s32 $0xFFFFEC00  }
0x17: {  	[tilespmem:s16], [sflag:$0x3] =	stream.linear.gather [hbm4b:s6+s3], $0x1400, $0x38;
	[tilespmem:$0x1E800] =	vst v63  }
0x18: {  	_ =	swait.ge [sflag:s15], $0x1400  }
0x19: {  	[sflag:s15] =	ssyncset.done $0x0  }
0x1a: {  	s29 =	simm.s32 $0x0;
	s30 =	simm.s32 $0x200;
	[sflag:s15] =	ssyncadd.s32 $0xFFFFEC00  }
0x1b: {  	[tilespmem:s18], [sflag:$0x1] =	stream.indirect.gather [hbm4b:s4+s17], $0x80, s14, s17, $0xb8;
	[tilespmem:$0x1E800] =	vst v63  }
.LBB2_2:
0x1c: {  	p0 =	sne.s32 s30, $0xFE00;
	[tilespmem:s29+$0x1A870] =	vst v0  }
0x1d: {  	[tilespmem:s29+$0x1A800] =	vst v0  }
0x1e: {  	[tilespmem:s29+$0x1A810] =	vst v0  }
.Ltmp0:
0x1f: {  	[tilespmem:s29+$0x1A820] =	vst v0;
	(pc) =	sbr.rel @p0 .LBB2_2-.Ltmp0, $4  }
0x20: {  	[tilespmem:s29+$0x1A830] =	vst v0  }
0x21: {  	[tilespmem:s29+$0x1A840] =	vst v0  }
0x22: {  	[tilespmem:s29+$0x1A850] =	vst v0  }
0x23: {  	[tilespmem:s29+$0x1A860] =	vst v0;
	s29 =	sshra.s32 s30, $0x2;
	s30 =	sadd.s32 $0x200, s30  }
0x24: {  	[tilespmem:s29+$0x1A870] =	vst v0  }
0x25: {  	[tilespmem:s29+$0x1A800] =	vst v0  }
0x26: {  	[tilespmem:s29+$0x1A810] =	vst v0  }
0x27: {  	[tilespmem:s29+$0x1A820] =	vst v0  }
0x28: {  	[tilespmem:s29+$0x1A830] =	vst v0  }
0x29: {  	[tilespmem:s29+$0x1A840] =	vst v0  }
0x2a: {  	[tilespmem:s29+$0x1A850] =	vst v0  }
0x2b: {  	[tilespmem:s29+$0x1A860] =	vst v0  }
0x2c: {  	[spmem:s7] =	stream.linear.scatter [tilespmem:s19], [sflag:$0x3], $0x4000, $0x38;
	[tilespmem:$0x1E800] =	vst v63  }
0x2d: {  	_ =	swait.ge [sflag:s15], $0x4000  }
0x2e: {  	[sflag:s15] =	ssyncset.done $0x0  }
0x2f: {  	[sflag:s15] =	ssyncadd.s32 $0xFFFFC000  }
0x30: {  	[spmem:s8] =	stream.linear.scatter [tilespmem:s19], [sflag:$0x3], $0x4000, $0x38;
	[tilespmem:$0x1E800] =	vst v63  }
0x31: {  	_ =	swait.ge [sflag:s15], $0x4000  }
0x32: {  	[sflag:s15] =	ssyncset.done $0x0  }
0x33: {  	[sflag:s15] =	ssyncadd.s32 $0xFFFFC000  }
0x34: {  	[spmem:s9] =	stream.linear.scatter [tilespmem:s19], [sflag:$0x3], $0x4000, $0x38;
	[tilespmem:$0x1E800] =	vst v63  }
0x35: {  	_ =	swait.ge [sflag:s15], $0x4000  }
0x36: {  	[sflag:s15] =	ssyncset.done $0x0  }
0x37: {  	[sflag:s15] =	ssyncadd.s32 $0xFFFFC000  }
0x38: {  	[spmem:s10] =	stream.linear.scatter [tilespmem:s19], [sflag:$0x3], $0x4000, $0x38;
	[tilespmem:$0x1E800] =	vst v63  }
0x39: {  	_ =	swait.ge [sflag:s15], $0x4000  }
0x3a: {  	[sflag:s15] =	ssyncset.done $0x0  }
0x3b: {  	[sflag:s15] =	ssyncadd.s32 $0xFFFFC000  }
0x3c: {  	[spmem:s11] =	stream.linear.scatter [tilespmem:s19], [sflag:$0x3], $0x4000, $0x38;
	[tilespmem:$0x1E800] =	vst v63  }
0x3d: {  	_ =	swait.ge [sflag:s15], $0x4000  }
0x3e: {  	[sflag:s15] =	ssyncset.done $0x0  }
0x3f: {  	[sflag:s15] =	ssyncadd.s32 $0xFFFFC000  }
0x40: {  	[bflag:$0x0] =	sbarrier.arrive $0xFFFF  }
0x41: {  	[tilespmem:s19], [sflag:$0x2] =	stream.indirect.gather [hbm4b:s4+s17], $0x80, s20, s17, $0xb8;
	[tilespmem:$0x1E800] =	vst v63  }
0x42: {  	_ =	swait.ge [sflag:s21], $0x4000  }
0x43: {  	[sflag:s21] =	ssyncset.done $0x0  }
0x44: {  	s29 =	simm.s32 $0x15400;
	[sflag:s21] =	ssyncadd.s32 $0xFFFFC000  }
0x45: {  	[spmem:s2] =	stream.indirect.scatter.add.f32 [tilespmem:s18], [sflag:$0x3], $0x80, s29, s17, $0xb8;
	[tilespmem:$0x1E800] =	vst v63  }
0x46: {  	_ =	swait.ge [sflag:s15], $0x4000  }
0x47: {  	[sflag:s15] =	ssyncset.done $0x0  }
0x48: {  	s29 =	simm.s32 $0x14100;
	[sflag:s15] =	ssyncadd.s32 $0xFFFFC000  }
0x49: {  	[tilespmem:s18], [sflag:$0x1] =	stream.indirect.gather [hbm4b:s4+s17], $0x80, s29, s17, $0xb8;
	[tilespmem:$0x1E800] =	vst v63  }
0x4a: {  	_ =	swait.ge [sflag:s22], $0x4000  }
0x4b: {  	[sflag:s22] =	ssyncset.done $0x0  }
0x4c: {  	s29 =	simm.s32 $0x15480;
	[sflag:s22] =	ssyncadd.s32 $0xFFFFC000  }
0x4d: {  	[spmem:s2] =	stream.indirect.scatter.add.f32 [tilespmem:s19], [sflag:$0x3], $0x80, s29, s17, $0xb8;
	[tilespmem:$0x1E800] =	vst v63  }
0x4e: {  	_ =	swait.ge [sflag:s15], $0x4000  }
0x4f: {  	[sflag:s15] =	ssyncset.done $0x0  }
0x50: {  	s30 =	simm.s32 $0x14180;
	s29 =	simm.s32 $0x400;
	[sflag:s15] =	ssyncadd.s32 $0xFFFFC000  }
.LBB2_4:
0x51: {  	[tilespmem:s19], [sflag:$0x2] =	stream.indirect.gather [hbm4b:s4+s17], $0x80, s30, s17, $0xb8;
	[tilespmem:$0x1E800] =	vst v63  }
0x52: {  	s30 =	smov.u32 s29  }
0x53: {  	p0 =	sne.s32 s29, $0x4800;
	s29 =	sadd.s32 $0x400, s29;
	_ =	swait.ge [sflag:s21], $0x4000  }
0x54: {  	s30 =	sshra.s32 s30, $0x2;
	[sflag:s21] =	ssyncset.done $0x0  }
0x55: {  	s31 =	sadd.s32 $0x15400, s30;
	[sflag:s21] =	ssyncadd.s32 $0xFFFFC000  }
0x56: {  	[spmem:s2] =	stream.indirect.scatter.add.f32 [tilespmem:s18], [sflag:$0x3], $0x80, s31, s17, $0xb8;
	[tilespmem:$0x1E800] =	vst v63  }
0x57: {  	_ =	swait.ge [sflag:s15], $0x4000  }
0x58: {  	[sflag:s15] =	ssyncset.done $0x0  }
0x59: {  	s31 =	sadd.s32 $0x14100, s30;
	[sflag:s15] =	ssyncadd.s32 $0xFFFFC000  }
0x5a: {  	[tilespmem:s18], [sflag:$0x1] =	stream.indirect.gather [hbm4b:s4+s17], $0x80, s31, s17, $0xb8;
	[tilespmem:$0x1E800] =	vst v63  }
0x5b: {  	_ =	swait.ge [sflag:s22], $0x4000  }
0x5c: {  	[sflag:s22] =	ssyncset.done $0x0  }
.Ltmp1:
0x5d: {  	s31 =	sadd.s32 $0x15480, s30;
	[sflag:s22] =	ssyncadd.s32 $0xFFFFC000;
	(pc) =	sbr.rel @p0 .LBB2_4-.Ltmp1, $4  }
0x5e: {  	[spmem:s2] =	stream.indirect.scatter.add.f32 [tilespmem:s19], [sflag:$0x3], $0x80, s31, s17, $0xb8;
	[tilespmem:$0x1E800] =	vst v63  }
0x5f: {  	_ =	swait.ge [sflag:s15], $0x4000  }
0x60: {  	[sflag:s15] =	ssyncset.done $0x0  }
0x61: {  	s30 =	sadd.s32 $0x14180, s30;
	[sflag:s15] =	ssyncadd.s32 $0xFFFFC000  }
0x62: {  	[tilespmem:s19], [sflag:$0x2] =	stream.indirect.gather [hbm4b:s4+s17], $0x80, s30, s17, $0xb8;
	[tilespmem:$0x1E800] =	vst v63  }
0x63: {  	_ =	swait.ge [sflag:s21], $0x4000  }
0x64: {  	[sflag:s21] =	ssyncset.done $0x0  }
0x65: {  	[sflag:s21] =	ssyncadd.s32 $0xFFFFC000  }
0x66: {  	[spmem:s2] =	stream.indirect.scatter.add.f32 [tilespmem:s18], [sflag:$0x3], $0x80, s23, s17, $0xb8;
	[tilespmem:$0x1E800] =	vst v63  }
0x67: {  	_ =	swait.ge [sflag:s15], $0x4000  }
0x68: {  	[sflag:s15] =	ssyncset.done $0x0  }
0x69: {  	[sflag:s15] =	ssyncadd.s32 $0xFFFFC000  }
0x6a: {  	_ =	swait.ge [sflag:s22], $0x4000  }
0x6b: {  	[sflag:s22] =	ssyncset.done $0x0  }
0x6c: {  	[sflag:s22] =	ssyncadd.s32 $0xFFFFC000  }
0x6d: {  	[spmem:s2] =	stream.indirect.scatter.add.f32 [tilespmem:s19], [sflag:$0x3], $0x80, s24, s17, $0xb8;
	[tilespmem:$0x1E800] =	vst v63  }
0x6e: {  	_ =	swait.ge [sflag:s15], $0x4000  }
0x6f: {  	s28 =	sadd.s32 $0x1, s28;
	[sflag:s15] =	ssyncset.done $0x0  }
0x70: {  	p0 =	sne.s32 s28, s13;
	[sflag:s15] =	ssyncadd.s32 $0xFFFFC000  }
.Ltmp2:
0x71: {  	[bflag:$0x0] =	sbarrier.arrive $0xFFFF;
	(pc) =	sbr.rel @p0 .LBB2_1-.Ltmp2, $4  }
0x72: {  	[hbm:s12], [sflag:s25] =	dma.local [spmem:s26], $0x2800  }
0x73: {  	_ =	swait.ge [sflag:s15], $0x2800  }
0x74: {  	[sflag:s15] =	ssyncset.done $0x0  }
0x75: {  	[sflag:s15] =	ssyncadd.s32 $0xFFFFD800  }
0x76: {  	_ =	sfence.sel $0x180000  }
0x77: {  	[bflag:$0x0] =	sbarrier.arrive $0xFFFF  }
0x78: {  	p0 =	sne.s32 s1, $0x0;
	_ =	strace $0x9000004A  }
0x79: {  	s0 =	sadd.s32 @!p0 $0x100000, s0;
	[bflag:$0x2] =	sbarrier.arrive $0xFFFF  }
0x7a: {  	[sflag:s0] =	ssyncadd.tile.s32 @!p0 $0x1;
	_ =	shalt  }
.Lfunc_end2:
_tile_overlayer_lowered:
.L_overlay_start_2:
0x7b: {  	(tag) =	ssettag $0x2  }
0x7c: {  	s0 =	rddreg [dreg:$0x0];
	s2 =	stileid.u32  }
0x7d: {  	s1 =	rddreg [dreg:$0x1];
	p0 =	sne.s32 s2, $0x0  }
0x7e: {  	s3 =	rddreg [dreg:$0x2];
	[bflag:$0x3] =	sbarrier.arrive $0xFFFF;
	s2 =	simm.s32 @!p0 $0x1C03  }
0x7f: {  	[timem:s3], [sflag:s2] =	dma.local @!p0 [hbm:s0], s1  }
0x80: {  	s0 =	simm.s32 @!p0 $0x3  }
0x81: {  	_ =	swait.ge @!p0 [sflag:s0], s1  }
0x82: {  	s1 =	ssub.s32 @!p0 $0x0, s1;
	[sflag:s0] =	ssyncset.done @!p0 $0x0  }
0x83: {  	[sflag:s0] =	ssyncadd.s32 @!p0 s1  }
0x84: {  	[bflag:$0x3] =	sbarrier.arrive $0xFFFF  }
0x85: {  	_ =	shalt  }

// kernel: kernel.18.cloned.1.call-start
scs
__scs_entry_jumppad:
0x0: {  	(pc) =	sbr.rel $0x88, $3  }
0x1: {  	(tag) =	ssettag $0x0;
	lr =	simm.s32 $0x1  }
0x2: {  	[smem:$0x3F96] =	sst lr;
	_ =	strace $0xD0000000  }
0x3: {  	_ = 	snop  }
0x4: {  	_ = 	snop  }
0x5: {  	_ = 	snop  }
0x6: {  	_ = 	snop  }
0x7: {  	_ = 	snop  }
__scs_overlays_trampoline_lowered:
0x8: {  	[smem:$0x3FA5] =	sst s0  }
0x9: {  	[smem:$0x3FA6] =	sst s1  }
0xa: {  	[smem:$0x3FA7] =	sst s2  }
0xb: {  	[smem:$0x3FA8] =	sst s3  }
0xc: {  	[smem:$0x3FA9] =	sst s4  }
0xd: {  	[smem:$0x3FAA] =	sst s5  }
0xe: {  	[smem:$0x3FAB] =	sst s6  }
0xf: {  	[smem:$0x3FAC] =	sst s7  }
0x10: {  	[smem:$0x3FAD] =	sst s8  }
0x11: {  	[smem:$0x3FAE] =	sst s9;
	s0 =	simm.s32 @!p0 $0x0  }
0x12: {  	s1 =	sld [smem:$0x3F94];
	s0 =	simm.s32 @p0 $0x1  }
0x13: {  	[smem:$0x3FAF] =	sst s0;
	s0 =	simm.s32 @!p1 $0x0  }
0x14: {  	s2 =	sld [smem:$0x3F93];
	s0 =	simm.s32 @p1 $0x1  }
0x15: {  	[smem:$0x3FB0] =	sst s0;
	s0 =	simm.s32 @!p2 $0x0  }
0x16: {  	s3 =	sld [smem:$0x3FDB];
	s0 =	simm.s32 @p2 $0x1  }
0x17: {  	s4 =	simm.s32 $0x1BF5;
	[smem:$0x3FB2] =	sst s0  }
0x18: {  	s0 =	sld [smem:$0x3F95];
	_ =	swait.ge [sflag:s4], $0x0  }
0x19: {  	s7 =	sld [smem:$0x3F96]  }
0x1a: {  	s8 =	sadd.s32 $0xFFFFE003, lr  }
0x1b: {  	s9 =	sadd.s32 $0xFFFFFEF7, lr;
	s5 =	simm.s32 $0xFFFFFFFF;
	p2 =	slt.u32 s8, $0xFFFFF086  }
0x1c: {  	p1 =	slt.u32 s9, $0xF7A;
	s5 =	simm.s32 @!p2 $0x0  }
0x1d: {  	s5 =	simm.s32 @p1 $0x1;
	p0 =	seq.s32 s7, s2  }
0x1e: {  	s7 =	smul.u32 @!p0 $0xF7A, s2;
	p2 =	seq.s32 @!p0 s5, $0x0  }
0x1f: {  	s9 =	smul.u32 $0xF7A, s1;
	s8 =	simm.s32 @!p0 $0x1BF5;
	p2 =	por !p2, p0  }
0x20: {  	[sflag:s8] =	ssyncset.s32 @!p0 $0xFFFFF086;
	s6 =	sadd.s32 @!p0 s3, s7;
	s7 =	simm.s32 @!p0 $0x108  }
0x21: {  	s3 =	sadd.s32 s3, s9;
	s6 =	sadd.s32 @!p0 $0x88, s6;
	s7 =	simm.s32 @p2 $0x1082  }
0x22: {  	[simem:s7], [sflag:s8] =	dma.local @!p0 [hbm:s6], $0xF7A  }
0x23: {  	s9 =	sor.u32 $0xD0000000, s2;
	s6 =	simm.s32 $0x108;
	_ =	swait.ge @!p0 [sflag:s8], $0x0  }
0x24: {  	s3 =	sadd.s32 $0x88, s3;
	s6 =	simm.s32 @!p1 $0x1082;
	[sflag:s4] =	ssyncset.s32 $0xFFFFF086  }
0x25: {  	[simem:s6], [sflag:s4] =	dma.local [hbm:s3], $0xF7A  }
0x26: {  	[smem:$0x3F96] =	sst s1;
	(tag) =	ssettag s2;
	_ =	strace s9  }
0x27: {  	s1 =	sld [smem:$0x3FA6]  }
0x28: {  	s2 =	sld [smem:$0x3FA7]  }
0x29: {  	s4 =	sld [smem:$0x3FA9]  }
0x2a: {  	p0 =	seq.s32 s5, $0x0;
	s5 =	sld [smem:$0x3FAA]  }
0x2b: {  	s6 =	sld [smem:$0x3FAB]  }
0x2c: {  	s7 =	sld [smem:$0x3FAC]  }
0x2d: {  	s3 =	simm.s32 $0x108;
	s8 =	sld [smem:$0x3FAD]  }
0x2e: {  	s3 =	simm.s32 @!p0 $0x1082;
	s9 =	sld [smem:$0x3FAE]  }
0x2f: {  	lr =	sadd.s32 s0, s3;
	s0 =	sld [smem:$0x3FA5]  }
0x30: {  	s3 =	sld [smem:$0x3FA8]  }
0x31: {  	[smem:$0x3FB1] =	sst s10  }
0x32: {  	s10 =	sld [smem:$0x3FAF];
	_ =	sdelay $0x3  }
0x33: {  	p0 =	seq.s32 s10, $0x1;
	s10 =	sld [smem:$0x3FB1];
	_ =	sdelay $0x3  }
0x34: {  	[smem:$0x3FB1] =	sst s10  }
0x35: {  	s10 =	sld [smem:$0x3FB0];
	_ =	sdelay $0x3  }
0x36: {  	p1 =	seq.s32 s10, $0x1;
	s10 =	sld [smem:$0x3FB1];
	_ =	sdelay $0x3  }
0x37: {  	[smem:$0x3FB1] =	sst s10  }
0x38: {  	s10 =	sld [smem:$0x3FB2]  }
0x39: {  	_ = 	snop;
	(pc) =	sbr.ind lr, $3  }
0x3a: {  	_ = 	snop  }
0x3b: {  	_ = 	snop  }
0x3c: {  	p2 =	seq.s32 s10, $0x1;
	s10 =	sld [smem:$0x3FB1]  }
0x3d: {  	_ =	shalt  }
0x3e: {  	_ =	shalt  }
0x3f: {  	_ =	shalt  }
0x40: {  	_ =	shalt  }
0x41: {  	_ =	shalt  }
0x42: {  	_ =	shalt  }
0x43: {  	_ =	shalt  }
0x44: {  	_ =	shalt  }
0x45: {  	_ =	shalt  }
0x46: {  	_ =	shalt  }
0x47: {  	_ =	shalt  }
0x48: {  	_ =	shalt  }
0x49: {  	_ =	shalt  }
0x4a: {  	_ =	shalt  }
0x4b: {  	_ =	shalt  }
0x4c: {  	_ =	shalt  }
0x4d: {  	_ =	shalt  }
0x4e: {  	_ =	shalt  }
0x4f: {  	_ =	shalt  }
0x50: {  	_ =	shalt  }
0x51: {  	_ =	shalt  }
0x52: {  	_ =	shalt  }
0x53: {  	_ =	shalt  }
0x54: {  	_ =	shalt  }
0x55: {  	_ =	shalt  }
0x56: {  	_ =	shalt  }
0x57: {  	_ =	shalt  }
0x58: {  	_ =	shalt  }
0x59: {  	_ =	shalt  }
0x5a: {  	_ =	shalt  }
0x5b: {  	_ =	shalt  }
0x5c: {  	_ =	shalt  }
0x5d: {  	_ =	shalt  }
0x5e: {  	_ =	shalt  }
0x5f: {  	_ =	shalt  }
0x60: {  	_ =	shalt  }
0x61: {  	_ =	shalt  }
0x62: {  	_ =	shalt  }
0x63: {  	_ =	shalt  }
0x64: {  	_ =	shalt  }
0x65: {  	_ =	shalt  }
0x66: {  	_ =	shalt  }
0x67: {  	_ =	shalt  }
0x68: {  	_ =	shalt  }
0x69: {  	_ =	shalt  }
0x6a: {  	_ =	shalt  }
0x6b: {  	_ =	shalt  }
0x6c: {  	_ =	shalt  }
0x6d: {  	_ =	shalt  }
0x6e: {  	_ =	shalt  }
0x6f: {  	_ =	shalt  }
0x70: {  	_ =	shalt  }
0x71: {  	_ =	shalt  }
0x72: {  	_ =	shalt  }
0x73: {  	_ =	shalt  }
0x74: {  	_ =	shalt  }
0x75: {  	_ =	shalt  }
0x76: {  	_ =	shalt  }
0x77: {  	_ =	shalt  }
0x78: {  	_ =	shalt  }
0x79: {  	_ =	shalt  }
0x7a: {  	_ =	shalt  }
0x7b: {  	_ =	shalt  }
0x7c: {  	_ =	shalt  }
0x7d: {  	_ =	shalt  }
0x7e: {  	_ =	shalt  }
0x7f: {  	_ =	shalt  }
0x80: {  	_ =	shalt  }
0x81: {  	_ =	shalt  }
0x82: {  	_ =	shalt  }
0x83: {  	_ =	shalt  }
0x84: {  	_ =	shalt  }
0x85: {  	_ =	shalt  }
0x86: {  	_ =	shalt  }
0x87: {  	_ =	shalt  }
.Lfunc_end0:
.L_simem_size_0:
called_computation.2_lowered:
.L_overlay_start_0:
0x88: {  	s2 =	sld [smem:$0x3FD9]  }
0x89: {  	s3 =	sld [smem:$0x3FFE];
	_ =	sdelay $0x1  }
0x8a: {  	s1 =	srdreg.scid  }
0x8b: {  	s0 =	sand.u32 $0x1, s1  }
0x8c: {  	s17 =	sshll.u32 s0, $0xA;
	s2 =	sadd.s32 s3, s2  }
0x8d: {  	s2 =	sadd.s32 s2, s17  }
0x8e: {  	[smem:$0x3FBD] =	sst s2  }
0x8f: {  	_ = 	snop  }
0x90: {  	s2 =	sld [smem:$0x3FD0];
	(tm) =	ssettm $0x1  }
0x91: {  	s18 =	sld [smem:$0x3FFB];
	_ =	sdelay $0x3  }
0x92: {  	_ =	strace s18  }
0x93: {  	s3 =	sld [smem:$0x3FFC];
	_ =	sdelay $0x3  }
0x94: {  	_ =	strace s3  }
0x95: {  	s3 =	sld [smem:$0x3FFD];
	_ =	sdelay $0x3  }
0x96: {  	_ =	strace s3  }
0x97: {  	_ =	strace $0x8FFFFFFF  }
0x98: {  	s19 =	sld [smem:$0x3FDB];
	_ =	sdelay $0x1  }
0x99: {  	s4 =	simm.s32 $_scs_section_size  }
0x9a: {  	s5 =	simm.s32 $_size__tile_overlayer_lowered;
	s6 =	simm.s32 $_tile_overlayer_lowered  }
0x9b: {  	s22 =	simm.s32 $0x1BFF;
	s21 =	sshll.u32 s6, $0x1;
	s3 =	sadd.s32 s4, s19  }
0x9c: {  	s7 =	simm.s32 $0x0;
	s20 =	sshll.u32 s5, $0x1;
	s5 =	sadd.s32 s21, s3  }
0x9d: {  	[timem:s7], [sflag:s22] =	dma.local [hbm:s5], s20  }
0x9e: {  	_ =	swait.ge [sflag:s22], s20  }
0x9f: {  	s4 =	ssub.s32 $0x0, s20;
	[sflag:s22] =	ssyncset.done $0x0  }
0xa0: {  	[sflag:s22] =	ssyncadd.s32 s4;
	_ =	sdelay $0x1  }
0xa1: {  	s23 =	simm.s32 $0x1B8B  }
0xa2: {  	_ =	swait.ge [sflag:s23], $0x1  }
0xa3: {  	[sflag:s23] =	ssyncset.done $0x0  }
0xa4: {  	s25 =	simm.s32 $0x1B8E;
	s24 =	sld [smem:$0x3FFE];
	[sflag:s23] =	ssyncadd.s32 $0xFFFFFFFF  }
0xa5: {  	s26 =	simm.s32 $execute0_lowered;
	[smem:$0x3FD2] =	sst s25  }
0xa6: {  	s5 =	sshll.u32 s26, $0x1;
	_ =	strace $0x8000004C;
	[dreg:$0x1] =	wrdreg $0xFFFFFFFF  }
0xa7: {  	s28 =	simm.s32 $_size_execute0_lowered;
	s3 =	sadd.s32 s3, s5;
	[dreg:$0x0] =	wrdreg $0x0  }
0xa8: {  	s5 =	sshll.u32 s28, $0x1;
	[dreg:$0x2] =	wrdreg s3  }
0xa9: {  	[dreg:$0x3] =	wrdreg s5  }
0xaa: {  	[dreg:$0x4] =	wrdreg $0xC0  }
0xab: {  	_ =	task [dreg:s7], $0x5FFFF  }
0xac: {  	[dreg:$0x1] =	wrdreg $0xFFFFFFFF  }
0xad: {  	[dreg:$0x0] =	wrdreg $0x60  }
0xae: {  	[dreg:$0x2] =	wrdreg s24  }
0xaf: {  	[dreg:$0x3] =	wrdreg s2  }
0xb0: {  	[dreg:$0x4] =	wrdreg $0x0  }
0xb1: {  	[dreg:$0x5] =	wrdreg $0x9  }
0xb2: {  	_ =	task.clear_ibuf [dreg:s7], $0x6FFFF;
	_ =	strace $0x9000004C  }
0xb3: {  	s29 =	simm.s32 $0x9;
	_ =	strace $0x8000004E  }
0xb4: {  	_ =	swait.ge [sflag:s29], $0x1  }
0xb5: {  	[sflag:s29] =	ssyncadd.s32 $0xFFFFFFFF  }
0xb6: {  	_ =	strace $0x9000004E  }
0xb7: {  	_ =	sfence  }
0xb8: {  	s30 =	sld [smem:$0x0];
	_ =	sdelay $0x2  }
0xb9: {  	s31 =	sshll.u32 s1, $0xD;
	s1 =	sshrl.u32 s1, $0x2  }
0xba: {  	s3 =	sand.u32 $0x4000, s31;
	s1 =	sadd.s32 s1, s30  }
0xbb: {  	s0 =	sor.u32 s3, s0;
	s1 =	sshll.u32 s1, $0x11  }
0xbc: {  	s0 =	sor.u32 s1, s0  }
0xbd: {  	s0 =	sadd.s32 $0x8F2B, s0  }
0xbe: {  	[sflag:s0] =	ssyncadd.remote.s32 $0x1  }
0xbf: {  	_ =	sfence.sel $0xFFFF  }
0xc0: {  	[dreg:$0x0] =	wrdreg $0xFFFFFFFF;
	(pc) =	sbr.abs _section_cstart, $3  }
0xc1: {  	[dreg:$0x1] =	wrdreg $0xFFFFFFFF  }
0xc2: {  	_ =	task.clear_ibuf [dreg:s7], $0x2FFFF;
	_ =	strace $0x9FFFFFFF  }
0xc3: {  	(tm) =	ssettm $0x7FFFFFFF  }
tec
execute0_lowered:
.L_overlay_start_1:
0x0: {  	(tag) =	ssettag $0x1  }
0x1: {  	s5 =	rddreg [dreg:$0x0]  }
0x2: {  	s6 =	rddreg [dreg:$0x1]  }
0x3: {  	s2 =	rddreg [dreg:$0x2];
	s1 =	srdreg.scid  }
0x4: {  	s0 =	rddreg [dreg:$0x3];
	s3 =	simm.s32 $0x0;
	s14 =	simm.s32 $0x14000  }
0x5: {  	s15 =	simm.s32 $0x3;
	s16 =	simm.s32 $0x15400;
	s17 =	simm.s32 $0x80  }
0x6: {  	s18 =	simm.s32 $0x16800;
	s19 =	simm.s32 $0x1A800;
	s20 =	simm.s32 $0x14080  }
0x7: {  	s21 =	simm.s32 $0x1;
	s22 =	simm.s32 $0x2;
	s23 =	simm.s32 $0x16700  }
0x8: {  	s24 =	simm.s32 $0x16780;
	s7 =	sand.u32 $0x1, s1;
	s1 =	stileid.u32  }
0x9: {  	s28 =	simm.s32 $0x0;
	[smem:$0x7FF] =	sst s3;
	s4 =	smul.u32 $0x140000, s7  }
0xa: {  	s8 =	smul.u32 $0x14000, s1;
	s9 =	sshll.u32 s1, $0x1;
	_ =	strace $0x8000004D  }
0xb: {  	s10 =	smul.u32 $0x50000, s1;
	s25 =	sshll.u32 s1, $0x6;
	s9 =	sor.u32 s7, s9  }
0xc: {  	s7 =	ssub.s32 $0x2, s7;
	s25 =	sor.u32 $0x1C03, s25;
	s8 =	sadd.s32 s8, s4  }
0xd: {  	s9 =	smul.u32 $0x1400, s9;
	s4 =	sadd.s32 $0x4C00, s5;
	s30 =	sshrl.u32 s7, $0x1  }
0xe: {  	s31 =	sshrl.u32 s10, $0x2;
	s8 =	sshrl.u32 s8, $0x3;
	s13 =	ssub.s32 s7, s30  }
0xf: {  	s7 =	sadd.s32 s31, s2;
	s12 =	sadd.s32 s8, s5;
	s29 =	sshrl.u32 s9, $0x3  }
0x10: {  	s8 =	sadd.s32 $0x4000, s7;
	s9 =	sadd.s32 $0x8000, s7;
	s10 =	sadd.s32 $0xC000, s7  }
0x11: {  	s11 =	sadd.s32 $0x10000, s7;
	s13 =	smax.u32 s13, $0x1;
	s5 =	sadd.s32 s6, s29  }
0x12: {  	v0 =	vimm.f32 $0.0e+00;
	s26 =	sshrl.u32 s7, $0x3;
	s12 =	sadd.s32 $0x2CC00, s12;
	s6 =	sadd.s32 $0x5000, s5  }
.LBB2_1:
0x13: {  	[tilespmem:s14], [sflag:$0x3] =	stream.linear.gather [hbm4b:s5+s3], $0x1400, $0x38;
	[tilespmem:$0x1E800] =	vst v63  }
0x14: {  	_ =	swait.ge [sflag:s15], $0x1400  }
0x15: {  	[sflag:s15] =	ssyncset.done $0x0  }
0x16: {  	[sflag:s15] =	ssyncadd.s32 $0xFFFFEC00  }
0x17: {  	[tilespmem:s16], [sflag:$0x3] =	stream.linear.gather [hbm4b:s6+s3], $0x1400, $0x38;
	[tilespmem:$0x1E800] =	vst v63  }
0x18: {  	_ =	swait.ge [sflag:s15], $0x1400  }
0x19: {  	[sflag:s15] =	ssyncset.done $0x0  }
0x1a: {  	s29 =	simm.s32 $0x0;
	s30 =	simm.s32 $0x200;
	[sflag:s15] =	ssyncadd.s32 $0xFFFFEC00  }
0x1b: {  	[tilespmem:s18], [sflag:$0x1] =	stream.indirect.gather [hbm4b:s4+s17], $0x80, s14, s17, $0xb8;
	[tilespmem:$0x1E800] =	vst v63  }
.LBB2_2:
0x1c: {  	p0 =	sne.s32 s30, $0xFE00;
	[tilespmem:s29+$0x1A870] =	vst v0  }
0x1d: {  	[tilespmem:s29+$0x1A800] =	vst v0  }
0x1e: {  	[tilespmem:s29+$0x1A810] =	vst v0  }
.Ltmp0:
0x1f: {  	[tilespmem:s29+$0x1A820] =	vst v0;
	(pc) =	sbr.rel @p0 .LBB2_2-.Ltmp0, $4  }
0x20: {  	[tilespmem:s29+$0x1A830] =	vst v0  }
0x21: {  	[tilespmem:s29+$0x1A840] =	vst v0  }
0x22: {  	[tilespmem:s29+$0x1A850] =	vst v0  }
0x23: {  	[tilespmem:s29+$0x1A860] =	vst v0;
	s29 =	sshra.s32 s30, $0x2;
	s30 =	sadd.s32 $0x200, s30  }
0x24: {  	[tilespmem:s29+$0x1A870] =	vst v0  }
0x25: {  	[tilespmem:s29+$0x1A800] =	vst v0  }
0x26: {  	[tilespmem:s29+$0x1A810] =	vst v0  }
0x27: {  	[tilespmem:s29+$0x1A820] =	vst v0  }
0x28: {  	[tilespmem:s29+$0x1A830] =	vst v0  }
0x29: {  	[tilespmem:s29+$0x1A840] =	vst v0  }
0x2a: {  	[tilespmem:s29+$0x1A850] =	vst v0  }
0x2b: {  	[tilespmem:s29+$0x1A860] =	vst v0  }
0x2c: {  	[spmem:s7] =	stream.linear.scatter [tilespmem:s19], [sflag:$0x3], $0x4000, $0x38;
	[tilespmem:$0x1E800] =	vst v63  }
0x2d: {  	_ =	swait.ge [sflag:s15], $0x4000  }
0x2e: {  	[sflag:s15] =	ssyncset.done $0x0  }
0x2f: {  	[sflag:s15] =	ssyncadd.s32 $0xFFFFC000  }
0x30: {  	[spmem:s8] =	stream.linear.scatter [tilespmem:s19], [sflag:$0x3], $0x4000, $0x38;
	[tilespmem:$0x1E800] =	vst v63  }
0x31: {  	_ =	swait.ge [sflag:s15], $0x4000  }
0x32: {  	[sflag:s15] =	ssyncset.done $0x0  }
0x33: {  	[sflag:s15] =	ssyncadd.s32 $0xFFFFC000  }
0x34: {  	[spmem:s9] =	stream.linear.scatter [tilespmem:s19], [sflag:$0x3], $0x4000, $0x38;
	[tilespmem:$0x1E800] =	vst v63  }
0x35: {  	_ =	swait.ge [sflag:s15], $0x4000  }
0x36: {  	[sflag:s15] =	ssyncset.done $0x0  }
0x37: {  	[sflag:s15] =	ssyncadd.s32 $0xFFFFC000  }
0x38: {  	[spmem:s10] =	stream.linear.scatter [tilespmem:s19], [sflag:$0x3], $0x4000, $0x38;
	[tilespmem:$0x1E800] =	vst v63  }
0x39: {  	_ =	swait.ge [sflag:s15], $0x4000  }
0x3a: {  	[sflag:s15] =	ssyncset.done $0x0  }
0x3b: {  	[sflag:s15] =	ssyncadd.s32 $0xFFFFC000  }
0x3c: {  	[spmem:s11] =	stream.linear.scatter [tilespmem:s19], [sflag:$0x3], $0x4000, $0x38;
	[tilespmem:$0x1E800] =	vst v63  }
0x3d: {  	_ =	swait.ge [sflag:s15], $0x4000  }
0x3e: {  	[sflag:s15] =	ssyncset.done $0x0  }
0x3f: {  	[sflag:s15] =	ssyncadd.s32 $0xFFFFC000  }
0x40: {  	[bflag:$0x0] =	sbarrier.arrive $0xFFFF  }
0x41: {  	[tilespmem:s19], [sflag:$0x2] =	stream.indirect.gather [hbm4b:s4+s17], $0x80, s20, s17, $0xb8;
	[tilespmem:$0x1E800] =	vst v63  }
0x42: {  	_ =	swait.ge [sflag:s21], $0x4000  }
0x43: {  	[sflag:s21] =	ssyncset.done $0x0  }
0x44: {  	s29 =	simm.s32 $0x15400;
	[sflag:s21] =	ssyncadd.s32 $0xFFFFC000  }
0x45: {  	[spmem:s2] =	stream.indirect.scatter.add.f32 [tilespmem:s18], [sflag:$0x3], $0x80, s29, s17, $0xb8;
	[tilespmem:$0x1E800] =	vst v63  }
0x46: {  	_ =	swait.ge [sflag:s15], $0x4000  }
0x47: {  	[sflag:s15] =	ssyncset.done $0x0  }
0x48: {  	s29 =	simm.s32 $0x14100;
	[sflag:s15] =	ssyncadd.s32 $0xFFFFC000  }
0x49: {  	[tilespmem:s18], [sflag:$0x1] =	stream.indirect.gather [hbm4b:s4+s17], $0x80, s29, s17, $0xb8;
	[tilespmem:$0x1E800] =	vst v63  }
0x4a: {  	_ =	swait.ge [sflag:s22], $0x4000  }
0x4b: {  	[sflag:s22] =	ssyncset.done $0x0  }
0x4c: {  	s29 =	simm.s32 $0x15480;
	[sflag:s22] =	ssyncadd.s32 $0xFFFFC000  }
0x4d: {  	[spmem:s2] =	stream.indirect.scatter.add.f32 [tilespmem:s19], [sflag:$0x3], $0x80, s29, s17, $0xb8;
	[tilespmem:$0x1E800] =	vst v63  }
0x4e: {  	_ =	swait.ge [sflag:s15], $0x4000  }
0x4f: {  	[sflag:s15] =	ssyncset.done $0x0  }
0x50: {  	s30 =	simm.s32 $0x14180;
	s29 =	simm.s32 $0x400;
	[sflag:s15] =	ssyncadd.s32 $0xFFFFC000  }
.LBB2_4:
0x51: {  	[tilespmem:s19], [sflag:$0x2] =	stream.indirect.gather [hbm4b:s4+s17], $0x80, s30, s17, $0xb8;
	[tilespmem:$0x1E800] =	vst v63  }
0x52: {  	s30 =	smov.u32 s29  }
0x53: {  	p0 =	sne.s32 s29, $0x4800;
	s29 =	sadd.s32 $0x400, s29;
	_ =	swait.ge [sflag:s21], $0x4000  }
0x54: {  	s30 =	sshra.s32 s30, $0x2;
	[sflag:s21] =	ssyncset.done $0x0  }
0x55: {  	s31 =	sadd.s32 $0x15400, s30;
	[sflag:s21] =	ssyncadd.s32 $0xFFFFC000  }
0x56: {  	[spmem:s2] =	stream.indirect.scatter.add.f32 [tilespmem:s18], [sflag:$0x3], $0x80, s31, s17, $0xb8;
	[tilespmem:$0x1E800] =	vst v63  }
0x57: {  	_ =	swait.ge [sflag:s15], $0x4000  }
0x58: {  	[sflag:s15] =	ssyncset.done $0x0  }
0x59: {  	s31 =	sadd.s32 $0x14100, s30;
	[sflag:s15] =	ssyncadd.s32 $0xFFFFC000  }
0x5a: {  	[tilespmem:s18], [sflag:$0x1] =	stream.indirect.gather [hbm4b:s4+s17], $0x80, s31, s17, $0xb8;
	[tilespmem:$0x1E800] =	vst v63  }
0x5b: {  	_ =	swait.ge [sflag:s22], $0x4000  }
0x5c: {  	[sflag:s22] =	ssyncset.done $0x0  }
.Ltmp1:
0x5d: {  	s31 =	sadd.s32 $0x15480, s30;
	[sflag:s22] =	ssyncadd.s32 $0xFFFFC000;
	(pc) =	sbr.rel @p0 .LBB2_4-.Ltmp1, $4  }
0x5e: {  	[spmem:s2] =	stream.indirect.scatter.add.f32 [tilespmem:s19], [sflag:$0x3], $0x80, s31, s17, $0xb8;
	[tilespmem:$0x1E800] =	vst v63  }
0x5f: {  	_ =	swait.ge [sflag:s15], $0x4000  }
0x60: {  	[sflag:s15] =	ssyncset.done $0x0  }
0x61: {  	s30 =	sadd.s32 $0x14180, s30;
	[sflag:s15] =	ssyncadd.s32 $0xFFFFC000  }
0x62: {  	[tilespmem:s19], [sflag:$0x2] =	stream.indirect.gather [hbm4b:s4+s17], $0x80, s30, s17, $0xb8;
	[tilespmem:$0x1E800] =	vst v63  }
0x63: {  	_ =	swait.ge [sflag:s21], $0x4000  }
0x64: {  	[sflag:s21] =	ssyncset.done $0x0  }
0x65: {  	[sflag:s21] =	ssyncadd.s32 $0xFFFFC000  }
0x66: {  	[spmem:s2] =	stream.indirect.scatter.add.f32 [tilespmem:s18], [sflag:$0x3], $0x80, s23, s17, $0xb8;
	[tilespmem:$0x1E800] =	vst v63  }
0x67: {  	_ =	swait.ge [sflag:s15], $0x4000  }
0x68: {  	[sflag:s15] =	ssyncset.done $0x0  }
0x69: {  	[sflag:s15] =	ssyncadd.s32 $0xFFFFC000  }
0x6a: {  	_ =	swait.ge [sflag:s22], $0x4000  }
0x6b: {  	[sflag:s22] =	ssyncset.done $0x0  }
0x6c: {  	[sflag:s22] =	ssyncadd.s32 $0xFFFFC000  }
0x6d: {  	[spmem:s2] =	stream.indirect.scatter.add.f32 [tilespmem:s19], [sflag:$0x3], $0x80, s24, s17, $0xb8;
	[tilespmem:$0x1E800] =	vst v63  }
0x6e: {  	_ =	swait.ge [sflag:s15], $0x4000  }
0x6f: {  	s28 =	sadd.s32 $0x1, s28;
	[sflag:s15] =	ssyncset.done $0x0  }
0x70: {  	p0 =	sne.s32 s28, s13;
	[sflag:s15] =	ssyncadd.s32 $0xFFFFC000  }
.Ltmp2:
0x71: {  	[bflag:$0x0] =	sbarrier.arrive $0xFFFF;
	(pc) =	sbr.rel @p0 .LBB2_1-.Ltmp2, $4  }
0x72: {  	[hbm:s12], [sflag:s25] =	dma.local [spmem:s26], $0x2800  }
0x73: {  	_ =	swait.ge [sflag:s15], $0x2800  }
0x74: {  	[sflag:s15] =	ssyncset.done $0x0  }
0x75: {  	[sflag:s15] =	ssyncadd.s32 $0xFFFFD800  }
0x76: {  	_ =	sfence.sel $0x180000  }
0x77: {  	[bflag:$0x0] =	sbarrier.arrive $0xFFFF  }
0x78: {  	p0 =	sne.s32 s1, $0x0;
	_ =	strace $0x9000004D  }
0x79: {  	s0 =	sadd.s32 @!p0 $0x100000, s0;
	[bflag:$0x2] =	sbarrier.arrive $0xFFFF  }
0x7a: {  	[sflag:s0] =	ssyncadd.tile.s32 @!p0 $0x1;
	_ =	shalt  }
.Lfunc_end2:
_tile_overlayer_lowered:
.L_overlay_start_2:
0x7b: {  	(tag) =	ssettag $0x2  }
0x7c: {  	s0 =	rddreg [dreg:$0x0];
	s2 =	stileid.u32  }
0x7d: {  	s1 =	rddreg [dreg:$0x1];
	p0 =	sne.s32 s2, $0x0  }
0x7e: {  	s3 =	rddreg [dreg:$0x2];
	[bflag:$0x3] =	sbarrier.arrive $0xFFFF;
	s2 =	simm.s32 @!p0 $0x1C03  }
0x7f: {  	[timem:s3], [sflag:s2] =	dma.local @!p0 [hbm:s0], s1  }
0x80: {  	s0 =	simm.s32 @!p0 $0x3  }
0x81: {  	_ =	swait.ge @!p0 [sflag:s0], s1  }
0x82: {  	s1 =	ssub.s32 @!p0 $0x0, s1;
	[sflag:s0] =	ssyncset.done @!p0 $0x0  }
0x83: {  	[sflag:s0] =	ssyncadd.s32 @!p0 s1  }
0x84: {  	[bflag:$0x3] =	sbarrier.arrive $0xFFFF  }
0x85: {  	_ =	shalt  }

</sc_bundles>
